<compile_context>
chip_gen: v7x
topology: tpu7x:2x2x1
jax: 0.10.2.dev20260603
libtpu: 0.0.44.dev20260713+nightly
codegen_flags: <defaults>
</compile_context>

<pallas_src>
import jax
import jax.numpy as jnp
from jax import lax
from jax.experimental import pallas as pl
from jax.experimental.pallas import tpu as pltpu
from jax.experimental.pallas import tpu_sc as plsc

N = 10000
E = 320000
D = 128
NC = 2
NS = 16
NW = NC * NS
K = 128
EPW = 10240
NBLK = EPW // K
NPH = 2
PB = NBLK // NPH
NP = 10240
RPT = NP // NS
ZB = RPT // K


def _zero_rows(ref, nrows, width):
    def zrow(i, _):
        for j in range(width // 16):
            ref[i, pl.ds(j * 16, 16)] = jnp.zeros((16,), jnp.float32)
        return 0
    lax.fori_loop(0, nrows, zrow, 0)


def _sc_mesh():
    return plsc.VectorSubcoreMesh(
        core_axis_name="c", subcore_axis_name="s",
        num_cores=NC, num_subcores=NS)


def _sc_layer(with_deg, x_in, ei):
    out_type = [jax.ShapeDtypeStruct((NC, NP, D), jnp.float32)]
    scratch = [
        pltpu.VMEM((2, PB, K), jnp.int32),
        pltpu.VMEM((K, D), jnp.float32),
        pltpu.VMEM((K, D), jnp.float32),
        pltpu.VMEM_SHARED((NP, D), jnp.float32),
        pltpu.SemaphoreType.DMA,
        pltpu.SemaphoreType.DMA,
    ]
    if with_deg:
        out_type.append(jax.ShapeDtypeStruct((NC, NP), jnp.float32))
        scratch += [
            pltpu.VMEM((K,), jnp.float32),
            pltpu.VMEM((RPT,), jnp.float32),
            pltpu.VMEM_SHARED((NP,), jnp.float32),
        ]

    def body(x_hbm, ei_hbm, *rest):
        if with_deg:
            (out_hbm, deg_hbm, idx_v, bufa, bufb, acc_sp, sema, semb,
             ones_v, zer_v, deg_sp) = rest
        else:
            (out_hbm, idx_v, bufa, bufb, acc_sp, sema, semb) = rest
        cid = lax.axis_index("c")
        sid = lax.axis_index("s")
        w = cid * NS + sid

        _zero_rows(bufa, K, D)
        for k in range(ZB):
            pltpu.sync_copy(bufa, acc_sp.at[pl.ds(sid * RPT + k * K, K)])
        if with_deg:
            def zdeg(i, _):
                zer_v[pl.ds(i * 16, 16)] = jnp.zeros((16,), jnp.float32)
                return 0
            lax.fori_loop(0, RPT // 16, zdeg, 0)
            pltpu.sync_copy(zer_v, deg_sp.at[pl.ds(sid * RPT, RPT)])
            def orow(i, _):
                ones_v[pl.ds(i * 16, 16)] = jnp.ones((16,), jnp.float32)
                return 0
            lax.fori_loop(0, K // 16, orow, 0)

        def gather(jb, buf, sem):
            pltpu.async_copy(x_hbm.at[idx_v.at[0, jb]], buf, sem)

        def consume(jb, buf, sem):
            pltpu.make_async_copy(x_hbm.at[idx_v.at[0, jb]], buf, sem).wait()
            pltpu.sync_copy(buf, acc_sp.at[idx_v.at[1, jb]], add=True)
            if with_deg:
                pltpu.sync_copy(ones_v, deg_sp.at[idx_v.at[1, jb]], add=True)

        for ph in range(NPH):
            pltpu.sync_copy(ei_hbm.at[w, ph], idx_v)
            gather(0, bufa, sema)
            gather(1, bufb, semb)
            if ph == 0:
                plsc.subcore_barrier()
            def pbody(p, _):
                j0 = 2 * p
                consume(j0, bufa, sema)
                gather(j0 + 2, bufa, sema)
                consume(j0 + 1, bufb, semb)
                gather(j0 + 3, bufb, semb)
                return 0
            lax.fori_loop(0, PB // 2 - 1, pbody, 0)
            consume(PB - 2, bufa, sema)
            consume(PB - 1, bufb, semb)

        plsc.subcore_barrier()
        pltpu.sync_copy(acc_sp.at[pl.ds(sid * RPT, RPT)],
                        out_hbm.at[cid, pl.ds(sid * RPT, RPT)])
        if with_deg:
            pltpu.sync_copy(deg_sp.at[pl.ds(sid * RPT, RPT)],
                            deg_hbm.at[cid, pl.ds(sid * RPT, RPT)])

    return pl.kernel(body, out_type=tuple(out_type), mesh=_sc_mesh(),
                     scratch_types=tuple(scratch))(x_in, ei)


def _tc_body(p_ref, deg2_ref, x_ref, w_ref, b_ref, o_ref):
    p = p_ref[0] + p_ref[1]
    deg = deg2_ref[:, 0] + deg2_ref[:, 1]
    g = p - deg[:, None] * x_ref[...]
    h = lax.dot_general(g, w_ref[...], (((1,), (1,)), ((), ())),
                        preferred_element_type=jnp.float32,
                        precision=lax.Precision.HIGHEST)
    o_ref[...] = h + deg[:, None] * b_ref[...]


def _tc_layer(P, DEG, xin, W, b, nrows, br):
    return pl.pallas_call(
        _tc_body,
        grid=(nrows // br,),
        in_specs=[
            pl.BlockSpec((NC, br, D), lambda i: (0, i, 0)),
            pl.BlockSpec((br, NC), lambda i: (i, 0)),
            pl.BlockSpec((br, D), lambda i: (i, 0)),
            pl.BlockSpec((D, D), lambda i: (0, 0)),
            pl.BlockSpec((1, D), lambda i: (0, 0)),
        ],
        out_specs=pl.BlockSpec((br, D), lambda i: (i, 0)),
        out_shape=jax.ShapeDtypeStruct((nrows, D), jnp.float32),
    )(P, DEG, xin, W, b.reshape(1, D))


def kernel(x, edge_index, edge_index_inter, W1, b1, W2, b2, W3, b3):
    src = edge_index[0].astype(jnp.int32)
    dst = edge_index[1].astype(jnp.int32)
    pad_n = NW * EPW - E
    fill = jnp.arange(pad_n, dtype=jnp.int32) % (NP - N)
    src_p = jnp.concatenate([src, fill])
    dst_p = jnp.concatenate([dst, N + fill])
    ei = jnp.stack([src_p.reshape(NW, NPH, PB, K),
                    dst_p.reshape(NW, NPH, PB, K)], axis=2)

    P1, DEG = _sc_layer(True, x, ei)
    DEG = DEG.T
    h1 = _tc_layer(P1, DEG, x, W1, b1, N, 2000)
    P2, = _sc_layer(False, h1, ei)
    h2 = _tc_layer(P2, DEG, h1, W2, b2, N, 2000)
    P3, = _sc_layer(False, h2, ei)
    return _tc_layer(P3, DEG, h2, W3, b3, N, 2000)

# --- scband reference (transcript-rebuilt; emitter-appended) ---
"""Pipeline reference for scband-gnn-22960895165048 (READ-ONLY COPY).

The authoritative reference and input builder live on the scoring server;
editing this copy changes nothing except your own understanding.
"""

import jax, jax.numpy as jnp
import numpy as np

N = 10000
E = 320000
D = 128


def setup_inputs(seed: int = 0) -> dict:
    key = jax.random.key(seed)
    ks = jax.random.split(key, 10)
    x = jax.random.normal(ks[0], (N, D), dtype=jnp.float32)
    edge_index = jax.random.randint(ks[1], (2, E), 0, N)
    edge_index_inter = jax.random.randint(ks[2], (2, E), 0, N)
    # Linear weights per layer (PyTorch nn.Linear: out = x @ W.T + b), kaiming-uniform-ish init
    bound = 1.0 / np.sqrt(D)
    W1 = jax.random.uniform(ks[3], (D, D), dtype=jnp.float32, minval=-bound, maxval=bound)
    b1 = jax.random.uniform(ks[4], (D,), dtype=jnp.float32, minval=-bound, maxval=bound)
    W2 = jax.random.uniform(ks[5], (D, D), dtype=jnp.float32, minval=-bound, maxval=bound)
    b2 = jax.random.uniform(ks[6], (D,), dtype=jnp.float32, minval=-bound, maxval=bound)
    W3 = jax.random.uniform(ks[7], (D, D), dtype=jnp.float32, minval=-bound, maxval=bound)
    b3 = jax.random.uniform(ks[8], (D,), dtype=jnp.float32, minval=-bound, maxval=bound)
    return {"x": x, "edge_index": edge_index, "edge_index_inter": edge_index_inter,
            "W1": W1, "b1": b1, "W2": W2, "b2": b2, "W3": W3, "b3": b3}


def _gnn_layer(x, W, b, src, dst):
    # PyG MessagePassing(aggr='add'): x_j = x[src] (edge_index[0]), x_i = x[dst] (edge_index[1])
    # message = Linear(x_j - x_i); aggregate = scatter-add at dst with dim_size N
    msg = (x[src] - x[dst]) @ W.T + b
    return jax.ops.segment_sum(msg, dst, num_segments=x.shape[0])


def reference(x, edge_index, edge_index_inter, W1, b1, W2, b2, W3, b3):
    src = edge_index[0]
    dst = edge_index[1]
    # edge_index_inter is passed through propagate but unused in message/aggregate
    h = _gnn_layer(x, W1, b1, src, dst)
    h = _gnn_layer(h, W2, b2, src, dst)
    h = _gnn_layer(h, W3, b3, src, dst)
    return h

if __name__ == "__main__":
    import jax
    _d = setup_inputs()
    print(jax.jit(kernel)(*tuple(_d.values())))

</pallas_src>

<mosaic_0001>
#map = affine_map<(d0, d1) -> (0, 0)>
#map1 = affine_map<(d0, d1) -> (0, 0, 0, 0, 0)>
#map2 = affine_map<(d0, d1) -> (0, 0, 0)>
module attributes {stable_mosaic.version = 14 : i64} {
  func.func @body(%arg0: i32, %arg1: i32, %arg2: memref<10000x128xf32, #tpu.memory_space<hbm>>, %arg3: memref<32x2x2x40x128xi32, #tpu.memory_space<hbm>>, %arg4: memref<2x10240x128xf32, #tpu.memory_space<hbm>>, %arg5: memref<2x40x128xi32, #tpu.memory_space<vmem>>, %arg6: memref<128x128xf32, #tpu.memory_space<vmem>>, %arg7: memref<128x128xf32, #tpu.memory_space<vmem>>, %arg8: memref<10240x128xf32, #tpu.memory_space<vmem_shared>>, %arg9: memref<!tpu.dma_semaphore, #tpu.memory_space<semaphore_mem>>, %arg10: memref<!tpu.dma_semaphore, #tpu.memory_space<semaphore_mem>>) attributes {dimension_semantics = [#tpu.dimension_semantics<core_parallel>, #tpu.dimension_semantics<subcore_parallel>], iteration_bounds = array<i64: 2, 16>, scalar_prefetch = 0 : i64, scratch_operands = 6 : i64, tpu.core_type = #tpu.core_type<sc_vector_subcore>, window_params = [{transform_indices = #map}, {transform_indices = #map1}, {transform_indices = #map2}]} {
    %mul3A = arith.constant 16 : i32
    %mul3A_0 = arith.muli %arg0, %mul3A : i32
    %add3A = arith.addi %mul3A_0, %arg1 : i32
    %scan3A = arith.constant 0 : i32
    %scan3A_1 = arith.constant 0 : i32
    %scan3A_2 = arith.constant 128 : i32
    %scan3A_3 = arith.addi %scan3A_1, %scan3A_2 : i32
    %scan3A_4 = arith.constant 1 : i32
    %scan3A_5 = scf.for %scan3A_117 = %scan3A_1 to %scan3A_3 step %scan3A_4 iter_args(%scan3A_118 = %scan3A) -> (i32)  : i32 {
      %broadcast_in_dim3A = arith.constant 0.000000e+00 : f32
      %broadcast_in_dim3A_119 = vector.broadcast %broadcast_in_dim3A : f32 to vector<16xf32>
      %swap3A = arith.index_cast %scan3A_117 : i32 to index
      %swap3A_120 = arith.constant 0 : index
      %swap3A_121 = tpu.vector_load %arg6[%swap3A, %swap3A_120] {strides = array<i32>} : memref<128x128xf32, #tpu.memory_space<vmem>>, vector<1x16xf32>,
      %swap3A_122 = vector.shape_cast %swap3A_121 : vector<1x16xf32> to vector<16xf32>
      %swap3A_123 = vector.shape_cast %broadcast_in_dim3A_119 : vector<16xf32> to vector<1x16xf32>
      tpu.vector_store %arg6[%swap3A, %swap3A_120], %swap3A_123 {strides = array<i32>} : memref<128x128xf32, #tpu.memory_space<vmem>>, vector<1x16xf32>,
      %broadcast_in_dim3A_124 = arith.constant 0.000000e+00 : f32
      %broadcast_in_dim3A_125 = vector.broadcast %broadcast_in_dim3A_124 : f32 to vector<16xf32>
      %swap3A_126 = arith.index_cast %scan3A_117 : i32 to index
      %swap3A_127 = arith.constant 16 : index
      %swap3A_128 = tpu.vector_load %arg6[%swap3A_126, %swap3A_127] {strides = array<i32>} : memref<128x128xf32, #tpu.memory_space<vmem>>, vector<1x16xf32>,
      %swap3A_129 = vector.shape_cast %swap3A_128 : vector<1x16xf32> to vector<16xf32>
      %swap3A_130 = vector.shape_cast %broadcast_in_dim3A_125 : vector<16xf32> to vector<1x16xf32>
      tpu.vector_store %arg6[%swap3A_126, %swap3A_127], %swap3A_130 {strides = array<i32>} : memref<128x128xf32, #tpu.memory_space<vmem>>, vector<1x16xf32>,
      %broadcast_in_dim3A_131 = arith.constant 0.000000e+00 : f32
      %broadcast_in_dim3A_132 = vector.broadcast %broadcast_in_dim3A_131 : f32 to vector<16xf32>
      %swap3A_133 = arith.index_cast %scan3A_117 : i32 to index
      %swap3A_134 = arith.constant 32 : index
      %swap3A_135 = tpu.vector_load %arg6[%swap3A_133, %swap3A_134] {strides = array<i32>} : memref<128x128xf32, #tpu.memory_space<vmem>>, vector<1x16xf32>,
      %swap3A_136 = vector.shape_cast %swap3A_135 : vector<1x16xf32> to vector<16xf32>
      %swap3A_137 = vector.shape_cast %broadcast_in_dim3A_132 : vector<16xf32> to vector<1x16xf32>
      tpu.vector_store %arg6[%swap3A_133, %swap3A_134], %swap3A_137 {strides = array<i32>} : memref<128x128xf32, #tpu.memory_space<vmem>>, vector<1x16xf32>,
      %broadcast_in_dim3A_138 = arith.constant 0.000000e+00 : f32
      %broadcast_in_dim3A_139 = vector.broadcast %broadcast_in_dim3A_138 : f32 to vector<16xf32>
      %swap3A_140 = arith.index_cast %scan3A_117 : i32 to index
      %swap3A_141 = arith.constant 48 : index
      %swap3A_142 = tpu.vector_load %arg6[%swap3A_140, %swap3A_141] {strides = array<i32>} : memref<128x128xf32, #tpu.memory_space<vmem>>, vector<1x16xf32>,
      %swap3A_143 = vector.shape_cast %swap3A_142 : vector<1x16xf32> to vector<16xf32>
      %swap3A_144 = vector.shape_cast %broadcast_in_dim3A_139 : vector<16xf32> to vector<1x16xf32>
      tpu.vector_store %arg6[%swap3A_140, %swap3A_141], %swap3A_144 {strides = array<i32>} : memref<128x128xf32, #tpu.memory_space<vmem>>, vector<1x16xf32>,
      %broadcast_in_dim3A_145 = arith.constant 0.000000e+00 : f32
      %broadcast_in_dim3A_146 = vector.broadcast %broadcast_in_dim3A_145 : f32 to vector<16xf32>
      %swap3A_147 = arith.index_cast %scan3A_117 : i32 to index
      %swap3A_148 = arith.constant 64 : index
      %swap3A_149 = tpu.vector_load %arg6[%swap3A_147, %swap3A_148] {strides = array<i32>} : memref<128x128xf32, #tpu.memory_space<vmem>>, vector<1x16xf32>,
      %swap3A_150 = vector.shape_cast %swap3A_149 : vector<1x16xf32> to vector<16xf32>
      %swap3A_151 = vector.shape_cast %broadcast_in_dim3A_146 : vector<16xf32> to vector<1x16xf32>
      tpu.vector_store %arg6[%swap3A_147, %swap3A_148], %swap3A_151 {strides = array<i32>} : memref<128x128xf32, #tpu.memory_space<vmem>>, vector<1x16xf32>,
      %broadcast_in_dim3A_152 = arith.constant 0.000000e+00 : f32
      %broadcast_in_dim3A_153 = vector.broadcast %broadcast_in_dim3A_152 : f32 to vector<16xf32>
      %swap3A_154 = arith.index_cast %scan3A_117 : i32 to index
      %swap3A_155 = arith.constant 80 : index
      %swap3A_156 = tpu.vector_load %arg6[%swap3A_154, %swap3A_155] {strides = array<i32>} : memref<128x128xf32, #tpu.memory_space<vmem>>, vector<1x16xf32>,
      %swap3A_157 = vector.shape_cast %swap3A_156 : vector<1x16xf32> to vector<16xf32>
      %swap3A_158 = vector.shape_cast %broadcast_in_dim3A_153 : vector<16xf32> to vector<1x16xf32>
      tpu.vector_store %arg6[%swap3A_154, %swap3A_155], %swap3A_158 {strides = array<i32>} : memref<128x128xf32, #tpu.memory_space<vmem>>, vector<1x16xf32>,
      %broadcast_in_dim3A_159 = arith.constant 0.000000e+00 : f32
      %broadcast_in_dim3A_160 = vector.broadcast %broadcast_in_dim3A_159 : f32 to vector<16xf32>
      %swap3A_161 = arith.index_cast %scan3A_117 : i32 to index
      %swap3A_162 = arith.constant 96 : index
      %swap3A_163 = tpu.vector_load %arg6[%swap3A_161, %swap3A_162] {strides = array<i32>} : memref<128x128xf32, #tpu.memory_space<vmem>>, vector<1x16xf32>,
      %swap3A_164 = vector.shape_cast %swap3A_163 : vector<1x16xf32> to vector<16xf32>
      %swap3A_165 = vector.shape_cast %broadcast_in_dim3A_160 : vector<16xf32> to vector<1x16xf32>
      tpu.vector_store %arg6[%swap3A_161, %swap3A_162], %swap3A_165 {strides = array<i32>} : memref<128x128xf32, #tpu.memory_space<vmem>>, vector<1x16xf32>,
      %broadcast_in_dim3A_166 = arith.constant 0.000000e+00 : f32
      %broadcast_in_dim3A_167 = vector.broadcast %broadcast_in_dim3A_166 : f32 to vector<16xf32>
      %swap3A_168 = arith.index_cast %scan3A_117 : i32 to index
      %swap3A_169 = arith.constant 112 : index
      %swap3A_170 = tpu.vector_load %arg6[%swap3A_168, %swap3A_169] {strides = array<i32>} : memref<128x128xf32, #tpu.memory_space<vmem>>, vector<1x16xf32>,
      %swap3A_171 = vector.shape_cast %swap3A_170 : vector<1x16xf32> to vector<16xf32>
      %swap3A_172 = vector.shape_cast %broadcast_in_dim3A_167 : vector<16xf32> to vector<1x16xf32>
      tpu.vector_store %arg6[%swap3A_168, %swap3A_169], %swap3A_172 {strides = array<i32>} : memref<128x128xf32, #tpu.memory_space<vmem>>, vector<1x16xf32>,
      %scan3A_173 = arith.constant 0 : i32
      scf.yield %scan3A_173 : i32
    }
    %scan3A_6 = arith.constant 128 : i32
    %mul3A_7 = arith.constant 640 : i32
    %mul3A_8 = arith.muli %arg1, %mul3A_7 : i32
    %add3A_9 = arith.constant 0 : i32
    %add3A_10 = arith.addi %mul3A_8, %add3A_9 : i32
    "tpu.region"() ({
      %run_scoped3A_117 = tpu.sem_alloc : memref<!tpu.dma_semaphore, #tpu.memory_space<semaphore_mem>>
      %dma_start3A_118 = arith.constant 0 : i32
      %dma_start3A_119 = tpu.memref_slice %arg8[%add3A_10, %dma_start3A_118] : memref<10240x128xf32, #tpu.memory_space<vmem_shared>> -> memref<128x128xf32, #tpu.memory_space<vmem_shared>>
      %dma_start3A_120 = arith.constant 0 : i32
      %dma_start3A_121 = tpu.memref_slice %arg8[%add3A_10, %dma_start3A_120] : memref<10240x128xf32, #tpu.memory_space<vmem_shared>> -> memref<128x128xf32, #tpu.memory_space<vmem_shared>>
      tpu.enqueue_dma source(%arg6 : memref<128x128xf32, #tpu.memory_space<vmem>>) target(%dma_start3A_121 : memref<128x128xf32, #tpu.memory_space<vmem_shared>>) target_semaphore(%run_scoped3A_117 : memref<!tpu.dma_semaphore, #tpu.memory_space<semaphore_mem>>)
      %dma_wait3A_122 = arith.constant 0 : i32
      %dma_wait3A_123 = tpu.memref_slice %arg8[%add3A_10, %dma_wait3A_122] : memref<10240x128xf32, #tpu.memory_space<vmem_shared>> -> memref<128x128xf32, #tpu.memory_space<vmem_shared>>
      %dma_wait3A_124 = arith.constant 0 : i32
      %dma_wait3A_125 = tpu.memref_slice %arg8[%add3A_10, %dma_wait3A_124] : memref<10240x128xf32, #tpu.memory_space<vmem_shared>> -> memref<128x128xf32, #tpu.memory_space<vmem_shared>>
      tpu.wait_dma2 semaphore(%run_scoped3A_117 : memref<!tpu.dma_semaphore, #tpu.memory_space<semaphore_mem>>) src(%arg6 : memref<128x128xf32, #tpu.memory_space<vmem>>) dst(%dma_wait3A_125 : memref<128x128xf32, #tpu.memory_space<vmem_shared>>)
      tpu.yield
    }) : () -> ()
    %mul3A_11 = arith.constant 640 : i32
    %mul3A_12 = arith.muli %arg1, %mul3A_11 : i32
    %add3A_13 = arith.constant 128 : i32
    %add3A_14 = arith.addi %mul3A_12, %add3A_13 : i32
    "tpu.region"() ({
      %run_scoped3A_117 = tpu.sem_alloc : memref<!tpu.dma_semaphore, #tpu.memory_space<semaphore_mem>>
      %dma_start3A_118 = arith.constant 0 : i32
      %dma_start3A_119 = tpu.memref_slice %arg8[%add3A_14, %dma_start3A_118] : memref<10240x128xf32, #tpu.memory_space<vmem_shared>> -> memref<128x128xf32, #tpu.memory_space<vmem_shared>>
      %dma_start3A_120 = arith.constant 0 : i32
      %dma_start3A_121 = tpu.memref_slice %arg8[%add3A_14, %dma_start3A_120] : memref<10240x128xf32, #tpu.memory_space<vmem_shared>> -> memref<128x128xf32, #tpu.memory_space<vmem_shared>>
      tpu.enqueue_dma source(%arg6 : memref<128x128xf32, #tpu.memory_space<vmem>>) target(%dma_start3A_121 : memref<128x128xf32, #tpu.memory_space<vmem_shared>>) target_semaphore(%run_scoped3A_117 : memref<!tpu.dma_semaphore, #tpu.memory_space<semaphore_mem>>)
      %dma_wait3A_122 = arith.constant 0 : i32
      %dma_wait3A_123 = tpu.memref_slice %arg8[%add3A_14, %dma_wait3A_122] : memref<10240x128xf32, #tpu.memory_space<vmem_shared>> -> memref<128x128xf32, #tpu.memory_space<vmem_shared>>
      %dma_wait3A_124 = arith.constant 0 : i32
      %dma_wait3A_125 = tpu.memref_slice %arg8[%add3A_14, %dma_wait3A_124] : memref<10240x128xf32, #tpu.memory_space<vmem_shared>> -> memref<128x128xf32, #tpu.memory_space<vmem_shared>>
      tpu.wait_dma2 semaphore(%run_scoped3A_117 : memref<!tpu.dma_semaphore, #tpu.memory_space<semaphore_mem>>) src(%arg6 : memref<128x128xf32, #tpu.memory_space<vmem>>) dst(%dma_wait3A_125 : memref<128x128xf32, #tpu.memory_space<vmem_shared>>)
      tpu.yield
    }) : () -> ()
    %mul3A_15 = arith.constant 640 : i32
    %mul3A_16 = arith.muli %arg1, %mul3A_15 : i32
    %add3A_17 = arith.constant 256 : i32
    %add3A_18 = arith.addi %mul3A_16, %add3A_17 : i32
    "tpu.region"() ({
      %run_scoped3A_117 = tpu.sem_alloc : memref<!tpu.dma_semaphore, #tpu.memory_space<semaphore_mem>>
      %dma_start3A_118 = arith.constant 0 : i32
      %dma_start3A_119 = tpu.memref_slice %arg8[%add3A_18, %dma_start3A_118] : memref<10240x128xf32, #tpu.memory_space<vmem_shared>> -> memref<128x128xf32, #tpu.memory_space<vmem_shared>>
      %dma_start3A_120 = arith.constant 0 : i32
      %dma_start3A_121 = tpu.memref_slice %arg8[%add3A_18, %dma_start3A_120] : memref<10240x128xf32, #tpu.memory_space<vmem_shared>> -> memref<128x128xf32, #tpu.memory_space<vmem_shared>>
      tpu.enqueue_dma source(%arg6 : memref<128x128xf32, #tpu.memory_space<vmem>>) target(%dma_start3A_121 : memref<128x128xf32, #tpu.memory_space<vmem_shared>>) target_semaphore(%run_scoped3A_117 : memref<!tpu.dma_semaphore, #tpu.memory_space<semaphore_mem>>)
      %dma_wait3A_122 = arith.constant 0 : i32
      %dma_wait3A_123 = tpu.memref_slice %arg8[%add3A_18, %dma_wait3A_122] : memref<10240x128xf32, #tpu.memory_space<vmem_shared>> -> memref<128x128xf32, #tpu.memory_space<vmem_shared>>
      %dma_wait3A_124 = arith.constant 0 : i32
      %dma_wait3A_125 = tpu.memref_slice %arg8[%add3A_18, %dma_wait3A_124] : memref<10240x128xf32, #tpu.memory_space<vmem_shared>> -> memref<128x128xf32, #tpu.memory_space<vmem_shared>>
      tpu.wait_dma2 semaphore(%run_scoped3A_117 : memref<!tpu.dma_semaphore, #tpu.memory_space<semaphore_mem>>) src(%arg6 : memref<128x128xf32, #tpu.memory_space<vmem>>) dst(%dma_wait3A_125 : memref<128x128xf32, #tpu.memory_space<vmem_shared>>)
      tpu.yield
    }) : () -> ()
    %mul3A_19 = arith.constant 640 : i32
    %mul3A_20 = arith.muli %arg1, %mul3A_19 : i32
    %add3A_21 = arith.constant 384 : i32
    %add3A_22 = arith.addi %mul3A_20, %add3A_21 : i32
    "tpu.region"() ({
      %run_scoped3A_117 = tpu.sem_alloc : memref<!tpu.dma_semaphore, #tpu.memory_space<semaphore_mem>>
      %dma_start3A_118 = arith.constant 0 : i32
      %dma_start3A_119 = tpu.memref_slice %arg8[%add3A_22, %dma_start3A_118] : memref<10240x128xf32, #tpu.memory_space<vmem_shared>> -> memref<128x128xf32, #tpu.memory_space<vmem_shared>>
      %dma_start3A_120 = arith.constant 0 : i32
      %dma_start3A_121 = tpu.memref_slice %arg8[%add3A_22, %dma_start3A_120] : memref<10240x128xf32, #tpu.memory_space<vmem_shared>> -> memref<128x128xf32, #tpu.memory_space<vmem_shared>>
      tpu.enqueue_dma source(%arg6 : memref<128x128xf32, #tpu.memory_space<vmem>>) target(%dma_start3A_121 : memref<128x128xf32, #tpu.memory_space<vmem_shared>>) target_semaphore(%run_scoped3A_117 : memref<!tpu.dma_semaphore, #tpu.memory_space<semaphore_mem>>)
      %dma_wait3A_122 = arith.constant 0 : i32
      %dma_wait3A_123 = tpu.memref_slice %arg8[%add3A_22, %dma_wait3A_122] : memref<10240x128xf32, #tpu.memory_space<vmem_shared>> -> memref<128x128xf32, #tpu.memory_space<vmem_shared>>
      %dma_wait3A_124 = arith.constant 0 : i32
      %dma_wait3A_125 = tpu.memref_slice %arg8[%add3A_22, %dma_wait3A_124] : memref<10240x128xf32, #tpu.memory_space<vmem_shared>> -> memref<128x128xf32, #tpu.memory_space<vmem_shared>>
      tpu.wait_dma2 semaphore(%run_scoped3A_117 : memref<!tpu.dma_semaphore, #tpu.memory_space<semaphore_mem>>) src(%arg6 : memref<128x128xf32, #tpu.memory_space<vmem>>) dst(%dma_wait3A_125 : memref<128x128xf32, #tpu.memory_space<vmem_shared>>)
      tpu.yield
    }) : () -> ()
    %mul3A_23 = arith.constant 640 : i32
    %mul3A_24 = arith.muli %arg1, %mul3A_23 : i32
    %add3A_25 = arith.constant 512 : i32
    %add3A_26 = arith.addi %mul3A_24, %add3A_25 : i32
    "tpu.region"() ({
      %run_scoped3A_117 = tpu.sem_alloc : memref<!tpu.dma_semaphore, #tpu.memory_space<semaphore_mem>>
      %dma_start3A_118 = arith.constant 0 : i32
      %dma_start3A_119 = tpu.memref_slice %arg8[%add3A_26, %dma_start3A_118] : memref<10240x128xf32, #tpu.memory_space<vmem_shared>> -> memref<128x128xf32, #tpu.memory_space<vmem_shared>>
      %dma_start3A_120 = arith.constant 0 : i32
      %dma_start3A_121 = tpu.memref_slice %arg8[%add3A_26, %dma_start3A_120] : memref<10240x128xf32, #tpu.memory_space<vmem_shared>> -> memref<128x128xf32, #tpu.memory_space<vmem_shared>>
      tpu.enqueue_dma source(%arg6 : memref<128x128xf32, #tpu.memory_space<vmem>>) target(%dma_start3A_121 : memref<128x128xf32, #tpu.memory_space<vmem_shared>>) target_semaphore(%run_scoped3A_117 : memref<!tpu.dma_semaphore, #tpu.memory_space<semaphore_mem>>)
      %dma_wait3A_122 = arith.constant 0 : i32
      %dma_wait3A_123 = tpu.memref_slice %arg8[%add3A_26, %dma_wait3A_122] : memref<10240x128xf32, #tpu.memory_space<vmem_shared>> -> memref<128x128xf32, #tpu.memory_space<vmem_shared>>
      %dma_wait3A_124 = arith.constant 0 : i32
      %dma_wait3A_125 = tpu.memref_slice %arg8[%add3A_26, %dma_wait3A_124] : memref<10240x128xf32, #tpu.memory_space<vmem_shared>> -> memref<128x128xf32, #tpu.memory_space<vmem_shared>>
      tpu.wait_dma2 semaphore(%run_scoped3A_117 : memref<!tpu.dma_semaphore, #tpu.memory_space<semaphore_mem>>) src(%arg6 : memref<128x128xf32, #tpu.memory_space<vmem>>) dst(%dma_wait3A_125 : memref<128x128xf32, #tpu.memory_space<vmem_shared>>)
      tpu.yield
    }) : () -> ()
    %run_scoped3A = arith.constant 0 : i32
    "tpu.region"() ({
      %run_scoped3A_117 = tpu.sem_alloc : memref<!tpu.dma_semaphore, #tpu.memory_space<semaphore_mem>>
      %dma_start3A_118 = arith.constant 0 : i32
      %dma_start3A_119 = arith.constant 0 : i32
      %dma_start3A_120 = arith.constant 0 : i32
      %dma_start3A_121 = tpu.memref_slice %arg3[%add3A, %run_scoped3A, %dma_start3A_118, %dma_start3A_119, %dma_start3A_120] : memref<32x2x2x40x128xi32, #tpu.memory_space<hbm>> -> memref<1x1x2x40x128xi32, #tpu.memory_space<hbm>>
      %dma_start3A_122 = tpu.memref_squeeze %dma_start3A_121 : memref<1x1x2x40x128xi32, #tpu.memory_space<hbm>> -> memref<2x40x128xi32, #tpu.memory_space<hbm>>
      %dma_start3A_123 = arith.constant 0 : i32
      %dma_start3A_124 = arith.constant 0 : i32
      %dma_start3A_125 = arith.constant 0 : i32
      %dma_start3A_126 = tpu.memref_slice %arg3[%add3A, %run_scoped3A, %dma_start3A_123, %dma_start3A_124, %dma_start3A_125] : memref<32x2x2x40x128xi32, #tpu.memory_space<hbm>> -> memref<1x1x2x40x128xi32, #tpu.memory_space<hbm>>
      %dma_start3A_127 = tpu.memref_squeeze %dma_start3A_126 : memref<1x1x2x40x128xi32, #tpu.memory_space<hbm>> -> memref<2x40x128xi32, #tpu.memory_space<hbm>>
      tpu.enqueue_dma source(%dma_start3A_127 : memref<2x40x128xi32, #tpu.memory_space<hbm>>) target(%arg5 : memref<2x40x128xi32, #tpu.memory_space<vmem>>) target_semaphore(%run_scoped3A_117 : memref<!tpu.dma_semaphore, #tpu.memory_space<semaphore_mem>>)
      %dma_wait3A_128 = arith.constant 0 : i32
      %dma_wait3A_129 = arith.constant 0 : i32
      %dma_wait3A_130 = arith.constant 0 : i32
      %dma_wait3A_131 = tpu.memref_slice %arg3[%add3A, %run_scoped3A, %dma_wait3A_128, %dma_wait3A_129, %dma_wait3A_130] : memref<32x2x2x40x128xi32, #tpu.memory_space<hbm>> -> memref<1x1x2x40x128xi32, #tpu.memory_space<hbm>>
      %dma_wait3A_132 = tpu.memref_squeeze %dma_wait3A_131 : memref<1x1x2x40x128xi32, #tpu.memory_space<hbm>> -> memref<2x40x128xi32, #tpu.memory_space<hbm>>
      %dma_wait3A_133 = arith.constant 0 : i32
      %dma_wait3A_134 = arith.constant 0 : i32
      %dma_wait3A_135 = arith.constant 0 : i32
      %dma_wait3A_136 = tpu.memref_slice %arg3[%add3A, %run_scoped3A, %dma_wait3A_133, %dma_wait3A_134, %dma_wait3A_135] : memref<32x2x2x40x128xi32, #tpu.memory_space<hbm>> -> memref<1x1x2x40x128xi32, #tpu.memory_space<hbm>>
      %dma_wait3A_137 = tpu.memref_squeeze %dma_wait3A_136 : memref<1x1x2x40x128xi32, #tpu.memory_space<hbm>> -> memref<2x40x128xi32, #tpu.memory_space<hbm>>
      tpu.wait_dma2 semaphore(%run_scoped3A_117 : memref<!tpu.dma_semaphore, #tpu.memory_space<semaphore_mem>>) src(%dma_wait3A_137 : memref<2x40x128xi32, #tpu.memory_space<hbm>>) dst(%arg5 : memref<2x40x128xi32, #tpu.memory_space<vmem>>)
      tpu.yield
    }) : () -> ()
    %dma_start3A = arith.constant 0 : i32
    %dma_start3A_27 = arith.constant 0 : i32
    %dma_start3A_28 = arith.constant 0 : i32
    %dma_start3A_29 = tpu.memref_slice %arg5[%dma_start3A, %dma_start3A_27, %dma_start3A_28] : memref<2x40x128xi32, #tpu.memory_space<vmem>> -> memref<1x1x128xi32, #tpu.memory_space<vmem>>
    %dma_start3A_30 = tpu.memref_squeeze %dma_start3A_29 : memref<1x1x128xi32, #tpu.memory_space<vmem>> -> memref<128xi32, #tpu.memory_space<vmem>>
    %dma_start3A_31 = arith.constant 0 : i32
    %dma_start3A_32 = arith.constant 0 : i32
    %dma_start3A_33 = tpu.memref_slice %arg2[%dma_start3A_31, %dma_start3A_32] : memref<10000x128xf32, #tpu.memory_space<hbm>> -> memref<10000x128xf32, #tpu.memory_space<hbm>>
    tpu.enqueue_indirect_dma source(%dma_start3A_33 : memref<10000x128xf32, #tpu.memory_space<hbm>>) target(%arg6 : memref<128x128xf32, #tpu.memory_space<vmem>>) offsets(%dma_start3A_30 : memref<128xi32, #tpu.memory_space<vmem>>) semaphore(%arg9 : memref<!tpu.dma_semaphore, #tpu.memory_space<semaphore_mem>>)
    %dma_start3A_34 = arith.constant 0 : i32
    %dma_start3A_35 = arith.constant 1 : i32
    %dma_start3A_36 = arith.constant 0 : i32
    %dma_start3A_37 = tpu.memref_slice %arg5[%dma_start3A_34, %dma_start3A_35, %dma_start3A_36] : memref<2x40x128xi32, #tpu.memory_space<vmem>> -> memref<1x1x128xi32, #tpu.memory_space<vmem>>
    %dma_start3A_38 = tpu.memref_squeeze %dma_start3A_37 : memref<1x1x128xi32, #tpu.memory_space<vmem>> -> memref<128xi32, #tpu.memory_space<vmem>>
    %dma_start3A_39 = arith.constant 0 : i32
    %dma_start3A_40 = arith.constant 0 : i32
    %dma_start3A_41 = tpu.memref_slice %arg2[%dma_start3A_39, %dma_start3A_40] : memref<10000x128xf32, #tpu.memory_space<hbm>> -> memref<10000x128xf32, #tpu.memory_space<hbm>>
    tpu.enqueue_indirect_dma source(%dma_start3A_41 : memref<10000x128xf32, #tpu.memory_space<hbm>>) target(%arg7 : memref<128x128xf32, #tpu.memory_space<vmem>>) offsets(%dma_start3A_38 : memref<128xi32, #tpu.memory_space<vmem>>) semaphore(%arg10 : memref<!tpu.dma_semaphore, #tpu.memory_space<semaphore_mem>>)
    %barrier3A = arith.constant 0 : index
    tpu.barrier barrier_id(%barrier3A)
    %scan3A_42 = arith.constant 0 : i32
    %scan3A_43 = arith.constant 0 : i32
    %scan3A_44 = arith.constant 19 : i32
    %scan3A_45 = arith.addi %scan3A_43, %scan3A_44 : i32
    %scan3A_46 = arith.constant 1 : i32
    %scan3A_47 = scf.for %scan3A_117 = %scan3A_43 to %scan3A_45 step %scan3A_46 iter_args(%scan3A_118 = %scan3A_42) -> (i32)  : i32 {
      %mul3A_119 = arith.constant 2 : i32
      %mul3A_120 = arith.muli %mul3A_119, %scan3A_117 : i32
      %dma_wait3A_121 = arith.constant 0 : i32
      %dma_wait3A_122 = arith.constant 0 : i32
      %dma_wait3A_123 = tpu.memref_slice %arg5[%dma_wait3A_121, %mul3A_120, %dma_wait3A_122] : memref<2x40x128xi32, #tpu.memory_space<vmem>> -> memref<1x1x128xi32, #tpu.memory_space<vmem>>
      %dma_wait3A_124 = tpu.memref_squeeze %dma_wait3A_123 : memref<1x1x128xi32, #tpu.memory_space<vmem>> -> memref<128xi32, #tpu.memory_space<vmem>>
      %dma_wait3A_125 = arith.constant 0 : i32
      %dma_wait3A_126 = arith.constant 0 : i32
      %dma_wait3A_127 = tpu.memref_slice %arg2[%dma_wait3A_125, %dma_wait3A_126] : memref<10000x128xf32, #tpu.memory_space<hbm>> -> memref<10000x128xf32, #tpu.memory_space<hbm>>
      tpu.wait_indirect_dma semaphore(%arg9 : memref<!tpu.dma_semaphore, #tpu.memory_space<semaphore_mem>>) src(%dma_wait3A_127 : memref<10000x128xf32, #tpu.memory_space<hbm>>) dst(%arg6 : memref<128x128xf32, #tpu.memory_space<vmem>>)
      %run_scoped3A_128 = arith.constant 1 : i32
      "tpu.region"() ({
        %run_scoped3A_158 = tpu.sem_alloc : memref<!tpu.dma_semaphore, #tpu.memory_space<semaphore_mem>>
        %dma_start3A_159 = arith.constant 0 : i32
        %dma_start3A_160 = tpu.memref_slice %arg5[%run_scoped3A_128, %mul3A_120, %dma_start3A_159] : memref<2x40x128xi32, #tpu.memory_space<vmem>> -> memref<1x1x128xi32, #tpu.memory_space<vmem>>
        %dma_start3A_161 = tpu.memref_squeeze %dma_start3A_160 : memref<1x1x128xi32, #tpu.memory_space<vmem>> -> memref<128xi32, #tpu.memory_space<vmem>>
        %dma_start3A_162 = arith.constant 0 : i32
        %dma_start3A_163 = arith.constant 0 : i32
        %dma_start3A_164 = tpu.memref_slice %arg8[%dma_start3A_162, %dma_start3A_163] : memref<10240x128xf32, #tpu.memory_space<vmem_shared>> -> memref<10240x128xf32, #tpu.memory_space<vmem_shared>>
        tpu.enqueue_indirect_dma source(%arg6 : memref<128x128xf32, #tpu.memory_space<vmem>>) target(%dma_start3A_164 : memref<10240x128xf32, #tpu.memory_space<vmem_shared>>) offsets(%dma_start3A_161 : memref<128xi32, #tpu.memory_space<vmem>>) semaphore(%run_scoped3A_158 : memref<!tpu.dma_semaphore, #tpu.memory_space<semaphore_mem>>) {add = true}
        %dma_wait3A_165 = arith.constant 0 : i32
        %dma_wait3A_166 = tpu.memref_slice %arg5[%run_scoped3A_128, %mul3A_120, %dma_wait3A_165] : memref<2x40x128xi32, #tpu.memory_space<vmem>> -> memref<1x1x128xi32, #tpu.memory_space<vmem>>
        %dma_wait3A_167 = tpu.memref_squeeze %dma_wait3A_166 : memref<1x1x128xi32, #tpu.memory_space<vmem>> -> memref<128xi32, #tpu.memory_space<vmem>>
        %dma_wait3A_168 = arith.constant 0 : i32
        %dma_wait3A_169 = arith.constant 0 : i32
        %dma_wait3A_170 = tpu.memref_slice %arg8[%dma_wait3A_168, %dma_wait3A_169] : memref<10240x128xf32, #tpu.memory_space<vmem_shared>> -> memref<10240x128xf32, #tpu.memory_space<vmem_shared>>
        tpu.wait_indirect_dma semaphore(%run_scoped3A_158 : memref<!tpu.dma_semaphore, #tpu.memory_space<semaphore_mem>>) src(%arg6 : memref<128x128xf32, #tpu.memory_space<vmem>>) dst(%dma_wait3A_170 : memref<10240x128xf32, #tpu.memory_space<vmem_shared>>)
        tpu.yield
      }) : () -> ()
      %add3A_129 = arith.constant 2 : i32
      %add3A_130 = arith.addi %mul3A_120, %add3A_129 : i32
      %dma_start3A_131 = arith.constant 0 : i32
      %dma_start3A_132 = arith.constant 0 : i32
      %dma_start3A_133 = tpu.memref_slice %arg5[%dma_start3A_131, %add3A_130, %dma_start3A_132] : memref<2x40x128xi32, #tpu.memory_space<vmem>> -> memref<1x1x128xi32, #tpu.memory_space<vmem>>
      %dma_start3A_134 = tpu.memref_squeeze %dma_start3A_133 : memref<1x1x128xi32, #tpu.memory_space<vmem>> -> memref<128xi32, #tpu.memory_space<vmem>>
      %dma_start3A_135 = arith.constant 0 : i32
      %dma_start3A_136 = arith.constant 0 : i32
      %dma_start3A_137 = tpu.memref_slice %arg2[%dma_start3A_135, %dma_start3A_136] : memref<10000x128xf32, #tpu.memory_space<hbm>> -> memref<10000x128xf32, #tpu.memory_space<hbm>>
      tpu.enqueue_indirect_dma source(%dma_start3A_137 : memref<10000x128xf32, #tpu.memory_space<hbm>>) target(%arg6 : memref<128x128xf32, #tpu.memory_space<vmem>>) offsets(%dma_start3A_134 : memref<128xi32, #tpu.memory_space<vmem>>) semaphore(%arg9 : memref<!tpu.dma_semaphore, #tpu.memory_space<semaphore_mem>>)
      %add3A_138 = arith.constant 1 : i32
      %add3A_139 = arith.addi %mul3A_120, %add3A_138 : i32
      %dma_wait3A_140 = arith.constant 0 : i32
      %dma_wait3A_141 = arith.constant 0 : i32
      %dma_wait3A_142 = tpu.memref_slice %arg5[%dma_wait3A_140, %add3A_139, %dma_wait3A_141] : memref<2x40x128xi32, #tpu.memory_space<vmem>> -> memref<1x1x128xi32, #tpu.memory_space<vmem>>
      %dma_wait3A_143 = tpu.memref_squeeze %dma_wait3A_142 : memref<1x1x128xi32, #tpu.memory_space<vmem>> -> memref<128xi32, #tpu.memory_space<vmem>>
      %dma_wait3A_144 = arith.constant 0 : i32
      %dma_wait3A_145 = arith.constant 0 : i32
      %dma_wait3A_146 = tpu.memref_slice %arg2[%dma_wait3A_144, %dma_wait3A_145] : memref<10000x128xf32, #tpu.memory_space<hbm>> -> memref<10000x128xf32, #tpu.memory_space<hbm>>
      tpu.wait_indirect_dma semaphore(%arg10 : memref<!tpu.dma_semaphore, #tpu.memory_space<semaphore_mem>>) src(%dma_wait3A_146 : memref<10000x128xf32, #tpu.memory_space<hbm>>) dst(%arg7 : memref<128x128xf32, #tpu.memory_space<vmem>>)
      %run_scoped3A_147 = arith.constant 1 : i32
      "tpu.region"() ({
        %run_scoped3A_158 = tpu.sem_alloc : memref<!tpu.dma_semaphore, #tpu.memory_space<semaphore_mem>>
        %dma_start3A_159 = arith.constant 0 : i32
        %dma_start3A_160 = tpu.memref_slice %arg5[%run_scoped3A_147, %add3A_139, %dma_start3A_159] : memref<2x40x128xi32, #tpu.memory_space<vmem>> -> memref<1x1x128xi32, #tpu.memory_space<vmem>>
        %dma_start3A_161 = tpu.memref_squeeze %dma_start3A_160 : memref<1x1x128xi32, #tpu.memory_space<vmem>> -> memref<128xi32, #tpu.memory_space<vmem>>
        %dma_start3A_162 = arith.constant 0 : i32
        %dma_start3A_163 = arith.constant 0 : i32
        %dma_start3A_164 = tpu.memref_slice %arg8[%dma_start3A_162, %dma_start3A_163] : memref<10240x128xf32, #tpu.memory_space<vmem_shared>> -> memref<10240x128xf32, #tpu.memory_space<vmem_shared>>
        tpu.enqueue_indirect_dma source(%arg7 : memref<128x128xf32, #tpu.memory_space<vmem>>) target(%dma_start3A_164 : memref<10240x128xf32, #tpu.memory_space<vmem_shared>>) offsets(%dma_start3A_161 : memref<128xi32, #tpu.memory_space<vmem>>) semaphore(%run_scoped3A_158 : memref<!tpu.dma_semaphore, #tpu.memory_space<semaphore_mem>>) {add = true}
        %dma_wait3A_165 = arith.constant 0 : i32
        %dma_wait3A_166 = tpu.memref_slice %arg5[%run_scoped3A_147, %add3A_139, %dma_wait3A_165] : memref<2x40x128xi32, #tpu.memory_space<vmem>> -> memref<1x1x128xi32, #tpu.memory_space<vmem>>
        %dma_wait3A_167 = tpu.memref_squeeze %dma_wait3A_166 : memref<1x1x128xi32, #tpu.memory_space<vmem>> -> memref<128xi32, #tpu.memory_space<vmem>>
        %dma_wait3A_168 = arith.constant 0 : i32
        %dma_wait3A_169 = arith.constant 0 : i32
        %dma_wait3A_170 = tpu.memref_slice %arg8[%dma_wait3A_168, %dma_wait3A_169] : memref<10240x128xf32, #tpu.memory_space<vmem_shared>> -> memref<10240x128xf32, #tpu.memory_space<vmem_shared>>
        tpu.wait_indirect_dma semaphore(%run_scoped3A_158 : memref<!tpu.dma_semaphore, #tpu.memory_space<semaphore_mem>>) src(%arg7 : memref<128x128xf32, #tpu.memory_space<vmem>>) dst(%dma_wait3A_170 : memref<10240x128xf32, #tpu.memory_space<vmem_shared>>)
        tpu.yield
      }) : () -> ()
      %add3A_148 = arith.constant 3 : i32
      %add3A_149 = arith.addi %mul3A_120, %add3A_148 : i32
      %dma_start3A_150 = arith.constant 0 : i32
      %dma_start3A_151 = arith.constant 0 : i32
      %dma_start3A_152 = tpu.memref_slice %arg5[%dma_start3A_150, %add3A_149, %dma_start3A_151] : memref<2x40x128xi32, #tpu.memory_space<vmem>> -> memref<1x1x128xi32, #tpu.memory_space<vmem>>
      %dma_start3A_153 = tpu.memref_squeeze %dma_start3A_152 : memref<1x1x128xi32, #tpu.memory_space<vmem>> -> memref<128xi32, #tpu.memory_space<vmem>>
      %dma_start3A_154 = arith.constant 0 : i32
      %dma_start3A_155 = arith.constant 0 : i32
      %dma_start3A_156 = tpu.memref_slice %arg2[%dma_start3A_154, %dma_start3A_155] : memref<10000x128xf32, #tpu.memory_space<hbm>> -> memref<10000x128xf32, #tpu.memory_space<hbm>>
      tpu.enqueue_indirect_dma source(%dma_start3A_156 : memref<10000x128xf32, #tpu.memory_space<hbm>>) target(%arg7 : memref<128x128xf32, #tpu.memory_space<vmem>>) offsets(%dma_start3A_153 : memref<128xi32, #tpu.memory_space<vmem>>) semaphore(%arg10 : memref<!tpu.dma_semaphore, #tpu.memory_space<semaphore_mem>>)
      %scan3A_157 = arith.constant 0 : i32
      scf.yield %scan3A_157 : i32
    }
    %scan3A_48 = arith.constant 19 : i32
    %dma_wait3A = arith.constant 0 : i32
    %dma_wait3A_49 = arith.constant 38 : i32
    %dma_wait3A_50 = arith.constant 0 : i32
    %dma_wait3A_51 = tpu.memref_slice %arg5[%dma_wait3A, %dma_wait3A_49, %dma_wait3A_50] : memref<2x40x128xi32, #tpu.memory_space<vmem>> -> memref<1x1x128xi32, #tpu.memory_space<vmem>>
    %dma_wait3A_52 = tpu.memref_squeeze %dma_wait3A_51 : memref<1x1x128xi32, #tpu.memory_space<vmem>> -> memref<128xi32, #tpu.memory_space<vmem>>
    %dma_wait3A_53 = arith.constant 0 : i32
    %dma_wait3A_54 = arith.constant 0 : i32
    %dma_wait3A_55 = tpu.memref_slice %arg2[%dma_wait3A_53, %dma_wait3A_54] : memref<10000x128xf32, #tpu.memory_space<hbm>> -> memref<10000x128xf32, #tpu.memory_space<hbm>>
    tpu.wait_indirect_dma semaphore(%arg9 : memref<!tpu.dma_semaphore, #tpu.memory_space<semaphore_mem>>) src(%dma_wait3A_55 : memref<10000x128xf32, #tpu.memory_space<hbm>>) dst(%arg6 : memref<128x128xf32, #tpu.memory_space<vmem>>)
    %run_scoped3A_56 = arith.constant 1 : i32
    %run_scoped3A_57 = arith.constant 38 : i32
    "tpu.region"() ({
      %run_scoped3A_117 = tpu.sem_alloc : memref<!tpu.dma_semaphore, #tpu.memory_space<semaphore_mem>>
      %dma_start3A_118 = arith.constant 0 : i32
      %dma_start3A_119 = tpu.memref_slice %arg5[%run_scoped3A_56, %run_scoped3A_57, %dma_start3A_118] : memref<2x40x128xi32, #tpu.memory_space<vmem>> -> memref<1x1x128xi32, #tpu.memory_space<vmem>>
      %dma_start3A_120 = tpu.memref_squeeze %dma_start3A_119 : memref<1x1x128xi32, #tpu.memory_space<vmem>> -> memref<128xi32, #tpu.memory_space<vmem>>
      %dma_start3A_121 = arith.constant 0 : i32
      %dma_start3A_122 = arith.constant 0 : i32
      %dma_start3A_123 = tpu.memref_slice %arg8[%dma_start3A_121, %dma_start3A_122] : memref<10240x128xf32, #tpu.memory_space<vmem_shared>> -> memref<10240x128xf32, #tpu.memory_space<vmem_shared>>
      tpu.enqueue_indirect_dma source(%arg6 : memref<128x128xf32, #tpu.memory_space<vmem>>) target(%dma_start3A_123 : memref<10240x128xf32, #tpu.memory_space<vmem_shared>>) offsets(%dma_start3A_120 : memref<128xi32, #tpu.memory_space<vmem>>) semaphore(%run_scoped3A_117 : memref<!tpu.dma_semaphore, #tpu.memory_space<semaphore_mem>>) {add = true}
      %dma_wait3A_124 = arith.constant 0 : i32
      %dma_wait3A_125 = tpu.memref_slice %arg5[%run_scoped3A_56, %run_scoped3A_57, %dma_wait3A_124] : memref<2x40x128xi32, #tpu.memory_space<vmem>> -> memref<1x1x128xi32, #tpu.memory_space<vmem>>
      %dma_wait3A_126 = tpu.memref_squeeze %dma_wait3A_125 : memref<1x1x128xi32, #tpu.memory_space<vmem>> -> memref<128xi32, #tpu.memory_space<vmem>>
      %dma_wait3A_127 = arith.constant 0 : i32
      %dma_wait3A_128 = arith.constant 0 : i32
      %dma_wait3A_129 = tpu.memref_slice %arg8[%dma_wait3A_127, %dma_wait3A_128] : memref<10240x128xf32, #tpu.memory_space<vmem_shared>> -> memref<10240x128xf32, #tpu.memory_space<vmem_shared>>
      tpu.wait_indirect_dma semaphore(%run_scoped3A_117 : memref<!tpu.dma_semaphore, #tpu.memory_space<semaphore_mem>>) src(%arg6 : memref<128x128xf32, #tpu.memory_space<vmem>>) dst(%dma_wait3A_129 : memref<10240x128xf32, #tpu.memory_space<vmem_shared>>)
      tpu.yield
    }) : () -> ()
    %dma_wait3A_58 = arith.constant 0 : i32
    %dma_wait3A_59 = arith.constant 39 : i32
    %dma_wait3A_60 = arith.constant 0 : i32
    %dma_wait3A_61 = tpu.memref_slice %arg5[%dma_wait3A_58, %dma_wait3A_59, %dma_wait3A_60] : memref<2x40x128xi32, #tpu.memory_space<vmem>> -> memref<1x1x128xi32, #tpu.memory_space<vmem>>
    %dma_wait3A_62 = tpu.memref_squeeze %dma_wait3A_61 : memref<1x1x128xi32, #tpu.memory_space<vmem>> -> memref<128xi32, #tpu.memory_space<vmem>>
    %dma_wait3A_63 = arith.constant 0 : i32
    %dma_wait3A_64 = arith.constant 0 : i32
    %dma_wait3A_65 = tpu.memref_slice %arg2[%dma_wait3A_63, %dma_wait3A_64] : memref<10000x128xf32, #tpu.memory_space<hbm>> -> memref<10000x128xf32, #tpu.memory_space<hbm>>
    tpu.wait_indirect_dma semaphore(%arg10 : memref<!tpu.dma_semaphore, #tpu.memory_space<semaphore_mem>>) src(%dma_wait3A_65 : memref<10000x128xf32, #tpu.memory_space<hbm>>) dst(%arg7 : memref<128x128xf32, #tpu.memory_space<vmem>>)
    %run_scoped3A_66 = arith.constant 1 : i32
    %run_scoped3A_67 = arith.constant 39 : i32
    "tpu.region"() ({
      %run_scoped3A_117 = tpu.sem_alloc : memref<!tpu.dma_semaphore, #tpu.memory_space<semaphore_mem>>
      %dma_start3A_118 = arith.constant 0 : i32
      %dma_start3A_119 = tpu.memref_slice %arg5[%run_scoped3A_66, %run_scoped3A_67, %dma_start3A_118] : memref<2x40x128xi32, #tpu.memory_space<vmem>> -> memref<1x1x128xi32, #tpu.memory_space<vmem>>
      %dma_start3A_120 = tpu.memref_squeeze %dma_start3A_119 : memref<1x1x128xi32, #tpu.memory_space<vmem>> -> memref<128xi32, #tpu.memory_space<vmem>>
      %dma_start3A_121 = arith.constant 0 : i32
      %dma_start3A_122 = arith.constant 0 : i32
      %dma_start3A_123 = tpu.memref_slice %arg8[%dma_start3A_121, %dma_start3A_122] : memref<10240x128xf32, #tpu.memory_space<vmem_shared>> -> memref<10240x128xf32, #tpu.memory_space<vmem_shared>>
      tpu.enqueue_indirect_dma source(%arg7 : memref<128x128xf32, #tpu.memory_space<vmem>>) target(%dma_start3A_123 : memref<10240x128xf32, #tpu.memory_space<vmem_shared>>) offsets(%dma_start3A_120 : memref<128xi32, #tpu.memory_space<vmem>>) semaphore(%run_scoped3A_117 : memref<!tpu.dma_semaphore, #tpu.memory_space<semaphore_mem>>) {add = true}
      %dma_wait3A_124 = arith.constant 0 : i32
      %dma_wait3A_125 = tpu.memref_slice %arg5[%run_scoped3A_66, %run_scoped3A_67, %dma_wait3A_124] : memref<2x40x128xi32, #tpu.memory_space<vmem>> -> memref<1x1x128xi32, #tpu.memory_space<vmem>>
      %dma_wait3A_126 = tpu.memref_squeeze %dma_wait3A_125 : memref<1x1x128xi32, #tpu.memory_space<vmem>> -> memref<128xi32, #tpu.memory_space<vmem>>
      %dma_wait3A_127 = arith.constant 0 : i32
      %dma_wait3A_128 = arith.constant 0 : i32
      %dma_wait3A_129 = tpu.memref_slice %arg8[%dma_wait3A_127, %dma_wait3A_128] : memref<10240x128xf32, #tpu.memory_space<vmem_shared>> -> memref<10240x128xf32, #tpu.memory_space<vmem_shared>>
      tpu.wait_indirect_dma semaphore(%run_scoped3A_117 : memref<!tpu.dma_semaphore, #tpu.memory_space<semaphore_mem>>) src(%arg7 : memref<128x128xf32, #tpu.memory_space<vmem>>) dst(%dma_wait3A_129 : memref<10240x128xf32, #tpu.memory_space<vmem_shared>>)
      tpu.yield
    }) : () -> ()
    %run_scoped3A_68 = arith.constant 1 : i32
    "tpu.region"() ({
      %run_scoped3A_117 = tpu.sem_alloc : memref<!tpu.dma_semaphore, #tpu.memory_space<semaphore_mem>>
      %dma_start3A_118 = arith.constant 0 : i32
      %dma_start3A_119 = arith.constant 0 : i32
      %dma_start3A_120 = arith.constant 0 : i32
      %dma_start3A_121 = tpu.memref_slice %arg3[%add3A, %run_scoped3A_68, %dma_start3A_118, %dma_start3A_119, %dma_start3A_120] : memref<32x2x2x40x128xi32, #tpu.memory_space<hbm>> -> memref<1x1x2x40x128xi32, #tpu.memory_space<hbm>>
      %dma_start3A_122 = tpu.memref_squeeze %dma_start3A_121 : memref<1x1x2x40x128xi32, #tpu.memory_space<hbm>> -> memref<2x40x128xi32, #tpu.memory_space<hbm>>
      %dma_start3A_123 = arith.constant 0 : i32
      %dma_start3A_124 = arith.constant 0 : i32
      %dma_start3A_125 = arith.constant 0 : i32
      %dma_start3A_126 = tpu.memref_slice %arg3[%add3A, %run_scoped3A_68, %dma_start3A_123, %dma_start3A_124, %dma_start3A_125] : memref<32x2x2x40x128xi32, #tpu.memory_space<hbm>> -> memref<1x1x2x40x128xi32, #tpu.memory_space<hbm>>
      %dma_start3A_127 = tpu.memref_squeeze %dma_start3A_126 : memref<1x1x2x40x128xi32, #tpu.memory_space<hbm>> -> memref<2x40x128xi32, #tpu.memory_space<hbm>>
      tpu.enqueue_dma source(%dma_start3A_127 : memref<2x40x128xi32, #tpu.memory_space<hbm>>) target(%arg5 : memref<2x40x128xi32, #tpu.memory_space<vmem>>) target_semaphore(%run_scoped3A_117 : memref<!tpu.dma_semaphore, #tpu.memory_space<semaphore_mem>>)
      %dma_wait3A_128 = arith.constant 0 : i32
      %dma_wait3A_129 = arith.constant 0 : i32
      %dma_wait3A_130 = arith.constant 0 : i32
      %dma_wait3A_131 = tpu.memref_slice %arg3[%add3A, %run_scoped3A_68, %dma_wait3A_128, %dma_wait3A_129, %dma_wait3A_130] : memref<32x2x2x40x128xi32, #tpu.memory_space<hbm>> -> memref<1x1x2x40x128xi32, #tpu.memory_space<hbm>>
      %dma_wait3A_132 = tpu.memref_squeeze %dma_wait3A_131 : memref<1x1x2x40x128xi32, #tpu.memory_space<hbm>> -> memref<2x40x128xi32, #tpu.memory_space<hbm>>
      %dma_wait3A_133 = arith.constant 0 : i32
      %dma_wait3A_134 = arith.constant 0 : i32
      %dma_wait3A_135 = arith.constant 0 : i32
      %dma_wait3A_136 = tpu.memref_slice %arg3[%add3A, %run_scoped3A_68, %dma_wait3A_133, %dma_wait3A_134, %dma_wait3A_135] : memref<32x2x2x40x128xi32, #tpu.memory_space<hbm>> -> memref<1x1x2x40x128xi32, #tpu.memory_space<hbm>>
      %dma_wait3A_137 = tpu.memref_squeeze %dma_wait3A_136 : memref<1x1x2x40x128xi32, #tpu.memory_space<hbm>> -> memref<2x40x128xi32, #tpu.memory_space<hbm>>
      tpu.wait_dma2 semaphore(%run_scoped3A_117 : memref<!tpu.dma_semaphore, #tpu.memory_space<semaphore_mem>>) src(%dma_wait3A_137 : memref<2x40x128xi32, #tpu.memory_space<hbm>>) dst(%arg5 : memref<2x40x128xi32, #tpu.memory_space<vmem>>)
      tpu.yield
    }) : () -> ()
    %dma_start3A_69 = arith.constant 0 : i32
    %dma_start3A_70 = arith.constant 0 : i32
    %dma_start3A_71 = arith.constant 0 : i32
    %dma_start3A_72 = tpu.memref_slice %arg5[%dma_start3A_69, %dma_start3A_70, %dma_start3A_71] : memref<2x40x128xi32, #tpu.memory_space<vmem>> -> memref<1x1x128xi32, #tpu.memory_space<vmem>>
    %dma_start3A_73 = tpu.memref_squeeze %dma_start3A_72 : memref<1x1x128xi32, #tpu.memory_space<vmem>> -> memref<128xi32, #tpu.memory_space<vmem>>
    %dma_start3A_74 = arith.constant 0 : i32
    %dma_start3A_75 = arith.constant 0 : i32
    %dma_start3A_76 = tpu.memref_slice %arg2[%dma_start3A_74, %dma_start3A_75] : memref<10000x128xf32, #tpu.memory_space<hbm>> -> memref<10000x128xf32, #tpu.memory_space<hbm>>
    tpu.enqueue_indirect_dma source(%dma_start3A_76 : memref<10000x128xf32, #tpu.memory_space<hbm>>) target(%arg6 : memref<128x128xf32, #tpu.memory_space<vmem>>) offsets(%dma_start3A_73 : memref<128xi32, #tpu.memory_space<vmem>>) semaphore(%arg9 : memref<!tpu.dma_semaphore, #tpu.memory_space<semaphore_mem>>)
    %dma_start3A_77 = arith.constant 0 : i32
    %dma_start3A_78 = arith.constant 1 : i32
    %dma_start3A_79 = arith.constant 0 : i32
    %dma_start3A_80 = tpu.memref_slice %arg5[%dma_start3A_77, %dma_start3A_78, %dma_start3A_79] : memref<2x40x128xi32, #tpu.memory_space<vmem>> -> memref<1x1x128xi32, #tpu.memory_space<vmem>>
    %dma_start3A_81 = tpu.memref_squeeze %dma_start3A_80 : memref<1x1x128xi32, #tpu.memory_space<vmem>> -> memref<128xi32, #tpu.memory_space<vmem>>
    %dma_start3A_82 = arith.constant 0 : i32
    %dma_start3A_83 = arith.constant 0 : i32
    %dma_start3A_84 = tpu.memref_slice %arg2[%dma_start3A_82, %dma_start3A_83] : memref<10000x128xf32, #tpu.memory_space<hbm>> -> memref<10000x128xf32, #tpu.memory_space<hbm>>
    tpu.enqueue_indirect_dma source(%dma_start3A_84 : memref<10000x128xf32, #tpu.memory_space<hbm>>) target(%arg7 : memref<128x128xf32, #tpu.memory_space<vmem>>) offsets(%dma_start3A_81 : memref<128xi32, #tpu.memory_space<vmem>>) semaphore(%arg10 : memref<!tpu.dma_semaphore, #tpu.memory_space<semaphore_mem>>)
    %scan3A_85 = arith.constant 0 : i32
    %scan3A_86 = arith.constant 0 : i32
    %scan3A_87 = arith.constant 19 : i32
    %scan3A_88 = arith.addi %scan3A_86, %scan3A_87 : i32
    %scan3A_89 = arith.constant 1 : i32
    %scan3A_90 = scf.for %scan3A_117 = %scan3A_86 to %scan3A_88 step %scan3A_89 iter_args(%scan3A_118 = %scan3A_85) -> (i32)  : i32 {
      %mul3A_119 = arith.constant 2 : i32
      %mul3A_120 = arith.muli %mul3A_119, %scan3A_117 : i32
      %dma_wait3A_121 = arith.constant 0 : i32
      %dma_wait3A_122 = arith.constant 0 : i32
      %dma_wait3A_123 = tpu.memref_slice %arg5[%dma_wait3A_121, %mul3A_120, %dma_wait3A_122] : memref<2x40x128xi32, #tpu.memory_space<vmem>> -> memref<1x1x128xi32, #tpu.memory_space<vmem>>
      %dma_wait3A_124 = tpu.memref_squeeze %dma_wait3A_123 : memref<1x1x128xi32, #tpu.memory_space<vmem>> -> memref<128xi32, #tpu.memory_space<vmem>>
      %dma_wait3A_125 = arith.constant 0 : i32
      %dma_wait3A_126 = arith.constant 0 : i32
      %dma_wait3A_127 = tpu.memref_slice %arg2[%dma_wait3A_125, %dma_wait3A_126] : memref<10000x128xf32, #tpu.memory_space<hbm>> -> memref<10000x128xf32, #tpu.memory_space<hbm>>
      tpu.wait_indirect_dma semaphore(%arg9 : memref<!tpu.dma_semaphore, #tpu.memory_space<semaphore_mem>>) src(%dma_wait3A_127 : memref<10000x128xf32, #tpu.memory_space<hbm>>) dst(%arg6 : memref<128x128xf32, #tpu.memory_space<vmem>>)
      %run_scoped3A_128 = arith.constant 1 : i32
      "tpu.region"() ({
        %run_scoped3A_158 = tpu.sem_alloc : memref<!tpu.dma_semaphore, #tpu.memory_space<semaphore_mem>>
        %dma_start3A_159 = arith.constant 0 : i32
        %dma_start3A_160 = tpu.memref_slice %arg5[%run_scoped3A_128, %mul3A_120, %dma_start3A_159] : memref<2x40x128xi32, #tpu.memory_space<vmem>> -> memref<1x1x128xi32, #tpu.memory_space<vmem>>
        %dma_start3A_161 = tpu.memref_squeeze %dma_start3A_160 : memref<1x1x128xi32, #tpu.memory_space<vmem>> -> memref<128xi32, #tpu.memory_space<vmem>>
        %dma_start3A_162 = arith.constant 0 : i32
        %dma_start3A_163 = arith.constant 0 : i32
        %dma_start3A_164 = tpu.memref_slice %arg8[%dma_start3A_162, %dma_start3A_163] : memref<10240x128xf32, #tpu.memory_space<vmem_shared>> -> memref<10240x128xf32, #tpu.memory_space<vmem_shared>>
        tpu.enqueue_indirect_dma source(%arg6 : memref<128x128xf32, #tpu.memory_space<vmem>>) target(%dma_start3A_164 : memref<10240x128xf32, #tpu.memory_space<vmem_shared>>) offsets(%dma_start3A_161 : memref<128xi32, #tpu.memory_space<vmem>>) semaphore(%run_scoped3A_158 : memref<!tpu.dma_semaphore, #tpu.memory_space<semaphore_mem>>) {add = true}
        %dma_wait3A_165 = arith.constant 0 : i32
        %dma_wait3A_166 = tpu.memref_slice %arg5[%run_scoped3A_128, %mul3A_120, %dma_wait3A_165] : memref<2x40x128xi32, #tpu.memory_space<vmem>> -> memref<1x1x128xi32, #tpu.memory_space<vmem>>
        %dma_wait3A_167 = tpu.memref_squeeze %dma_wait3A_166 : memref<1x1x128xi32, #tpu.memory_space<vmem>> -> memref<128xi32, #tpu.memory_space<vmem>>
        %dma_wait3A_168 = arith.constant 0 : i32
        %dma_wait3A_169 = arith.constant 0 : i32
        %dma_wait3A_170 = tpu.memref_slice %arg8[%dma_wait3A_168, %dma_wait3A_169] : memref<10240x128xf32, #tpu.memory_space<vmem_shared>> -> memref<10240x128xf32, #tpu.memory_space<vmem_shared>>
        tpu.wait_indirect_dma semaphore(%run_scoped3A_158 : memref<!tpu.dma_semaphore, #tpu.memory_space<semaphore_mem>>) src(%arg6 : memref<128x128xf32, #tpu.memory_space<vmem>>) dst(%dma_wait3A_170 : memref<10240x128xf32, #tpu.memory_space<vmem_shared>>)
        tpu.yield
      }) : () -> ()
      %add3A_129 = arith.constant 2 : i32
      %add3A_130 = arith.addi %mul3A_120, %add3A_129 : i32
      %dma_start3A_131 = arith.constant 0 : i32
      %dma_start3A_132 = arith.constant 0 : i32
      %dma_start3A_133 = tpu.memref_slice %arg5[%dma_start3A_131, %add3A_130, %dma_start3A_132] : memref<2x40x128xi32, #tpu.memory_space<vmem>> -> memref<1x1x128xi32, #tpu.memory_space<vmem>>
      %dma_start3A_134 = tpu.memref_squeeze %dma_start3A_133 : memref<1x1x128xi32, #tpu.memory_space<vmem>> -> memref<128xi32, #tpu.memory_space<vmem>>
      %dma_start3A_135 = arith.constant 0 : i32
      %dma_start3A_136 = arith.constant 0 : i32
      %dma_start3A_137 = tpu.memref_slice %arg2[%dma_start3A_135, %dma_start3A_136] : memref<10000x128xf32, #tpu.memory_space<hbm>> -> memref<10000x128xf32, #tpu.memory_space<hbm>>
      tpu.enqueue_indirect_dma source(%dma_start3A_137 : memref<10000x128xf32, #tpu.memory_space<hbm>>) target(%arg6 : memref<128x128xf32, #tpu.memory_space<vmem>>) offsets(%dma_start3A_134 : memref<128xi32, #tpu.memory_space<vmem>>) semaphore(%arg9 : memref<!tpu.dma_semaphore, #tpu.memory_space<semaphore_mem>>)
      %add3A_138 = arith.constant 1 : i32
      %add3A_139 = arith.addi %mul3A_120, %add3A_138 : i32
      %dma_wait3A_140 = arith.constant 0 : i32
      %dma_wait3A_141 = arith.constant 0 : i32
      %dma_wait3A_142 = tpu.memref_slice %arg5[%dma_wait3A_140, %add3A_139, %dma_wait3A_141] : memref<2x40x128xi32, #tpu.memory_space<vmem>> -> memref<1x1x128xi32, #tpu.memory_space<vmem>>
      %dma_wait3A_143 = tpu.memref_squeeze %dma_wait3A_142 : memref<1x1x128xi32, #tpu.memory_space<vmem>> -> memref<128xi32, #tpu.memory_space<vmem>>
      %dma_wait3A_144 = arith.constant 0 : i32
      %dma_wait3A_145 = arith.constant 0 : i32
      %dma_wait3A_146 = tpu.memref_slice %arg2[%dma_wait3A_144, %dma_wait3A_145] : memref<10000x128xf32, #tpu.memory_space<hbm>> -> memref<10000x128xf32, #tpu.memory_space<hbm>>
      tpu.wait_indirect_dma semaphore(%arg10 : memref<!tpu.dma_semaphore, #tpu.memory_space<semaphore_mem>>) src(%dma_wait3A_146 : memref<10000x128xf32, #tpu.memory_space<hbm>>) dst(%arg7 : memref<128x128xf32, #tpu.memory_space<vmem>>)
      %run_scoped3A_147 = arith.constant 1 : i32
      "tpu.region"() ({
        %run_scoped3A_158 = tpu.sem_alloc : memref<!tpu.dma_semaphore, #tpu.memory_space<semaphore_mem>>
        %dma_start3A_159 = arith.constant 0 : i32
        %dma_start3A_160 = tpu.memref_slice %arg5[%run_scoped3A_147, %add3A_139, %dma_start3A_159] : memref<2x40x128xi32, #tpu.memory_space<vmem>> -> memref<1x1x128xi32, #tpu.memory_space<vmem>>
        %dma_start3A_161 = tpu.memref_squeeze %dma_start3A_160 : memref<1x1x128xi32, #tpu.memory_space<vmem>> -> memref<128xi32, #tpu.memory_space<vmem>>
        %dma_start3A_162 = arith.constant 0 : i32
        %dma_start3A_163 = arith.constant 0 : i32
        %dma_start3A_164 = tpu.memref_slice %arg8[%dma_start3A_162, %dma_start3A_163] : memref<10240x128xf32, #tpu.memory_space<vmem_shared>> -> memref<10240x128xf32, #tpu.memory_space<vmem_shared>>
        tpu.enqueue_indirect_dma source(%arg7 : memref<128x128xf32, #tpu.memory_space<vmem>>) target(%dma_start3A_164 : memref<10240x128xf32, #tpu.memory_space<vmem_shared>>) offsets(%dma_start3A_161 : memref<128xi32, #tpu.memory_space<vmem>>) semaphore(%run_scoped3A_158 : memref<!tpu.dma_semaphore, #tpu.memory_space<semaphore_mem>>) {add = true}
        %dma_wait3A_165 = arith.constant 0 : i32
        %dma_wait3A_166 = tpu.memref_slice %arg5[%run_scoped3A_147, %add3A_139, %dma_wait3A_165] : memref<2x40x128xi32, #tpu.memory_space<vmem>> -> memref<1x1x128xi32, #tpu.memory_space<vmem>>
        %dma_wait3A_167 = tpu.memref_squeeze %dma_wait3A_166 : memref<1x1x128xi32, #tpu.memory_space<vmem>> -> memref<128xi32, #tpu.memory_space<vmem>>
        %dma_wait3A_168 = arith.constant 0 : i32
        %dma_wait3A_169 = arith.constant 0 : i32
        %dma_wait3A_170 = tpu.memref_slice %arg8[%dma_wait3A_168, %dma_wait3A_169] : memref<10240x128xf32, #tpu.memory_space<vmem_shared>> -> memref<10240x128xf32, #tpu.memory_space<vmem_shared>>
        tpu.wait_indirect_dma semaphore(%run_scoped3A_158 : memref<!tpu.dma_semaphore, #tpu.memory_space<semaphore_mem>>) src(%arg7 : memref<128x128xf32, #tpu.memory_space<vmem>>) dst(%dma_wait3A_170 : memref<10240x128xf32, #tpu.memory_space<vmem_shared>>)
        tpu.yield
      }) : () -> ()
      %add3A_148 = arith.constant 3 : i32
      %add3A_149 = arith.addi %mul3A_120, %add3A_148 : i32
      %dma_start3A_150 = arith.constant 0 : i32
      %dma_start3A_151 = arith.constant 0 : i32
      %dma_start3A_152 = tpu.memref_slice %arg5[%dma_start3A_150, %add3A_149, %dma_start3A_151] : memref<2x40x128xi32, #tpu.memory_space<vmem>> -> memref<1x1x128xi32, #tpu.memory_space<vmem>>
      %dma_start3A_153 = tpu.memref_squeeze %dma_start3A_152 : memref<1x1x128xi32, #tpu.memory_space<vmem>> -> memref<128xi32, #tpu.memory_space<vmem>>
      %dma_start3A_154 = arith.constant 0 : i32
      %dma_start3A_155 = arith.constant 0 : i32
      %dma_start3A_156 = tpu.memref_slice %arg2[%dma_start3A_154, %dma_start3A_155] : memref<10000x128xf32, #tpu.memory_space<hbm>> -> memref<10000x128xf32, #tpu.memory_space<hbm>>
      tpu.enqueue_indirect_dma source(%dma_start3A_156 : memref<10000x128xf32, #tpu.memory_space<hbm>>) target(%arg7 : memref<128x128xf32, #tpu.memory_space<vmem>>) offsets(%dma_start3A_153 : memref<128xi32, #tpu.memory_space<vmem>>) semaphore(%arg10 : memref<!tpu.dma_semaphore, #tpu.memory_space<semaphore_mem>>)
      %scan3A_157 = arith.constant 0 : i32
      scf.yield %scan3A_157 : i32
    }
    %scan3A_91 = arith.constant 19 : i32
    %dma_wait3A_92 = arith.constant 0 : i32
    %dma_wait3A_93 = arith.constant 38 : i32
    %dma_wait3A_94 = arith.constant 0 : i32
    %dma_wait3A_95 = tpu.memref_slice %arg5[%dma_wait3A_92, %dma_wait3A_93, %dma_wait3A_94] : memref<2x40x128xi32, #tpu.memory_space<vmem>> -> memref<1x1x128xi32, #tpu.memory_space<vmem>>
    %dma_wait3A_96 = tpu.memref_squeeze %dma_wait3A_95 : memref<1x1x128xi32, #tpu.memory_space<vmem>> -> memref<128xi32, #tpu.memory_space<vmem>>
    %dma_wait3A_97 = arith.constant 0 : i32
    %dma_wait3A_98 = arith.constant 0 : i32
    %dma_wait3A_99 = tpu.memref_slice %arg2[%dma_wait3A_97, %dma_wait3A_98] : memref<10000x128xf32, #tpu.memory_space<hbm>> -> memref<10000x128xf32, #tpu.memory_space<hbm>>
    tpu.wait_indirect_dma semaphore(%arg9 : memref<!tpu.dma_semaphore, #tpu.memory_space<semaphore_mem>>) src(%dma_wait3A_99 : memref<10000x128xf32, #tpu.memory_space<hbm>>) dst(%arg6 : memref<128x128xf32, #tpu.memory_space<vmem>>)
    %run_scoped3A_100 = arith.constant 1 : i32
    %run_scoped3A_101 = arith.constant 38 : i32
    "tpu.region"() ({
      %run_scoped3A_117 = tpu.sem_alloc : memref<!tpu.dma_semaphore, #tpu.memory_space<semaphore_mem>>
      %dma_start3A_118 = arith.constant 0 : i32
      %dma_start3A_119 = tpu.memref_slice %arg5[%run_scoped3A_100, %run_scoped3A_101, %dma_start3A_118] : memref<2x40x128xi32, #tpu.memory_space<vmem>> -> memref<1x1x128xi32, #tpu.memory_space<vmem>>
      %dma_start3A_120 = tpu.memref_squeeze %dma_start3A_119 : memref<1x1x128xi32, #tpu.memory_space<vmem>> -> memref<128xi32, #tpu.memory_space<vmem>>
      %dma_start3A_121 = arith.constant 0 : i32
      %dma_start3A_122 = arith.constant 0 : i32
      %dma_start3A_123 = tpu.memref_slice %arg8[%dma_start3A_121, %dma_start3A_122] : memref<10240x128xf32, #tpu.memory_space<vmem_shared>> -> memref<10240x128xf32, #tpu.memory_space<vmem_shared>>
      tpu.enqueue_indirect_dma source(%arg6 : memref<128x128xf32, #tpu.memory_space<vmem>>) target(%dma_start3A_123 : memref<10240x128xf32, #tpu.memory_space<vmem_shared>>) offsets(%dma_start3A_120 : memref<128xi32, #tpu.memory_space<vmem>>) semaphore(%run_scoped3A_117 : memref<!tpu.dma_semaphore, #tpu.memory_space<semaphore_mem>>) {add = true}
      %dma_wait3A_124 = arith.constant 0 : i32
      %dma_wait3A_125 = tpu.memref_slice %arg5[%run_scoped3A_100, %run_scoped3A_101, %dma_wait3A_124] : memref<2x40x128xi32, #tpu.memory_space<vmem>> -> memref<1x1x128xi32, #tpu.memory_space<vmem>>
      %dma_wait3A_126 = tpu.memref_squeeze %dma_wait3A_125 : memref<1x1x128xi32, #tpu.memory_space<vmem>> -> memref<128xi32, #tpu.memory_space<vmem>>
      %dma_wait3A_127 = arith.constant 0 : i32
      %dma_wait3A_128 = arith.constant 0 : i32
      %dma_wait3A_129 = tpu.memref_slice %arg8[%dma_wait3A_127, %dma_wait3A_128] : memref<10240x128xf32, #tpu.memory_space<vmem_shared>> -> memref<10240x128xf32, #tpu.memory_space<vmem_shared>>
      tpu.wait_indirect_dma semaphore(%run_scoped3A_117 : memref<!tpu.dma_semaphore, #tpu.memory_space<semaphore_mem>>) src(%arg6 : memref<128x128xf32, #tpu.memory_space<vmem>>) dst(%dma_wait3A_129 : memref<10240x128xf32, #tpu.memory_space<vmem_shared>>)
      tpu.yield
    }) : () -> ()
    %dma_wait3A_102 = arith.constant 0 : i32
    %dma_wait3A_103 = arith.constant 39 : i32
    %dma_wait3A_104 = arith.constant 0 : i32
    %dma_wait3A_105 = tpu.memref_slice %arg5[%dma_wait3A_102, %dma_wait3A_103, %dma_wait3A_104] : memref<2x40x128xi32, #tpu.memory_space<vmem>> -> memref<1x1x128xi32, #tpu.memory_space<vmem>>
    %dma_wait3A_106 = tpu.memref_squeeze %dma_wait3A_105 : memref<1x1x128xi32, #tpu.memory_space<vmem>> -> memref<128xi32, #tpu.memory_space<vmem>>
    %dma_wait3A_107 = arith.constant 0 : i32
    %dma_wait3A_108 = arith.constant 0 : i32
    %dma_wait3A_109 = tpu.memref_slice %arg2[%dma_wait3A_107, %dma_wait3A_108] : memref<10000x128xf32, #tpu.memory_space<hbm>> -> memref<10000x128xf32, #tpu.memory_space<hbm>>
    tpu.wait_indirect_dma semaphore(%arg10 : memref<!tpu.dma_semaphore, #tpu.memory_space<semaphore_mem>>) src(%dma_wait3A_109 : memref<10000x128xf32, #tpu.memory_space<hbm>>) dst(%arg7 : memref<128x128xf32, #tpu.memory_space<vmem>>)
    %run_scoped3A_110 = arith.constant 1 : i32
    %run_scoped3A_111 = arith.constant 39 : i32
    "tpu.region"() ({
      %run_scoped3A_117 = tpu.sem_alloc : memref<!tpu.dma_semaphore, #tpu.memory_space<semaphore_mem>>
      %dma_start3A_118 = arith.constant 0 : i32
      %dma_start3A_119 = tpu.memref_slice %arg5[%run_scoped3A_110, %run_scoped3A_111, %dma_start3A_118] : memref<2x40x128xi32, #tpu.memory_space<vmem>> -> memref<1x1x128xi32, #tpu.memory_space<vmem>>
      %dma_start3A_120 = tpu.memref_squeeze %dma_start3A_119 : memref<1x1x128xi32, #tpu.memory_space<vmem>> -> memref<128xi32, #tpu.memory_space<vmem>>
      %dma_start3A_121 = arith.constant 0 : i32
      %dma_start3A_122 = arith.constant 0 : i32
      %dma_start3A_123 = tpu.memref_slice %arg8[%dma_start3A_121, %dma_start3A_122] : memref<10240x128xf32, #tpu.memory_space<vmem_shared>> -> memref<10240x128xf32, #tpu.memory_space<vmem_shared>>
      tpu.enqueue_indirect_dma source(%arg7 : memref<128x128xf32, #tpu.memory_space<vmem>>) target(%dma_start3A_123 : memref<10240x128xf32, #tpu.memory_space<vmem_shared>>) offsets(%dma_start3A_120 : memref<128xi32, #tpu.memory_space<vmem>>) semaphore(%run_scoped3A_117 : memref<!tpu.dma_semaphore, #tpu.memory_space<semaphore_mem>>) {add = true}
      %dma_wait3A_124 = arith.constant 0 : i32
      %dma_wait3A_125 = tpu.memref_slice %arg5[%run_scoped3A_110, %run_scoped3A_111, %dma_wait3A_124] : memref<2x40x128xi32, #tpu.memory_space<vmem>> -> memref<1x1x128xi32, #tpu.memory_space<vmem>>
      %dma_wait3A_126 = tpu.memref_squeeze %dma_wait3A_125 : memref<1x1x128xi32, #tpu.memory_space<vmem>> -> memref<128xi32, #tpu.memory_space<vmem>>
      %dma_wait3A_127 = arith.constant 0 : i32
      %dma_wait3A_128 = arith.constant 0 : i32
      %dma_wait3A_129 = tpu.memref_slice %arg8[%dma_wait3A_127, %dma_wait3A_128] : memref<10240x128xf32, #tpu.memory_space<vmem_shared>> -> memref<10240x128xf32, #tpu.memory_space<vmem_shared>>
      tpu.wait_indirect_dma semaphore(%run_scoped3A_117 : memref<!tpu.dma_semaphore, #tpu.memory_space<semaphore_mem>>) src(%arg7 : memref<128x128xf32, #tpu.memory_space<vmem>>) dst(%dma_wait3A_129 : memref<10240x128xf32, #tpu.memory_space<vmem_shared>>)
      tpu.yield
    }) : () -> ()
    %barrier3A_112 = arith.constant 0 : index
    tpu.barrier barrier_id(%barrier3A_112)
    %mul3A_113 = arith.constant 640 : i32
    %mul3A_114 = arith.muli %arg1, %mul3A_113 : i32
    %mul3A_115 = arith.constant 640 : i32
    %mul3A_116 = arith.muli %arg1, %mul3A_115 : i32
    "tpu.region"() ({
      %run_scoped3A_117 = tpu.sem_alloc : memref<!tpu.dma_semaphore, #tpu.memory_space<semaphore_mem>>
      %dma_start3A_118 = arith.constant 0 : i32
      %dma_start3A_119 = tpu.memref_slice %arg4[%arg0, %mul3A_116, %dma_start3A_118] : memref<2x10240x128xf32, #tpu.memory_space<hbm>> -> memref<1x640x128xf32, #tpu.memory_space<hbm>>
      %dma_start3A_120 = tpu.memref_squeeze %dma_start3A_119 : memref<1x640x128xf32, #tpu.memory_space<hbm>> -> memref<640x128xf32, #tpu.memory_space<hbm>>
      %dma_start3A_121 = arith.constant 0 : i32
      %dma_start3A_122 = tpu.memref_slice %arg8[%mul3A_114, %dma_start3A_121] : memref<10240x128xf32, #tpu.memory_space<vmem_shared>> -> memref<640x128xf32, #tpu.memory_space<vmem_shared>>
      tpu.enqueue_dma source(%dma_start3A_122 : memref<640x128xf32, #tpu.memory_space<vmem_shared>>) target(%dma_start3A_120 : memref<640x128xf32, #tpu.memory_space<hbm>>) target_semaphore(%run_scoped3A_117 : memref<!tpu.dma_semaphore, #tpu.memory_space<semaphore_mem>>)
      %dma_wait3A_123 = arith.constant 0 : i32
      %dma_wait3A_124 = tpu.memref_slice %arg4[%arg0, %mul3A_116, %dma_wait3A_123] : memref<2x10240x128xf32, #tpu.memory_space<hbm>> -> memref<1x640x128xf32, #tpu.memory_space<hbm>>
      %dma_wait3A_125 = tpu.memref_squeeze %dma_wait3A_124 : memref<1x640x128xf32, #tpu.memory_space<hbm>> -> memref<640x128xf32, #tpu.memory_space<hbm>>
      %dma_wait3A_126 = arith.constant 0 : i32
      %dma_wait3A_127 = tpu.memref_slice %arg8[%mul3A_114, %dma_wait3A_126] : memref<10240x128xf32, #tpu.memory_space<vmem_shared>> -> memref<640x128xf32, #tpu.memory_space<vmem_shared>>
      tpu.wait_dma2 semaphore(%run_scoped3A_117 : memref<!tpu.dma_semaphore, #tpu.memory_space<semaphore_mem>>) src(%dma_wait3A_127 : memref<640x128xf32, #tpu.memory_space<vmem_shared>>) dst(%dma_wait3A_125 : memref<640x128xf32, #tpu.memory_space<hbm>>)
      tpu.yield
    }) : () -> ()
    return
  }
}

#map = affine_map<(d0, d1) -> (0, 0)>
#map1 = affine_map<(d0, d1) -> (0, 0, 0, 0, 0)>
#map2 = affine_map<(d0, d1) -> (0, 0, 0)>
module attributes {stable_mosaic.version = 14 : i64} {
  func.func @body(%arg0: i32, %arg1: i32, %arg2: memref<10000x128xf32, #tpu.memory_space<hbm>>, %arg3: memref<32x2x2x40x128xi32, #tpu.memory_space<hbm>>, %arg4: memref<2x10240x128xf32, #tpu.memory_space<hbm>>, %arg5: memref<2x40x128xi32, #tpu.memory_space<vmem>>, %arg6: memref<128x128xf32, #tpu.memory_space<vmem>>, %arg7: memref<128x128xf32, #tpu.memory_space<vmem>>, %arg8: memref<10240x128xf32, #tpu.memory_space<vmem_shared>>, %arg9: memref<!tpu.dma_semaphore, #tpu.memory_space<semaphore_mem>>, %arg10: memref<!tpu.dma_semaphore, #tpu.memory_space<semaphore_mem>>) attributes {dimension_semantics = [#tpu.dimension_semantics<core_parallel>, #tpu.dimension_semantics<subcore_parallel>], iteration_bounds = array<i64: 2, 16>, scalar_prefetch = 0 : i64, scratch_operands = 6 : i64, tpu.core_type = #tpu.core_type<sc_vector_subcore>, window_params = [{transform_indices = #map}, {transform_indices = #map1}, {transform_indices = #map2}]} {
    %mul3A = arith.constant 16 : i32
    %mul3A_0 = arith.muli %arg0, %mul3A : i32
    %add3A = arith.addi %mul3A_0, %arg1 : i32
    %scan3A = arith.constant 0 : i32
    %scan3A_1 = arith.constant 0 : i32
    %scan3A_2 = arith.constant 128 : i32
    %scan3A_3 = arith.addi %scan3A_1, %scan3A_2 : i32
    %scan3A_4 = arith.constant 1 : i32
    %scan3A_5 = scf.for %scan3A_117 = %scan3A_1 to %scan3A_3 step %scan3A_4 iter_args(%scan3A_118 = %scan3A) -> (i32)  : i32 {
      %broadcast_in_dim3A = arith.constant 0.000000e+00 : f32
      %broadcast_in_dim3A_119 = vector.broadcast %broadcast_in_dim3A : f32 to vector<16xf32>
      %swap3A = arith.index_cast %scan3A_117 : i32 to index
      %swap3A_120 = arith.constant 0 : index
      %swap3A_121 = tpu.vector_load %arg6[%swap3A, %swap3A_120] {strides = array<i32>} : memref<128x128xf32, #tpu.memory_space<vmem>>, vector<1x16xf32>,
      %swap3A_122 = vector.shape_cast %swap3A_121 : vector<1x16xf32> to vector<16xf32>
      %swap3A_123 = vector.shape_cast %broadcast_in_dim3A_119 : vector<16xf32> to vector<1x16xf32>
      tpu.vector_store %arg6[%swap3A, %swap3A_120], %swap3A_123 {strides = array<i32>} : memref<128x128xf32, #tpu.memory_space<vmem>>, vector<1x16xf32>,
      %broadcast_in_dim3A_124 = arith.constant 0.000000e+00 : f32
      %broadcast_in_dim3A_125 = vector.broadcast %broadcast_in_dim3A_124 : f32 to vector<16xf32>
      %swap3A_126 = arith.index_cast %scan3A_117 : i32 to index
      %swap3A_127 = arith.constant 16 : index
      %swap3A_128 = tpu.vector_load %arg6[%swap3A_126, %swap3A_127] {strides = array<i32>} : memref<128x128xf32, #tpu.memory_space<vmem>>, vector<1x16xf32>,
      %swap3A_129 = vector.shape_cast %swap3A_128 : vector<1x16xf32> to vector<16xf32>
      %swap3A_130 = vector.shape_cast %broadcast_in_dim3A_125 : vector<16xf32> to vector<1x16xf32>
      tpu.vector_store %arg6[%swap3A_126, %swap3A_127], %swap3A_130 {strides = array<i32>} : memref<128x128xf32, #tpu.memory_space<vmem>>, vector<1x16xf32>,
      %broadcast_in_dim3A_131 = arith.constant 0.000000e+00 : f32
      %broadcast_in_dim3A_132 = vector.broadcast %broadcast_in_dim3A_131 : f32 to vector<16xf32>
      %swap3A_133 = arith.index_cast %scan3A_117 : i32 to index
      %swap3A_134 = arith.constant 32 : index
      %swap3A_135 = tpu.vector_load %arg6[%swap3A_133, %swap3A_134] {strides = array<i32>} : memref<128x128xf32, #tpu.memory_space<vmem>>, vector<1x16xf32>,
      %swap3A_136 = vector.shape_cast %swap3A_135 : vector<1x16xf32> to vector<16xf32>
      %swap3A_137 = vector.shape_cast %broadcast_in_dim3A_132 : vector<16xf32> to vector<1x16xf32>
      tpu.vector_store %arg6[%swap3A_133, %swap3A_134], %swap3A_137 {strides = array<i32>} : memref<128x128xf32, #tpu.memory_space<vmem>>, vector<1x16xf32>,
      %broadcast_in_dim3A_138 = arith.constant 0.000000e+00 : f32
      %broadcast_in_dim3A_139 = vector.broadcast %broadcast_in_dim3A_138 : f32 to vector<16xf32>
      %swap3A_140 = arith.index_cast %scan3A_117 : i32 to index
      %swap3A_141 = arith.constant 48 : index
      %swap3A_142 = tpu.vector_load %arg6[%swap3A_140, %swap3A_141] {strides = array<i32>} : memref<128x128xf32, #tpu.memory_space<vmem>>, vector<1x16xf32>,
      %swap3A_143 = vector.shape_cast %swap3A_142 : vector<1x16xf32> to vector<16xf32>
      %swap3A_144 = vector.shape_cast %broadcast_in_dim3A_139 : vector<16xf32> to vector<1x16xf32>
      tpu.vector_store %arg6[%swap3A_140, %swap3A_141], %swap3A_144 {strides = array<i32>} : memref<128x128xf32, #tpu.memory_space<vmem>>, vector<1x16xf32>,
      %broadcast_in_dim3A_145 = arith.constant 0.000000e+00 : f32
      %broadcast_in_dim3A_146 = vector.broadcast %broadcast_in_dim3A_145 : f32 to vector<16xf32>
      %swap3A_147 = arith.index_cast %scan3A_117 : i32 to index
      %swap3A_148 = arith.constant 64 : index
      %swap3A_149 = tpu.vector_load %arg6[%swap3A_147, %swap3A_148] {strides = array<i32>} : memref<128x128xf32, #tpu.memory_space<vmem>>, vector<1x16xf32>,
      %swap3A_150 = vector.shape_cast %swap3A_149 : vector<1x16xf32> to vector<16xf32>
      %swap3A_151 = vector.shape_cast %broadcast_in_dim3A_146 : vector<16xf32> to vector<1x16xf32>
      tpu.vector_store %arg6[%swap3A_147, %swap3A_148], %swap3A_151 {strides = array<i32>} : memref<128x128xf32, #tpu.memory_space<vmem>>, vector<1x16xf32>,
      %broadcast_in_dim3A_152 = arith.constant 0.000000e+00 : f32
      %broadcast_in_dim3A_153 = vector.broadcast %broadcast_in_dim3A_152 : f32 to vector<16xf32>
      %swap3A_154 = arith.index_cast %scan3A_117 : i32 to index
      %swap3A_155 = arith.constant 80 : index
      %swap3A_156 = tpu.vector_load %arg6[%swap3A_154, %swap3A_155] {strides = array<i32>} : memref<128x128xf32, #tpu.memory_space<vmem>>, vector<1x16xf32>,
      %swap3A_157 = vector.shape_cast %swap3A_156 : vector<1x16xf32> to vector<16xf32>
      %swap3A_158 = vector.shape_cast %broadcast_in_dim3A_153 : vector<16xf32> to vector<1x16xf32>
      tpu.vector_store %arg6[%swap3A_154, %swap3A_155], %swap3A_158 {strides = array<i32>} : memref<128x128xf32, #tpu.memory_space<vmem>>, vector<1x16xf32>,
      %broadcast_in_dim3A_159 = arith.constant 0.000000e+00 : f32
      %broadcast_in_dim3A_160 = vector.broadcast %broadcast_in_dim3A_159 : f32 to vector<16xf32>
      %swap3A_161 = arith.index_cast %scan3A_117 : i32 to index
      %swap3A_162 = arith.constant 96 : index
      %swap3A_163 = tpu.vector_load %arg6[%swap3A_161, %swap3A_162] {strides = array<i32>} : memref<128x128xf32, #tpu.memory_space<vmem>>, vector<1x16xf32>,
      %swap3A_164 = vector.shape_cast %swap3A_163 : vector<1x16xf32> to vector<16xf32>
      %swap3A_165 = vector.shape_cast %broadcast_in_dim3A_160 : vector<16xf32> to vector<1x16xf32>
      tpu.vector_store %arg6[%swap3A_161, %swap3A_162], %swap3A_165 {strides = array<i32>} : memref<128x128xf32, #tpu.memory_space<vmem>>, vector<1x16xf32>,
      %broadcast_in_dim3A_166 = arith.constant 0.000000e+00 : f32
      %broadcast_in_dim3A_167 = vector.broadcast %broadcast_in_dim3A_166 : f32 to vector<16xf32>
      %swap3A_168 = arith.index_cast %scan3A_117 : i32 to index
      %swap3A_169 = arith.constant 112 : index
      %swap3A_170 = tpu.vector_load %arg6[%swap3A_168, %swap3A_169] {strides = array<i32>} : memref<128x128xf32, #tpu.memory_space<vmem>>, vector<1x16xf32>,
      %swap3A_171 = vector.shape_cast %swap3A_170 : vector<1x16xf32> to vector<16xf32>
      %swap3A_172 = vector.shape_cast %broadcast_in_dim3A_167 : vector<16xf32> to vector<1x16xf32>
      tpu.vector_store %arg6[%swap3A_168, %swap3A_169], %swap3A_172 {strides = array<i32>} : memref<128x128xf32, #tpu.memory_space<vmem>>, vector<1x16xf32>,
      %scan3A_173 = arith.constant 0 : i32
      scf.yield %scan3A_173 : i32
    }
    %scan3A_6 = arith.constant 128 : i32
    %mul3A_7 = arith.constant 640 : i32
    %mul3A_8 = arith.muli %arg1, %mul3A_7 : i32
    %add3A_9 = arith.constant 0 : i32
    %add3A_10 = arith.addi %mul3A_8, %add3A_9 : i32
    "tpu.region"() ({
      %run_scoped3A_117 = tpu.sem_alloc : memref<!tpu.dma_semaphore, #tpu.memory_space<semaphore_mem>>
      %dma_start3A_118 = arith.constant 0 : i32
      %dma_start3A_119 = tpu.memref_slice %arg8[%add3A_10, %dma_start3A_118] : memref<10240x128xf32, #tpu.memory_space<vmem_shared>> -> memref<128x128xf32, #tpu.memory_space<vmem_shared>>
      %dma_start3A_120 = arith.constant 0 : i32
      %dma_start3A_121 = tpu.memref_slice %arg8[%add3A_10, %dma_start3A_120] : memref<10240x128xf32, #tpu.memory_space<vmem_shared>> -> memref<128x128xf32, #tpu.memory_space<vmem_shared>>
      tpu.enqueue_dma source(%arg6 : memref<128x128xf32, #tpu.memory_space<vmem>>) target(%dma_start3A_121 : memref<128x128xf32, #tpu.memory_space<vmem_shared>>) target_semaphore(%run_scoped3A_117 : memref<!tpu.dma_semaphore, #tpu.memory_space<semaphore_mem>>)
      %dma_wait3A_122 = arith.constant 0 : i32
      %dma_wait3A_123 = tpu.memref_slice %arg8[%add3A_10, %dma_wait3A_122] : memref<10240x128xf32, #tpu.memory_space<vmem_shared>> -> memref<128x128xf32, #tpu.memory_space<vmem_shared>>
      %dma_wait3A_124 = arith.constant 0 : i32
      %dma_wait3A_125 = tpu.memref_slice %arg8[%add3A_10, %dma_wait3A_124] : memref<10240x128xf32, #tpu.memory_space<vmem_shared>> -> memref<128x128xf32, #tpu.memory_space<vmem_shared>>
      tpu.wait_dma2 semaphore(%run_scoped3A_117 : memref<!tpu.dma_semaphore, #tpu.memory_space<semaphore_mem>>) src(%arg6 : memref<128x128xf32, #tpu.memory_space<vmem>>) dst(%dma_wait3A_125 : memref<128x128xf32, #tpu.memory_space<vmem_shared>>)
      tpu.yield
    }) : () -> ()
    %mul3A_11 = arith.constant 640 : i32
    %mul3A_12 = arith.muli %arg1, %mul3A_11 : i32
    %add3A_13 = arith.constant 128 : i32
    %add3A_14 = arith.addi %mul3A_12, %add3A_13 : i32
    "tpu.region"() ({
      %run_scoped3A_117 = tpu.sem_alloc : memref<!tpu.dma_semaphore, #tpu.memory_space<semaphore_mem>>
      %dma_start3A_118 = arith.constant 0 : i32
      %dma_start3A_119 = tpu.memref_slice %arg8[%add3A_14, %dma_start3A_118] : memref<10240x128xf32, #tpu.memory_space<vmem_shared>> -> memref<128x128xf32, #tpu.memory_space<vmem_shared>>
      %dma_start3A_120 = arith.constant 0 : i32
      %dma_start3A_121 = tpu.memref_slice %arg8[%add3A_14, %dma_start3A_120] : memref<10240x128xf32, #tpu.memory_space<vmem_shared>> -> memref<128x128xf32, #tpu.memory_space<vmem_shared>>
      tpu.enqueue_dma source(%arg6 : memref<128x128xf32, #tpu.memory_space<vmem>>) target(%dma_start3A_121 : memref<128x128xf32, #tpu.memory_space<vmem_shared>>) target_semaphore(%run_scoped3A_117 : memref<!tpu.dma_semaphore, #tpu.memory_space<semaphore_mem>>)
      %dma_wait3A_122 = arith.constant 0 : i32
      %dma_wait3A_123 = tpu.memref_slice %arg8[%add3A_14, %dma_wait3A_122] : memref<10240x128xf32, #tpu.memory_space<vmem_shared>> -> memref<128x128xf32, #tpu.memory_space<vmem_shared>>
      %dma_wait3A_124 = arith.constant 0 : i32
      %dma_wait3A_125 = tpu.memref_slice %arg8[%add3A_14, %dma_wait3A_124] : memref<10240x128xf32, #tpu.memory_space<vmem_shared>> -> memref<128x128xf32, #tpu.memory_space<vmem_shared>>
      tpu.wait_dma2 semaphore(%run_scoped3A_117 : memref<!tpu.dma_semaphore, #tpu.memory_space<semaphore_mem>>) src(%arg6 : memref<128x128xf32, #tpu.memory_space<vmem>>) dst(%dma_wait3A_125 : memref<128x128xf32, #tpu.memory_space<vmem_shared>>)
      tpu.yield
    }) : () -> ()
    %mul3A_15 = arith.constant 640 : i32
    %mul3A_16 = arith.muli %arg1, %mul3A_15 : i32
    %add3A_17 = arith.constant 256 : i32
    %add3A_18 = arith.addi %mul3A_16, %add3A_17 : i32
    "tpu.region"() ({
      %run_scoped3A_117 = tpu.sem_alloc : memref<!tpu.dma_semaphore, #tpu.memory_space<semaphore_mem>>
      %dma_start3A_118 = arith.constant 0 : i32
      %dma_start3A_119 = tpu.memref_slice %arg8[%add3A_18, %dma_start3A_118] : memref<10240x128xf32, #tpu.memory_space<vmem_shared>> -> memref<128x128xf32, #tpu.memory_space<vmem_shared>>
      %dma_start3A_120 = arith.constant 0 : i32
      %dma_start3A_121 = tpu.memref_slice %arg8[%add3A_18, %dma_start3A_120] : memref<10240x128xf32, #tpu.memory_space<vmem_shared>> -> memref<128x128xf32, #tpu.memory_space<vmem_shared>>
      tpu.enqueue_dma source(%arg6 : memref<128x128xf32, #tpu.memory_space<vmem>>) target(%dma_start3A_121 : memref<128x128xf32, #tpu.memory_space<vmem_shared>>) target_semaphore(%run_scoped3A_117 : memref<!tpu.dma_semaphore, #tpu.memory_space<semaphore_mem>>)
      %dma_wait3A_122 = arith.constant 0 : i32
      %dma_wait3A_123 = tpu.memref_slice %arg8[%add3A_18, %dma_wait3A_122] : memref<10240x128xf32, #tpu.memory_space<vmem_shared>> -> memref<128x128xf32, #tpu.memory_space<vmem_shared>>
      %dma_wait3A_124 = arith.constant 0 : i32
      %dma_wait3A_125 = tpu.memref_slice %arg8[%add3A_18, %dma_wait3A_124] : memref<10240x128xf32, #tpu.memory_space<vmem_shared>> -> memref<128x128xf32, #tpu.memory_space<vmem_shared>>
      tpu.wait_dma2 semaphore(%run_scoped3A_117 : memref<!tpu.dma_semaphore, #tpu.memory_space<semaphore_mem>>) src(%arg6 : memref<128x128xf32, #tpu.memory_space<vmem>>) dst(%dma_wait3A_125 : memref<128x128xf32, #tpu.memory_space<vmem_shared>>)
      tpu.yield
    }) : () -> ()
    %mul3A_19 = arith.constant 640 : i32
    %mul3A_20 = arith.muli %arg1, %mul3A_19 : i32
    %add3A_21 = arith.constant 384 : i32
    %add3A_22 = arith.addi %mul3A_20, %add3A_21 : i32
    "tpu.region"() ({
      %run_scoped3A_117 = tpu.sem_alloc : memref<!tpu.dma_semaphore, #tpu.memory_space<semaphore_mem>>
      %dma_start3A_118 = arith.constant 0 : i32
      %dma_start3A_119 = tpu.memref_slice %arg8[%add3A_22, %dma_start3A_118] : memref<10240x128xf32, #tpu.memory_space<vmem_shared>> -> memref<128x128xf32, #tpu.memory_space<vmem_shared>>
      %dma_start3A_120 = arith.constant 0 : i32
      %dma_start3A_121 = tpu.memref_slice %arg8[%add3A_22, %dma_start3A_120] : memref<10240x128xf32, #tpu.memory_space<vmem_shared>> -> memref<128x128xf32, #tpu.memory_space<vmem_shared>>
      tpu.enqueue_dma source(%arg6 : memref<128x128xf32, #tpu.memory_space<vmem>>) target(%dma_start3A_121 : memref<128x128xf32, #tpu.memory_space<vmem_shared>>) target_semaphore(%run_scoped3A_117 : memref<!tpu.dma_semaphore, #tpu.memory_space<semaphore_mem>>)
      %dma_wait3A_122 = arith.constant 0 : i32
      %dma_wait3A_123 = tpu.memref_slice %arg8[%add3A_22, %dma_wait3A_122] : memref<10240x128xf32, #tpu.memory_space<vmem_shared>> -> memref<128x128xf32, #tpu.memory_space<vmem_shared>>
      %dma_wait3A_124 = arith.constant 0 : i32
      %dma_wait3A_125 = tpu.memref_slice %arg8[%add3A_22, %dma_wait3A_124] : memref<10240x128xf32, #tpu.memory_space<vmem_shared>> -> memref<128x128xf32, #tpu.memory_space<vmem_shared>>
      tpu.wait_dma2 semaphore(%run_scoped3A_117 : memref<!tpu.dma_semaphore, #tpu.memory_space<semaphore_mem>>) src(%arg6 : memref<128x128xf32, #tpu.memory_space<vmem>>) dst(%dma_wait3A_125 : memref<128x128xf32, #tpu.memory_space<vmem_shared>>)
      tpu.yield
    }) : () -> ()
    %mul3A_23 = arith.constant 640 : i32
    %mul3A_24 = arith.muli %arg1, %mul3A_23 : i32
    %add3A_25 = arith.constant 512 : i32
    %add3A_26 = arith.addi %mul3A_24, %add3A_25 : i32
    "tpu.region"() ({
      %run_scoped3A_117 = tpu.sem_alloc : memref<!tpu.dma_semaphore, #tpu.memory_space<semaphore_mem>>
      %dma_start3A_118 = arith.constant 0 : i32
      %dma_start3A_119 = tpu.memref_slice %arg8[%add3A_26, %dma_start3A_118] : memref<10240x128xf32, #tpu.memory_space<vmem_shared>> -> memref<128x128xf32, #tpu.memory_space<vmem_shared>>
      %dma_start3A_120 = arith.constant 0 : i32
      %dma_start3A_121 = tpu.memref_slice %arg8[%add3A_26, %dma_start3A_120] : memref<10240x128xf32, #tpu.memory_space<vmem_shared>> -> memref<128x128xf32, #tpu.memory_space<vmem_shared>>
      tpu.enqueue_dma source(%arg6 : memref<128x128xf32, #tpu.memory_space<vmem>>) target(%dma_start3A_121 : memref<128x128xf32, #tpu.memory_space<vmem_shared>>) target_semaphore(%run_scoped3A_117 : memref<!tpu.dma_semaphore, #tpu.memory_space<semaphore_mem>>)
      %dma_wait3A_122 = arith.constant 0 : i32
      %dma_wait3A_123 = tpu.memref_slice %arg8[%add3A_26, %dma_wait3A_122] : memref<10240x128xf32, #tpu.memory_space<vmem_shared>> -> memref<128x128xf32, #tpu.memory_space<vmem_shared>>
      %dma_wait3A_124 = arith.constant 0 : i32
      %dma_wait3A_125 = tpu.memref_slice %arg8[%add3A_26, %dma_wait3A_124] : memref<10240x128xf32, #tpu.memory_space<vmem_shared>> -> memref<128x128xf32, #tpu.memory_space<vmem_shared>>
      tpu.wait_dma2 semaphore(%run_scoped3A_117 : memref<!tpu.dma_semaphore, #tpu.memory_space<semaphore_mem>>) src(%arg6 : memref<128x128xf32, #tpu.memory_space<vmem>>) dst(%dma_wait3A_125 : memref<128x128xf32, #tpu.memory_space<vmem_shared>>)
      tpu.yield
    }) : () -> ()
    %run_scoped3A = arith.constant 0 : i32
    "tpu.region"() ({
      %run_scoped3A_117 = tpu.sem_alloc : memref<!tpu.dma_semaphore, #tpu.memory_space<semaphore_mem>>
      %dma_start3A_118 = arith.constant 0 : i32
      %dma_start3A_119 = arith.constant 0 : i32
      %dma_start3A_120 = arith.constant 0 : i32
      %dma_start3A_121 = tpu.memref_slice %arg3[%add3A, %run_scoped3A, %dma_start3A_118, %dma_start3A_119, %dma_start3A_120] : memref<32x2x2x40x128xi32, #tpu.memory_space<hbm>> -> memref<1x1x2x40x128xi32, #tpu.memory_space<hbm>>
      %dma_start3A_122 = tpu.memref_squeeze %dma_start3A_121 : memref<1x1x2x40x128xi32, #tpu.memory_space<hbm>> -> memref<2x40x128xi32, #tpu.memory_space<hbm>>
      %dma_start3A_123 = arith.constant 0 : i32
      %dma_start3A_124 = arith.constant 0 : i32
      %dma_start3A_125 = arith.constant 0 : i32
      %dma_start3A_126 = tpu.memref_slice %arg3[%add3A, %run_scoped3A, %dma_start3A_123, %dma_start3A_124, %dma_start3A_125] : memref<32x2x2x40x128xi32, #tpu.memory_space<hbm>> -> memref<1x1x2x40x128xi32, #tpu.memory_space<hbm>>
      %dma_start3A_127 = tpu.memref_squeeze %dma_start3A_126 : memref<1x1x2x40x128xi32, #tpu.memory_space<hbm>> -> memref<2x40x128xi32, #tpu.memory_space<hbm>>
      tpu.enqueue_dma source(%dma_start3A_127 : memref<2x40x128xi32, #tpu.memory_space<hbm>>) target(%arg5 : memref<2x40x128xi32, #tpu.memory_space<vmem>>) target_semaphore(%run_scoped3A_117 : memref<!tpu.dma_semaphore, #tpu.memory_space<semaphore_mem>>)
      %dma_wait3A_128 = arith.constant 0 : i32
      %dma_wait3A_129 = arith.constant 0 : i32
      %dma_wait3A_130 = arith.constant 0 : i32
      %dma_wait3A_131 = tpu.memref_slice %arg3[%add3A, %run_scoped3A, %dma_wait3A_128, %dma_wait3A_129, %dma_wait3A_130] : memref<32x2x2x40x128xi32, #tpu.memory_space<hbm>> -> memref<1x1x2x40x128xi32, #tpu.memory_space<hbm>>
      %dma_wait3A_132 = tpu.memref_squeeze %dma_wait3A_131 : memref<1x1x2x40x128xi32, #tpu.memory_space<hbm>> -> memref<2x40x128xi32, #tpu.memory_space<hbm>>
      %dma_wait3A_133 = arith.constant 0 : i32
      %dma_wait3A_134 = arith.constant 0 : i32
      %dma_wait3A_135 = arith.constant 0 : i32
      %dma_wait3A_136 = tpu.memref_slice %arg3[%add3A, %run_scoped3A, %dma_wait3A_133, %dma_wait3A_134, %dma_wait3A_135] : memref<32x2x2x40x128xi32, #tpu.memory_space<hbm>> -> memref<1x1x2x40x128xi32, #tpu.memory_space<hbm>>
      %dma_wait3A_137 = tpu.memref_squeeze %dma_wait3A_136 : memref<1x1x2x40x128xi32, #tpu.memory_space<hbm>> -> memref<2x40x128xi32, #tpu.memory_space<hbm>>
      tpu.wait_dma2 semaphore(%run_scoped3A_117 : memref<!tpu.dma_semaphore, #tpu.memory_space<semaphore_mem>>) src(%dma_wait3A_137 : memref<2x40x128xi32, #tpu.memory_space<hbm>>) dst(%arg5 : memref<2x40x128xi32, #tpu.memory_space<vmem>>)
      tpu.yield
    }) : () -> ()
    %dma_start3A = arith.constant 0 : i32
    %dma_start3A_27 = arith.constant 0 : i32
    %dma_start3A_28 = arith.constant 0 : i32
    %dma_start3A_29 = tpu.memref_slice %arg5[%dma_start3A, %dma_start3A_27, %dma_start3A_28] : memref<2x40x128xi32, #tpu.memory_space<vmem>> -> memref<1x1x128xi32, #tpu.memory_space<vmem>>
    %dma_start3A_30 = tpu.memref_squeeze %dma_start3A_29 : memref<1x1x128xi32, #tpu.memory_space<vmem>> -> memref<128xi32, #tpu.memory_space<vmem>>
    %dma_start3A_31 = arith.constant 0 : i32
    %dma_start3A_32 = arith.constant 0 : i32
    %dma_start3A_33 = tpu.memref_slice %arg2[%dma_start3A_31, %dma_start3A_32] : memref<10000x128xf32, #tpu.memory_space<hbm>> -> memref<10000x128xf32, #tpu.memory_space<hbm>>
    tpu.enqueue_indirect_dma source(%dma_start3A_33 : memref<10000x128xf32, #tpu.memory_space<hbm>>) target(%arg6 : memref<128x128xf32, #tpu.memory_space<vmem>>) offsets(%dma_start3A_30 : memref<128xi32, #tpu.memory_space<vmem>>) semaphore(%arg9 : memref<!tpu.dma_semaphore, #tpu.memory_space<semaphore_mem>>)
    %dma_start3A_34 = arith.constant 0 : i32
    %dma_start3A_35 = arith.constant 1 : i32
    %dma_start3A_36 = arith.constant 0 : i32
    %dma_start3A_37 = tpu.memref_slice %arg5[%dma_start3A_34, %dma_start3A_35, %dma_start3A_36] : memref<2x40x128xi32, #tpu.memory_space<vmem>> -> memref<1x1x128xi32, #tpu.memory_space<vmem>>
    %dma_start3A_38 = tpu.memref_squeeze %dma_start3A_37 : memref<1x1x128xi32, #tpu.memory_space<vmem>> -> memref<128xi32, #tpu.memory_space<vmem>>
    %dma_start3A_39 = arith.constant 0 : i32
    %dma_start3A_40 = arith.constant 0 : i32
    %dma_start3A_41 = tpu.memref_slice %arg2[%dma_start3A_39, %dma_start3A_40] : memref<10000x128xf32, #tpu.memory_space<hbm>> -> memref<10000x128xf32, #tpu.memory_space<hbm>>
    tpu.enqueue_indirect_dma source(%dma_start3A_41 : memref<10000x128xf32, #tpu.memory_space<hbm>>) target(%arg7 : memref<128x128xf32, #tpu.memory_space<vmem>>) offsets(%dma_start3A_38 : memref<128xi32, #tpu.memory_space<vmem>>) semaphore(%arg10 : memref<!tpu.dma_semaphore, #tpu.memory_space<semaphore_mem>>)
    %barrier3A = arith.constant 0 : index
    tpu.barrier barrier_id(%barrier3A)
    %scan3A_42 = arith.constant 0 : i32
    %scan3A_43 = arith.constant 0 : i32
    %scan3A_44 = arith.constant 19 : i32
    %scan3A_45 = arith.addi %scan3A_43, %scan3A_44 : i32
    %scan3A_46 = arith.constant 1 : i32
    %scan3A_47 = scf.for %scan3A_117 = %scan3A_43 to %scan3A_45 step %scan3A_46 iter_args(%scan3A_118 = %scan3A_42) -> (i32)  : i32 {
      %mul3A_119 = arith.constant 2 : i32
      %mul3A_120 = arith.muli %mul3A_119, %scan3A_117 : i32
      %dma_wait3A_121 = arith.constant 0 : i32
      %dma_wait3A_122 = arith.constant 0 : i32
      %dma_wait3A_123 = tpu.memref_slice %arg5[%dma_wait3A_121, %mul3A_120, %dma_wait3A_122] : memref<2x40x128xi32, #tpu.memory_space<vmem>> -> memref<1x1x128xi32, #tpu.memory_space<vmem>>
      %dma_wait3A_124 = tpu.memref_squeeze %dma_wait3A_123 : memref<1x1x128xi32, #tpu.memory_space<vmem>> -> memref<128xi32, #tpu.memory_space<vmem>>
      %dma_wait3A_125 = arith.constant 0 : i32
      %dma_wait3A_126 = arith.constant 0 : i32
      %dma_wait3A_127 = tpu.memref_slice %arg2[%dma_wait3A_125, %dma_wait3A_126] : memref<10000x128xf32, #tpu.memory_space<hbm>> -> memref<10000x128xf32, #tpu.memory_space<hbm>>
      tpu.wait_indirect_dma semaphore(%arg9 : memref<!tpu.dma_semaphore, #tpu.memory_space<semaphore_mem>>) src(%dma_wait3A_127 : memref<10000x128xf32, #tpu.memory_space<hbm>>) dst(%arg6 : memref<128x128xf32, #tpu.memory_space<vmem>>)
      %run_scoped3A_128 = arith.constant 1 : i32
      "tpu.region"() ({
        %run_scoped3A_158 = tpu.sem_alloc : memref<!tpu.dma_semaphore, #tpu.memory_space<semaphore_mem>>
        %dma_start3A_159 = arith.constant 0 : i32
        %dma_start3A_160 = tpu.memref_slice %arg5[%run_scoped3A_128, %mul3A_120, %dma_start3A_159] : memref<2x40x128xi32, #tpu.memory_space<vmem>> -> memref<1x1x128xi32, #tpu.memory_space<vmem>>
        %dma_start3A_161 = tpu.memref_squeeze %dma_start3A_160 : memref<1x1x128xi32, #tpu.memory_space<vmem>> -> memref<128xi32, #tpu.memory_space<vmem>>
        %dma_start3A_162 = arith.constant 0 : i32
        %dma_start3A_163 = arith.constant 0 : i32
        %dma_start3A_164 = tpu.memref_slice %arg8[%dma_start3A_162, %dma_start3A_163] : memref<10240x128xf32, #tpu.memory_space<vmem_shared>> -> memref<10240x128xf32, #tpu.memory_space<vmem_shared>>
        tpu.enqueue_indirect_dma source(%arg6 : memref<128x128xf32, #tpu.memory_space<vmem>>) target(%dma_start3A_164 : memref<10240x128xf32, #tpu.memory_space<vmem_shared>>) offsets(%dma_start3A_161 : memref<128xi32, #tpu.memory_space<vmem>>) semaphore(%run_scoped3A_158 : memref<!tpu.dma_semaphore, #tpu.memory_space<semaphore_mem>>) {add = true}
        %dma_wait3A_165 = arith.constant 0 : i32
        %dma_wait3A_166 = tpu.memref_slice %arg5[%run_scoped3A_128, %mul3A_120, %dma_wait3A_165] : memref<2x40x128xi32, #tpu.memory_space<vmem>> -> memref<1x1x128xi32, #tpu.memory_space<vmem>>
        %dma_wait3A_167 = tpu.memref_squeeze %dma_wait3A_166 : memref<1x1x128xi32, #tpu.memory_space<vmem>> -> memref<128xi32, #tpu.memory_space<vmem>>
        %dma_wait3A_168 = arith.constant 0 : i32
        %dma_wait3A_169 = arith.constant 0 : i32
        %dma_wait3A_170 = tpu.memref_slice %arg8[%dma_wait3A_168, %dma_wait3A_169] : memref<10240x128xf32, #tpu.memory_space<vmem_shared>> -> memref<10240x128xf32, #tpu.memory_space<vmem_shared>>
        tpu.wait_indirect_dma semaphore(%run_scoped3A_158 : memref<!tpu.dma_semaphore, #tpu.memory_space<semaphore_mem>>) src(%arg6 : memref<128x128xf32, #tpu.memory_space<vmem>>) dst(%dma_wait3A_170 : memref<10240x128xf32, #tpu.memory_space<vmem_shared>>)
        tpu.yield
      }) : () -> ()
      %add3A_129 = arith.constant 2 : i32
      %add3A_130 = arith.addi %mul3A_120, %add3A_129 : i32
      %dma_start3A_131 = arith.constant 0 : i32
      %dma_start3A_132 = arith.constant 0 : i32
      %dma_start3A_133 = tpu.memref_slice %arg5[%dma_start3A_131, %add3A_130, %dma_start3A_132] : memref<2x40x128xi32, #tpu.memory_space<vmem>> -> memref<1x1x128xi32, #tpu.memory_space<vmem>>
      %dma_start3A_134 = tpu.memref_squeeze %dma_start3A_133 : memref<1x1x128xi32, #tpu.memory_space<vmem>> -> memref<128xi32, #tpu.memory_space<vmem>>
      %dma_start3A_135 = arith.constant 0 : i32
      %dma_start3A_136 = arith.constant 0 : i32
      %dma_start3A_137 = tpu.memref_slice %arg2[%dma_start3A_135, %dma_start3A_136] : memref<10000x128xf32, #tpu.memory_space<hbm>> -> memref<10000x128xf32, #tpu.memory_space<hbm>>
      tpu.enqueue_indirect_dma source(%dma_start3A_137 : memref<10000x128xf32, #tpu.memory_space<hbm>>) target(%arg6 : memref<128x128xf32, #tpu.memory_space<vmem>>) offsets(%dma_start3A_134 : memref<128xi32, #tpu.memory_space<vmem>>) semaphore(%arg9 : memref<!tpu.dma_semaphore, #tpu.memory_space<semaphore_mem>>)
      %add3A_138 = arith.constant 1 : i32
      %add3A_139 = arith.addi %mul3A_120, %add3A_138 : i32
      %dma_wait3A_140 = arith.constant 0 : i32
      %dma_wait3A_141 = arith.constant 0 : i32
      %dma_wait3A_142 = tpu.memref_slice %arg5[%dma_wait3A_140, %add3A_139, %dma_wait3A_141] : memref<2x40x128xi32, #tpu.memory_space<vmem>> -> memref<1x1x128xi32, #tpu.memory_space<vmem>>
      %dma_wait3A_143 = tpu.memref_squeeze %dma_wait3A_142 : memref<1x1x128xi32, #tpu.memory_space<vmem>> -> memref<128xi32, #tpu.memory_space<vmem>>
      %dma_wait3A_144 = arith.constant 0 : i32
      %dma_wait3A_145 = arith.constant 0 : i32
      %dma_wait3A_146 = tpu.memref_slice %arg2[%dma_wait3A_144, %dma_wait3A_145] : memref<10000x128xf32, #tpu.memory_space<hbm>> -> memref<10000x128xf32, #tpu.memory_space<hbm>>
      tpu.wait_indirect_dma semaphore(%arg10 : memref<!tpu.dma_semaphore, #tpu.memory_space<semaphore_mem>>) src(%dma_wait3A_146 : memref<10000x128xf32, #tpu.memory_space<hbm>>) dst(%arg7 : memref<128x128xf32, #tpu.memory_space<vmem>>)
      %run_scoped3A_147 = arith.constant 1 : i32
      "tpu.region"() ({
        %run_scoped3A_158 = tpu.sem_alloc : memref<!tpu.dma_semaphore, #tpu.memory_space<semaphore_mem>>
        %dma_start3A_159 = arith.constant 0 : i32
        %dma_start3A_160 = tpu.memref_slice %arg5[%run_scoped3A_147, %add3A_139, %dma_start3A_159] : memref<2x40x128xi32, #tpu.memory_space<vmem>> -> memref<1x1x128xi32, #tpu.memory_space<vmem>>
        %dma_start3A_161 = tpu.memref_squeeze %dma_start3A_160 : memref<1x1x128xi32, #tpu.memory_space<vmem>> -> memref<128xi32, #tpu.memory_space<vmem>>
        %dma_start3A_162 = arith.constant 0 : i32
        %dma_start3A_163 = arith.constant 0 : i32
        %dma_start3A_164 = tpu.memref_slice %arg8[%dma_start3A_162, %dma_start3A_163] : memref<10240x128xf32, #tpu.memory_space<vmem_shared>> -> memref<10240x128xf32, #tpu.memory_space<vmem_shared>>
        tpu.enqueue_indirect_dma source(%arg7 : memref<128x128xf32, #tpu.memory_space<vmem>>) target(%dma_start3A_164 : memref<10240x128xf32, #tpu.memory_space<vmem_shared>>) offsets(%dma_start3A_161 : memref<128xi32, #tpu.memory_space<vmem>>) semaphore(%run_scoped3A_158 : memref<!tpu.dma_semaphore, #tpu.memory_space<semaphore_mem>>) {add = true}
        %dma_wait3A_165 = arith.constant 0 : i32
        %dma_wait3A_166 = tpu.memref_slice %arg5[%run_scoped3A_147, %add3A_139, %dma_wait3A_165] : memref<2x40x128xi32, #tpu.memory_space<vmem>> -> memref<1x1x128xi32, #tpu.memory_space<vmem>>
        %dma_wait3A_167 = tpu.memref_squeeze %dma_wait3A_166 : memref<1x1x128xi32, #tpu.memory_space<vmem>> -> memref<128xi32, #tpu.memory_space<vmem>>
        %dma_wait3A_168 = arith.constant 0 : i32
        %dma_wait3A_169 = arith.constant 0 : i32
        %dma_wait3A_170 = tpu.memref_slice %arg8[%dma_wait3A_168, %dma_wait3A_169] : memref<10240x128xf32, #tpu.memory_space<vmem_shared>> -> memref<10240x128xf32, #tpu.memory_space<vmem_shared>>
        tpu.wait_indirect_dma semaphore(%run_scoped3A_158 : memref<!tpu.dma_semaphore, #tpu.memory_space<semaphore_mem>>) src(%arg7 : memref<128x128xf32, #tpu.memory_space<vmem>>) dst(%dma_wait3A_170 : memref<10240x128xf32, #tpu.memory_space<vmem_shared>>)
        tpu.yield
      }) : () -> ()
      %add3A_148 = arith.constant 3 : i32
      %add3A_149 = arith.addi %mul3A_120, %add3A_148 : i32
      %dma_start3A_150 = arith.constant 0 : i32
      %dma_start3A_151 = arith.constant 0 : i32
      %dma_start3A_152 = tpu.memref_slice %arg5[%dma_start3A_150, %add3A_149, %dma_start3A_151] : memref<2x40x128xi32, #tpu.memory_space<vmem>> -> memref<1x1x128xi32, #tpu.memory_space<vmem>>
      %dma_start3A_153 = tpu.memref_squeeze %dma_start3A_152 : memref<1x1x128xi32, #tpu.memory_space<vmem>> -> memref<128xi32, #tpu.memory_space<vmem>>
      %dma_start3A_154 = arith.constant 0 : i32
      %dma_start3A_155 = arith.constant 0 : i32
      %dma_start3A_156 = tpu.memref_slice %arg2[%dma_start3A_154, %dma_start3A_155] : memref<10000x128xf32, #tpu.memory_space<hbm>> -> memref<10000x128xf32, #tpu.memory_space<hbm>>
      tpu.enqueue_indirect_dma source(%dma_start3A_156 : memref<10000x128xf32, #tpu.memory_space<hbm>>) target(%arg7 : memref<128x128xf32, #tpu.memory_space<vmem>>) offsets(%dma_start3A_153 : memref<128xi32, #tpu.memory_space<vmem>>) semaphore(%arg10 : memref<!tpu.dma_semaphore, #tpu.memory_space<semaphore_mem>>)
      %scan3A_157 = arith.constant 0 : i32
      scf.yield %scan3A_157 : i32
    }
    %scan3A_48 = arith.constant 19 : i32
    %dma_wait3A = arith.constant 0 : i32
    %dma_wait3A_49 = arith.constant 38 : i32
    %dma_wait3A_50 = arith.constant 0 : i32
    %dma_wait3A_51 = tpu.memref_slice %arg5[%dma_wait3A, %dma_wait3A_49, %dma_wait3A_50] : memref<2x40x128xi32, #tpu.memory_space<vmem>> -> memref<1x1x128xi32, #tpu.memory_space<vmem>>
    %dma_wait3A_52 = tpu.memref_squeeze %dma_wait3A_51 : memref<1x1x128xi32, #tpu.memory_space<vmem>> -> memref<128xi32, #tpu.memory_space<vmem>>
    %dma_wait3A_53 = arith.constant 0 : i32
    %dma_wait3A_54 = arith.constant 0 : i32
    %dma_wait3A_55 = tpu.memref_slice %arg2[%dma_wait3A_53, %dma_wait3A_54] : memref<10000x128xf32, #tpu.memory_space<hbm>> -> memref<10000x128xf32, #tpu.memory_space<hbm>>
    tpu.wait_indirect_dma semaphore(%arg9 : memref<!tpu.dma_semaphore, #tpu.memory_space<semaphore_mem>>) src(%dma_wait3A_55 : memref<10000x128xf32, #tpu.memory_space<hbm>>) dst(%arg6 : memref<128x128xf32, #tpu.memory_space<vmem>>)
    %run_scoped3A_56 = arith.constant 1 : i32
    %run_scoped3A_57 = arith.constant 38 : i32
    "tpu.region"() ({
      %run_scoped3A_117 = tpu.sem_alloc : memref<!tpu.dma_semaphore, #tpu.memory_space<semaphore_mem>>
      %dma_start3A_118 = arith.constant 0 : i32
      %dma_start3A_119 = tpu.memref_slice %arg5[%run_scoped3A_56, %run_scoped3A_57, %dma_start3A_118] : memref<2x40x128xi32, #tpu.memory_space<vmem>> -> memref<1x1x128xi32, #tpu.memory_space<vmem>>
      %dma_start3A_120 = tpu.memref_squeeze %dma_start3A_119 : memref<1x1x128xi32, #tpu.memory_space<vmem>> -> memref<128xi32, #tpu.memory_space<vmem>>
      %dma_start3A_121 = arith.constant 0 : i32
      %dma_start3A_122 = arith.constant 0 : i32
      %dma_start3A_123 = tpu.memref_slice %arg8[%dma_start3A_121, %dma_start3A_122] : memref<10240x128xf32, #tpu.memory_space<vmem_shared>> -> memref<10240x128xf32, #tpu.memory_space<vmem_shared>>
      tpu.enqueue_indirect_dma source(%arg6 : memref<128x128xf32, #tpu.memory_space<vmem>>) target(%dma_start3A_123 : memref<10240x128xf32, #tpu.memory_space<vmem_shared>>) offsets(%dma_start3A_120 : memref<128xi32, #tpu.memory_space<vmem>>) semaphore(%run_scoped3A_117 : memref<!tpu.dma_semaphore, #tpu.memory_space<semaphore_mem>>) {add = true}
      %dma_wait3A_124 = arith.constant 0 : i32
      %dma_wait3A_125 = tpu.memref_slice %arg5[%run_scoped3A_56, %run_scoped3A_57, %dma_wait3A_124] : memref<2x40x128xi32, #tpu.memory_space<vmem>> -> memref<1x1x128xi32, #tpu.memory_space<vmem>>
      %dma_wait3A_126 = tpu.memref_squeeze %dma_wait3A_125 : memref<1x1x128xi32, #tpu.memory_space<vmem>> -> memref<128xi32, #tpu.memory_space<vmem>>
      %dma_wait3A_127 = arith.constant 0 : i32
      %dma_wait3A_128 = arith.constant 0 : i32
      %dma_wait3A_129 = tpu.memref_slice %arg8[%dma_wait3A_127, %dma_wait3A_128] : memref<10240x128xf32, #tpu.memory_space<vmem_shared>> -> memref<10240x128xf32, #tpu.memory_space<vmem_shared>>
      tpu.wait_indirect_dma semaphore(%run_scoped3A_117 : memref<!tpu.dma_semaphore, #tpu.memory_space<semaphore_mem>>) src(%arg6 : memref<128x128xf32, #tpu.memory_space<vmem>>) dst(%dma_wait3A_129 : memref<10240x128xf32, #tpu.memory_space<vmem_shared>>)
      tpu.yield
    }) : () -> ()
    %dma_wait3A_58 = arith.constant 0 : i32
    %dma_wait3A_59 = arith.constant 39 : i32
    %dma_wait3A_60 = arith.constant 0 : i32
    %dma_wait3A_61 = tpu.memref_slice %arg5[%dma_wait3A_58, %dma_wait3A_59, %dma_wait3A_60] : memref<2x40x128xi32, #tpu.memory_space<vmem>> -> memref<1x1x128xi32, #tpu.memory_space<vmem>>
    %dma_wait3A_62 = tpu.memref_squeeze %dma_wait3A_61 : memref<1x1x128xi32, #tpu.memory_space<vmem>> -> memref<128xi32, #tpu.memory_space<vmem>>
    %dma_wait3A_63 = arith.constant 0 : i32
    %dma_wait3A_64 = arith.constant 0 : i32
    %dma_wait3A_65 = tpu.memref_slice %arg2[%dma_wait3A_63, %dma_wait3A_64] : memref<10000x128xf32, #tpu.memory_space<hbm>> -> memref<10000x128xf32, #tpu.memory_space<hbm>>
    tpu.wait_indirect_dma semaphore(%arg10 : memref<!tpu.dma_semaphore, #tpu.memory_space<semaphore_mem>>) src(%dma_wait3A_65 : memref<10000x128xf32, #tpu.memory_space<hbm>>) dst(%arg7 : memref<128x128xf32, #tpu.memory_space<vmem>>)
    %run_scoped3A_66 = arith.constant 1 : i32
    %run_scoped3A_67 = arith.constant 39 : i32
    "tpu.region"() ({
      %run_scoped3A_117 = tpu.sem_alloc : memref<!tpu.dma_semaphore, #tpu.memory_space<semaphore_mem>>
      %dma_start3A_118 = arith.constant 0 : i32
      %dma_start3A_119 = tpu.memref_slice %arg5[%run_scoped3A_66, %run_scoped3A_67, %dma_start3A_118] : memref<2x40x128xi32, #tpu.memory_space<vmem>> -> memref<1x1x128xi32, #tpu.memory_space<vmem>>
      %dma_start3A_120 = tpu.memref_squeeze %dma_start3A_119 : memref<1x1x128xi32, #tpu.memory_space<vmem>> -> memref<128xi32, #tpu.memory_space<vmem>>
      %dma_start3A_121 = arith.constant 0 : i32
      %dma_start3A_122 = arith.constant 0 : i32
      %dma_start3A_123 = tpu.memref_slice %arg8[%dma_start3A_121, %dma_start3A_122] : memref<10240x128xf32, #tpu.memory_space<vmem_shared>> -> memref<10240x128xf32, #tpu.memory_space<vmem_shared>>
      tpu.enqueue_indirect_dma source(%arg7 : memref<128x128xf32, #tpu.memory_space<vmem>>) target(%dma_start3A_123 : memref<10240x128xf32, #tpu.memory_space<vmem_shared>>) offsets(%dma_start3A_120 : memref<128xi32, #tpu.memory_space<vmem>>) semaphore(%run_scoped3A_117 : memref<!tpu.dma_semaphore, #tpu.memory_space<semaphore_mem>>) {add = true}
      %dma_wait3A_124 = arith.constant 0 : i32
      %dma_wait3A_125 = tpu.memref_slice %arg5[%run_scoped3A_66, %run_scoped3A_67, %dma_wait3A_124] : memref<2x40x128xi32, #tpu.memory_space<vmem>> -> memref<1x1x128xi32, #tpu.memory_space<vmem>>
      %dma_wait3A_126 = tpu.memref_squeeze %dma_wait3A_125 : memref<1x1x128xi32, #tpu.memory_space<vmem>> -> memref<128xi32, #tpu.memory_space<vmem>>
      %dma_wait3A_127 = arith.constant 0 : i32
      %dma_wait3A_128 = arith.constant 0 : i32
      %dma_wait3A_129 = tpu.memref_slice %arg8[%dma_wait3A_127, %dma_wait3A_128] : memref<10240x128xf32, #tpu.memory_space<vmem_shared>> -> memref<10240x128xf32, #tpu.memory_space<vmem_shared>>
      tpu.wait_indirect_dma semaphore(%run_scoped3A_117 : memref<!tpu.dma_semaphore, #tpu.memory_space<semaphore_mem>>) src(%arg7 : memref<128x128xf32, #tpu.memory_space<vmem>>) dst(%dma_wait3A_129 : memref<10240x128xf32, #tpu.memory_space<vmem_shared>>)
      tpu.yield
    }) : () -> ()
    %run_scoped3A_68 = arith.constant 1 : i32
    "tpu.region"() ({
      %run_scoped3A_117 = tpu.sem_alloc : memref<!tpu.dma_semaphore, #tpu.memory_space<semaphore_mem>>
      %dma_start3A_118 = arith.constant 0 : i32
      %dma_start3A_119 = arith.constant 0 : i32
      %dma_start3A_120 = arith.constant 0 : i32
      %dma_start3A_121 = tpu.memref_slice %arg3[%add3A, %run_scoped3A_68, %dma_start3A_118, %dma_start3A_119, %dma_start3A_120] : memref<32x2x2x40x128xi32, #tpu.memory_space<hbm>> -> memref<1x1x2x40x128xi32, #tpu.memory_space<hbm>>
      %dma_start3A_122 = tpu.memref_squeeze %dma_start3A_121 : memref<1x1x2x40x128xi32, #tpu.memory_space<hbm>> -> memref<2x40x128xi32, #tpu.memory_space<hbm>>
      %dma_start3A_123 = arith.constant 0 : i32
      %dma_start3A_124 = arith.constant 0 : i32
      %dma_start3A_125 = arith.constant 0 : i32
      %dma_start3A_126 = tpu.memref_slice %arg3[%add3A, %run_scoped3A_68, %dma_start3A_123, %dma_start3A_124, %dma_start3A_125] : memref<32x2x2x40x128xi32, #tpu.memory_space<hbm>> -> memref<1x1x2x40x128xi32, #tpu.memory_space<hbm>>
      %dma_start3A_127 = tpu.memref_squeeze %dma_start3A_126 : memref<1x1x2x40x128xi32, #tpu.memory_space<hbm>> -> memref<2x40x128xi32, #tpu.memory_space<hbm>>
      tpu.enqueue_dma source(%dma_start3A_127 : memref<2x40x128xi32, #tpu.memory_space<hbm>>) target(%arg5 : memref<2x40x128xi32, #tpu.memory_space<vmem>>) target_semaphore(%run_scoped3A_117 : memref<!tpu.dma_semaphore, #tpu.memory_space<semaphore_mem>>)
      %dma_wait3A_128 = arith.constant 0 : i32
      %dma_wait3A_129 = arith.constant 0 : i32
      %dma_wait3A_130 = arith.constant 0 : i32
      %dma_wait3A_131 = tpu.memref_slice %arg3[%add3A, %run_scoped3A_68, %dma_wait3A_128, %dma_wait3A_129, %dma_wait3A_130] : memref<32x2x2x40x128xi32, #tpu.memory_space<hbm>> -> memref<1x1x2x40x128xi32, #tpu.memory_space<hbm>>
      %dma_wait3A_132 = tpu.memref_squeeze %dma_wait3A_131 : memref<1x1x2x40x128xi32, #tpu.memory_space<hbm>> -> memref<2x40x128xi32, #tpu.memory_space<hbm>>
      %dma_wait3A_133 = arith.constant 0 : i32
      %dma_wait3A_134 = arith.constant 0 : i32
      %dma_wait3A_135 = arith.constant 0 : i32
      %dma_wait3A_136 = tpu.memref_slice %arg3[%add3A, %run_scoped3A_68, %dma_wait3A_133, %dma_wait3A_134, %dma_wait3A_135] : memref<32x2x2x40x128xi32, #tpu.memory_space<hbm>> -> memref<1x1x2x40x128xi32, #tpu.memory_space<hbm>>
      %dma_wait3A_137 = tpu.memref_squeeze %dma_wait3A_136 : memref<1x1x2x40x128xi32, #tpu.memory_space<hbm>> -> memref<2x40x128xi32, #tpu.memory_space<hbm>>
      tpu.wait_dma2 semaphore(%run_scoped3A_117 : memref<!tpu.dma_semaphore, #tpu.memory_space<semaphore_mem>>) src(%dma_wait3A_137 : memref<2x40x128xi32, #tpu.memory_space<hbm>>) dst(%arg5 : memref<2x40x128xi32, #tpu.memory_space<vmem>>)
      tpu.yield
    }) : () -> ()
    %dma_start3A_69 = arith.constant 0 : i32
    %dma_start3A_70 = arith.constant 0 : i32
    %dma_start3A_71 = arith.constant 0 : i32
    %dma_start3A_72 = tpu.memref_slice %arg5[%dma_start3A_69, %dma_start3A_70, %dma_start3A_71] : memref<2x40x128xi32, #tpu.memory_space<vmem>> -> memref<1x1x128xi32, #tpu.memory_space<vmem>>
    %dma_start3A_73 = tpu.memref_squeeze %dma_start3A_72 : memref<1x1x128xi32, #tpu.memory_space<vmem>> -> memref<128xi32, #tpu.memory_space<vmem>>
    %dma_start3A_74 = arith.constant 0 : i32
    %dma_start3A_75 = arith.constant 0 : i32
    %dma_start3A_76 = tpu.memref_slice %arg2[%dma_start3A_74, %dma_start3A_75] : memref<10000x128xf32, #tpu.memory_space<hbm>> -> memref<10000x128xf32, #tpu.memory_space<hbm>>
    tpu.enqueue_indirect_dma source(%dma_start3A_76 : memref<10000x128xf32, #tpu.memory_space<hbm>>) target(%arg6 : memref<128x128xf32, #tpu.memory_space<vmem>>) offsets(%dma_start3A_73 : memref<128xi32, #tpu.memory_space<vmem>>) semaphore(%arg9 : memref<!tpu.dma_semaphore, #tpu.memory_space<semaphore_mem>>)
    %dma_start3A_77 = arith.constant 0 : i32
    %dma_start3A_78 = arith.constant 1 : i32
    %dma_start3A_79 = arith.constant 0 : i32
    %dma_start3A_80 = tpu.memref_slice %arg5[%dma_start3A_77, %dma_start3A_78, %dma_start3A_79] : memref<2x40x128xi32, #tpu.memory_space<vmem>> -> memref<1x1x128xi32, #tpu.memory_space<vmem>>
    %dma_start3A_81 = tpu.memref_squeeze %dma_start3A_80 : memref<1x1x128xi32, #tpu.memory_space<vmem>> -> memref<128xi32, #tpu.memory_space<vmem>>
    %dma_start3A_82 = arith.constant 0 : i32
    %dma_start3A_83 = arith.constant 0 : i32
    %dma_start3A_84 = tpu.memref_slice %arg2[%dma_start3A_82, %dma_start3A_83] : memref<10000x128xf32, #tpu.memory_space<hbm>> -> memref<10000x128xf32, #tpu.memory_space<hbm>>
    tpu.enqueue_indirect_dma source(%dma_start3A_84 : memref<10000x128xf32, #tpu.memory_space<hbm>>) target(%arg7 : memref<128x128xf32, #tpu.memory_space<vmem>>) offsets(%dma_start3A_81 : memref<128xi32, #tpu.memory_space<vmem>>) semaphore(%arg10 : memref<!tpu.dma_semaphore, #tpu.memory_space<semaphore_mem>>)
    %scan3A_85 = arith.constant 0 : i32
    %scan3A_86 = arith.constant 0 : i32
    %scan3A_87 = arith.constant 19 : i32
    %scan3A_88 = arith.addi %scan3A_86, %scan3A_87 : i32
    %scan3A_89 = arith.constant 1 : i32
    %scan3A_90 = scf.for %scan3A_117 = %scan3A_86 to %scan3A_88 step %scan3A_89 iter_args(%scan3A_118 = %scan3A_85) -> (i32)  : i32 {
      %mul3A_119 = arith.constant 2 : i32
      %mul3A_120 = arith.muli %mul3A_119, %scan3A_117 : i32
      %dma_wait3A_121 = arith.constant 0 : i32
      %dma_wait3A_122 = arith.constant 0 : i32
      %dma_wait3A_123 = tpu.memref_slice %arg5[%dma_wait3A_121, %mul3A_120, %dma_wait3A_122] : memref<2x40x128xi32, #tpu.memory_space<vmem>> -> memref<1x1x128xi32, #tpu.memory_space<vmem>>
      %dma_wait3A_124 = tpu.memref_squeeze %dma_wait3A_123 : memref<1x1x128xi32, #tpu.memory_space<vmem>> -> memref<128xi32, #tpu.memory_space<vmem>>
      %dma_wait3A_125 = arith.constant 0 : i32
      %dma_wait3A_126 = arith.constant 0 : i32
      %dma_wait3A_127 = tpu.memref_slice %arg2[%dma_wait3A_125, %dma_wait3A_126] : memref<10000x128xf32, #tpu.memory_space<hbm>> -> memref<10000x128xf32, #tpu.memory_space<hbm>>
      tpu.wait_indirect_dma semaphore(%arg9 : memref<!tpu.dma_semaphore, #tpu.memory_space<semaphore_mem>>) src(%dma_wait3A_127 : memref<10000x128xf32, #tpu.memory_space<hbm>>) dst(%arg6 : memref<128x128xf32, #tpu.memory_space<vmem>>)
      %run_scoped3A_128 = arith.constant 1 : i32
      "tpu.region"() ({
        %run_scoped3A_158 = tpu.sem_alloc : memref<!tpu.dma_semaphore, #tpu.memory_space<semaphore_mem>>
        %dma_start3A_159 = arith.constant 0 : i32
        %dma_start3A_160 = tpu.memref_slice %arg5[%run_scoped3A_128, %mul3A_120, %dma_start3A_159] : memref<2x40x128xi32, #tpu.memory_space<vmem>> -> memref<1x1x128xi32, #tpu.memory_space<vmem>>
        %dma_start3A_161 = tpu.memref_squeeze %dma_start3A_160 : memref<1x1x128xi32, #tpu.memory_space<vmem>> -> memref<128xi32, #tpu.memory_space<vmem>>
        %dma_start3A_162 = arith.constant 0 : i32
        %dma_start3A_163 = arith.constant 0 : i32
        %dma_start3A_164 = tpu.memref_slice %arg8[%dma_start3A_162, %dma_start3A_163] : memref<10240x128xf32, #tpu.memory_space<vmem_shared>> -> memref<10240x128xf32, #tpu.memory_space<vmem_shared>>
        tpu.enqueue_indirect_dma source(%arg6 : memref<128x128xf32, #tpu.memory_space<vmem>>) target(%dma_start3A_164 : memref<10240x128xf32, #tpu.memory_space<vmem_shared>>) offsets(%dma_start3A_161 : memref<128xi32, #tpu.memory_space<vmem>>) semaphore(%run_scoped3A_158 : memref<!tpu.dma_semaphore, #tpu.memory_space<semaphore_mem>>) {add = true}
        %dma_wait3A_165 = arith.constant 0 : i32
        %dma_wait3A_166 = tpu.memref_slice %arg5[%run_scoped3A_128, %mul3A_120, %dma_wait3A_165] : memref<2x40x128xi32, #tpu.memory_space<vmem>> -> memref<1x1x128xi32, #tpu.memory_space<vmem>>
        %dma_wait3A_167 = tpu.memref_squeeze %dma_wait3A_166 : memref<1x1x128xi32, #tpu.memory_space<vmem>> -> memref<128xi32, #tpu.memory_space<vmem>>
        %dma_wait3A_168 = arith.constant 0 : i32
        %dma_wait3A_169 = arith.constant 0 : i32
        %dma_wait3A_170 = tpu.memref_slice %arg8[%dma_wait3A_168, %dma_wait3A_169] : memref<10240x128xf32, #tpu.memory_space<vmem_shared>> -> memref<10240x128xf32, #tpu.memory_space<vmem_shared>>
        tpu.wait_indirect_dma semaphore(%run_scoped3A_158 : memref<!tpu.dma_semaphore, #tpu.memory_space<semaphore_mem>>) src(%arg6 : memref<128x128xf32, #tpu.memory_space<vmem>>) dst(%dma_wait3A_170 : memref<10240x128xf32, #tpu.memory_space<vmem_shared>>)
        tpu.yield
      }) : () -> ()
      %add3A_129 = arith.constant 2 : i32
      %add3A_130 = arith.addi %mul3A_120, %add3A_129 : i32
      %dma_start3A_131 = arith.constant 0 : i32
      %dma_start3A_132 = arith.constant 0 : i32
      %dma_start3A_133 = tpu.memref_slice %arg5[%dma_start3A_131, %add3A_130, %dma_start3A_132] : memref<2x40x128xi32, #tpu.memory_space<vmem>> -> memref<1x1x128xi32, #tpu.memory_space<vmem>>
      %dma_start3A_134 = tpu.memref_squeeze %dma_start3A_133 : memref<1x1x128xi32, #tpu.memory_space<vmem>> -> memref<128xi32, #tpu.memory_space<vmem>>
      %dma_start3A_135 = arith.constant 0 : i32
      %dma_start3A_136 = arith.constant 0 : i32
      %dma_start3A_137 = tpu.memref_slice %arg2[%dma_start3A_135, %dma_start3A_136] : memref<10000x128xf32, #tpu.memory_space<hbm>> -> memref<10000x128xf32, #tpu.memory_space<hbm>>
      tpu.enqueue_indirect_dma source(%dma_start3A_137 : memref<10000x128xf32, #tpu.memory_space<hbm>>) target(%arg6 : memref<128x128xf32, #tpu.memory_space<vmem>>) offsets(%dma_start3A_134 : memref<128xi32, #tpu.memory_space<vmem>>) semaphore(%arg9 : memref<!tpu.dma_semaphore, #tpu.memory_space<semaphore_mem>>)
      %add3A_138 = arith.constant 1 : i32
      %add3A_139 = arith.addi %mul3A_120, %add3A_138 : i32
      %dma_wait3A_140 = arith.constant 0 : i32
      %dma_wait3A_141 = arith.constant 0 : i32
      %dma_wait3A_142 = tpu.memref_slice %arg5[%dma_wait3A_140, %add3A_139, %dma_wait3A_141] : memref<2x40x128xi32, #tpu.memory_space<vmem>> -> memref<1x1x128xi32, #tpu.memory_space<vmem>>
      %dma_wait3A_143 = tpu.memref_squeeze %dma_wait3A_142 : memref<1x1x128xi32, #tpu.memory_space<vmem>> -> memref<128xi32, #tpu.memory_space<vmem>>
      %dma_wait3A_144 = arith.constant 0 : i32
      %dma_wait3A_145 = arith.constant 0 : i32
      %dma_wait3A_146 = tpu.memref_slice %arg2[%dma_wait3A_144, %dma_wait3A_145] : memref<10000x128xf32, #tpu.memory_space<hbm>> -> memref<10000x128xf32, #tpu.memory_space<hbm>>
      tpu.wait_indirect_dma semaphore(%arg10 : memref<!tpu.dma_semaphore, #tpu.memory_space<semaphore_mem>>) src(%dma_wait3A_146 : memref<10000x128xf32, #tpu.memory_space<hbm>>) dst(%arg7 : memref<128x128xf32, #tpu.memory_space<vmem>>)
      %run_scoped3A_147 = arith.constant 1 : i32
      "tpu.region"() ({
        %run_scoped3A_158 = tpu.sem_alloc : memref<!tpu.dma_semaphore, #tpu.memory_space<semaphore_mem>>
        %dma_start3A_159 = arith.constant 0 : i32
        %dma_start3A_160 = tpu.memref_slice %arg5[%run_scoped3A_147, %add3A_139, %dma_start3A_159] : memref<2x40x128xi32, #tpu.memory_space<vmem>> -> memref<1x1x128xi32, #tpu.memory_space<vmem>>
        %dma_start3A_161 = tpu.memref_squeeze %dma_start3A_160 : memref<1x1x128xi32, #tpu.memory_space<vmem>> -> memref<128xi32, #tpu.memory_space<vmem>>
        %dma_start3A_162 = arith.constant 0 : i32
        %dma_start3A_163 = arith.constant 0 : i32
        %dma_start3A_164 = tpu.memref_slice %arg8[%dma_start3A_162, %dma_start3A_163] : memref<10240x128xf32, #tpu.memory_space<vmem_shared>> -> memref<10240x128xf32, #tpu.memory_space<vmem_shared>>
        tpu.enqueue_indirect_dma source(%arg7 : memref<128x128xf32, #tpu.memory_space<vmem>>) target(%dma_start3A_164 : memref<10240x128xf32, #tpu.memory_space<vmem_shared>>) offsets(%dma_start3A_161 : memref<128xi32, #tpu.memory_space<vmem>>) semaphore(%run_scoped3A_158 : memref<!tpu.dma_semaphore, #tpu.memory_space<semaphore_mem>>) {add = true}
        %dma_wait3A_165 = arith.constant 0 : i32
        %dma_wait3A_166 = tpu.memref_slice %arg5[%run_scoped3A_147, %add3A_139, %dma_wait3A_165] : memref<2x40x128xi32, #tpu.memory_space<vmem>> -> memref<1x1x128xi32, #tpu.memory_space<vmem>>
        %dma_wait3A_167 = tpu.memref_squeeze %dma_wait3A_166 : memref<1x1x128xi32, #tpu.memory_space<vmem>> -> memref<128xi32, #tpu.memory_space<vmem>>
        %dma_wait3A_168 = arith.constant 0 : i32
        %dma_wait3A_169 = arith.constant 0 : i32
        %dma_wait3A_170 = tpu.memref_slice %arg8[%dma_wait3A_168, %dma_wait3A_169] : memref<10240x128xf32, #tpu.memory_space<vmem_shared>> -> memref<10240x128xf32, #tpu.memory_space<vmem_shared>>
        tpu.wait_indirect_dma semaphore(%run_scoped3A_158 : memref<!tpu.dma_semaphore, #tpu.memory_space<semaphore_mem>>) src(%arg7 : memref<128x128xf32, #tpu.memory_space<vmem>>) dst(%dma_wait3A_170 : memref<10240x128xf32, #tpu.memory_space<vmem_shared>>)
        tpu.yield
      }) : () -> ()
      %add3A_148 = arith.constant 3 : i32
      %add3A_149 = arith.addi %mul3A_120, %add3A_148 : i32
      %dma_start3A_150 = arith.constant 0 : i32
      %dma_start3A_151 = arith.constant 0 : i32
      %dma_start3A_152 = tpu.memref_slice %arg5[%dma_start3A_150, %add3A_149, %dma_start3A_151] : memref<2x40x128xi32, #tpu.memory_space<vmem>> -> memref<1x1x128xi32, #tpu.memory_space<vmem>>
      %dma_start3A_153 = tpu.memref_squeeze %dma_start3A_152 : memref<1x1x128xi32, #tpu.memory_space<vmem>> -> memref<128xi32, #tpu.memory_space<vmem>>
      %dma_start3A_154 = arith.constant 0 : i32
      %dma_start3A_155 = arith.constant 0 : i32
      %dma_start3A_156 = tpu.memref_slice %arg2[%dma_start3A_154, %dma_start3A_155] : memref<10000x128xf32, #tpu.memory_space<hbm>> -> memref<10000x128xf32, #tpu.memory_space<hbm>>
      tpu.enqueue_indirect_dma source(%dma_start3A_156 : memref<10000x128xf32, #tpu.memory_space<hbm>>) target(%arg7 : memref<128x128xf32, #tpu.memory_space<vmem>>) offsets(%dma_start3A_153 : memref<128xi32, #tpu.memory_space<vmem>>) semaphore(%arg10 : memref<!tpu.dma_semaphore, #tpu.memory_space<semaphore_mem>>)
      %scan3A_157 = arith.constant 0 : i32
      scf.yield %scan3A_157 : i32
    }
    %scan3A_91 = arith.constant 19 : i32
    %dma_wait3A_92 = arith.constant 0 : i32
    %dma_wait3A_93 = arith.constant 38 : i32
    %dma_wait3A_94 = arith.constant 0 : i32
    %dma_wait3A_95 = tpu.memref_slice %arg5[%dma_wait3A_92, %dma_wait3A_93, %dma_wait3A_94] : memref<2x40x128xi32, #tpu.memory_space<vmem>> -> memref<1x1x128xi32, #tpu.memory_space<vmem>>
    %dma_wait3A_96 = tpu.memref_squeeze %dma_wait3A_95 : memref<1x1x128xi32, #tpu.memory_space<vmem>> -> memref<128xi32, #tpu.memory_space<vmem>>
    %dma_wait3A_97 = arith.constant 0 : i32
    %dma_wait3A_98 = arith.constant 0 : i32
    %dma_wait3A_99 = tpu.memref_slice %arg2[%dma_wait3A_97, %dma_wait3A_98] : memref<10000x128xf32, #tpu.memory_space<hbm>> -> memref<10000x128xf32, #tpu.memory_space<hbm>>
    tpu.wait_indirect_dma semaphore(%arg9 : memref<!tpu.dma_semaphore, #tpu.memory_space<semaphore_mem>>) src(%dma_wait3A_99 : memref<10000x128xf32, #tpu.memory_space<hbm>>) dst(%arg6 : memref<128x128xf32, #tpu.memory_space<vmem>>)
    %run_scoped3A_100 = arith.constant 1 : i32
    %run_scoped3A_101 = arith.constant 38 : i32
    "tpu.region"() ({
      %run_scoped3A_117 = tpu.sem_alloc : memref<!tpu.dma_semaphore, #tpu.memory_space<semaphore_mem>>
      %dma_start3A_118 = arith.constant 0 : i32
      %dma_start3A_119 = tpu.memref_slice %arg5[%run_scoped3A_100, %run_scoped3A_101, %dma_start3A_118] : memref<2x40x128xi32, #tpu.memory_space<vmem>> -> memref<1x1x128xi32, #tpu.memory_space<vmem>>
      %dma_start3A_120 = tpu.memref_squeeze %dma_start3A_119 : memref<1x1x128xi32, #tpu.memory_space<vmem>> -> memref<128xi32, #tpu.memory_space<vmem>>
      %dma_start3A_121 = arith.constant 0 : i32
      %dma_start3A_122 = arith.constant 0 : i32
      %dma_start3A_123 = tpu.memref_slice %arg8[%dma_start3A_121, %dma_start3A_122] : memref<10240x128xf32, #tpu.memory_space<vmem_shared>> -> memref<10240x128xf32, #tpu.memory_space<vmem_shared>>
      tpu.enqueue_indirect_dma source(%arg6 : memref<128x128xf32, #tpu.memory_space<vmem>>) target(%dma_start3A_123 : memref<10240x128xf32, #tpu.memory_space<vmem_shared>>) offsets(%dma_start3A_120 : memref<128xi32, #tpu.memory_space<vmem>>) semaphore(%run_scoped3A_117 : memref<!tpu.dma_semaphore, #tpu.memory_space<semaphore_mem>>) {add = true}
      %dma_wait3A_124 = arith.constant 0 : i32
      %dma_wait3A_125 = tpu.memref_slice %arg5[%run_scoped3A_100, %run_scoped3A_101, %dma_wait3A_124] : memref<2x40x128xi32, #tpu.memory_space<vmem>> -> memref<1x1x128xi32, #tpu.memory_space<vmem>>
      %dma_wait3A_126 = tpu.memref_squeeze %dma_wait3A_125 : memref<1x1x128xi32, #tpu.memory_space<vmem>> -> memref<128xi32, #tpu.memory_space<vmem>>
      %dma_wait3A_127 = arith.constant 0 : i32
      %dma_wait3A_128 = arith.constant 0 : i32
      %dma_wait3A_129 = tpu.memref_slice %arg8[%dma_wait3A_127, %dma_wait3A_128] : memref<10240x128xf32, #tpu.memory_space<vmem_shared>> -> memref<10240x128xf32, #tpu.memory_space<vmem_shared>>
      tpu.wait_indirect_dma semaphore(%run_scoped3A_117 : memref<!tpu.dma_semaphore, #tpu.memory_space<semaphore_mem>>) src(%arg6 : memref<128x128xf32, #tpu.memory_space<vmem>>) dst(%dma_wait3A_129 : memref<10240x128xf32, #tpu.memory_space<vmem_shared>>)
      tpu.yield
    }) : () -> ()
    %dma_wait3A_102 = arith.constant 0 : i32
    %dma_wait3A_103 = arith.constant 39 : i32
    %dma_wait3A_104 = arith.constant 0 : i32
    %dma_wait3A_105 = tpu.memref_slice %arg5[%dma_wait3A_102, %dma_wait3A_103, %dma_wait3A_104] : memref<2x40x128xi32, #tpu.memory_space<vmem>> -> memref<1x1x128xi32, #tpu.memory_space<vmem>>
    %dma_wait3A_106 = tpu.memref_squeeze %dma_wait3A_105 : memref<1x1x128xi32, #tpu.memory_space<vmem>> -> memref<128xi32, #tpu.memory_space<vmem>>
    %dma_wait3A_107 = arith.constant 0 : i32
    %dma_wait3A_108 = arith.constant 0 : i32
    %dma_wait3A_109 = tpu.memref_slice %arg2[%dma_wait3A_107, %dma_wait3A_108] : memref<10000x128xf32, #tpu.memory_space<hbm>> -> memref<10000x128xf32, #tpu.memory_space<hbm>>
    tpu.wait_indirect_dma semaphore(%arg10 : memref<!tpu.dma_semaphore, #tpu.memory_space<semaphore_mem>>) src(%dma_wait3A_109 : memref<10000x128xf32, #tpu.memory_space<hbm>>) dst(%arg7 : memref<128x128xf32, #tpu.memory_space<vmem>>)
    %run_scoped3A_110 = arith.constant 1 : i32
    %run_scoped3A_111 = arith.constant 39 : i32
    "tpu.region"() ({
      %run_scoped3A_117 = tpu.sem_alloc : memref<!tpu.dma_semaphore, #tpu.memory_space<semaphore_mem>>
      %dma_start3A_118 = arith.constant 0 : i32
      %dma_start3A_119 = tpu.memref_slice %arg5[%run_scoped3A_110, %run_scoped3A_111, %dma_start3A_118] : memref<2x40x128xi32, #tpu.memory_space<vmem>> -> memref<1x1x128xi32, #tpu.memory_space<vmem>>
      %dma_start3A_120 = tpu.memref_squeeze %dma_start3A_119 : memref<1x1x128xi32, #tpu.memory_space<vmem>> -> memref<128xi32, #tpu.memory_space<vmem>>
      %dma_start3A_121 = arith.constant 0 : i32
      %dma_start3A_122 = arith.constant 0 : i32
      %dma_start3A_123 = tpu.memref_slice %arg8[%dma_start3A_121, %dma_start3A_122] : memref<10240x128xf32, #tpu.memory_space<vmem_shared>> -> memref<10240x128xf32, #tpu.memory_space<vmem_shared>>
      tpu.enqueue_indirect_dma source(%arg7 : memref<128x128xf32, #tpu.memory_space<vmem>>) target(%dma_start3A_123 : memref<10240x128xf32, #tpu.memory_space<vmem_shared>>) offsets(%dma_start3A_120 : memref<128xi32, #tpu.memory_space<vmem>>) semaphore(%run_scoped3A_117 : memref<!tpu.dma_semaphore, #tpu.memory_space<semaphore_mem>>) {add = true}
      %dma_wait3A_124 = arith.constant 0 : i32
      %dma_wait3A_125 = tpu.memref_slice %arg5[%run_scoped3A_110, %run_scoped3A_111, %dma_wait3A_124] : memref<2x40x128xi32, #tpu.memory_space<vmem>> -> memref<1x1x128xi32, #tpu.memory_space<vmem>>
      %dma_wait3A_126 = tpu.memref_squeeze %dma_wait3A_125 : memref<1x1x128xi32, #tpu.memory_space<vmem>> -> memref<128xi32, #tpu.memory_space<vmem>>
      %dma_wait3A_127 = arith.constant 0 : i32
      %dma_wait3A_128 = arith.constant 0 : i32
      %dma_wait3A_129 = tpu.memref_slice %arg8[%dma_wait3A_127, %dma_wait3A_128] : memref<10240x128xf32, #tpu.memory_space<vmem_shared>> -> memref<10240x128xf32, #tpu.memory_space<vmem_shared>>
      tpu.wait_indirect_dma semaphore(%run_scoped3A_117 : memref<!tpu.dma_semaphore, #tpu.memory_space<semaphore_mem>>) src(%arg7 : memref<128x128xf32, #tpu.memory_space<vmem>>) dst(%dma_wait3A_129 : memref<10240x128xf32, #tpu.memory_space<vmem_shared>>)
      tpu.yield
    }) : () -> ()
    %barrier3A_112 = arith.constant 0 : index
    tpu.barrier barrier_id(%barrier3A_112)
    %mul3A_113 = arith.constant 640 : i32
    %mul3A_114 = arith.muli %arg1, %mul3A_113 : i32
    %mul3A_115 = arith.constant 640 : i32
    %mul3A_116 = arith.muli %arg1, %mul3A_115 : i32
    "tpu.region"() ({
      %run_scoped3A_117 = tpu.sem_alloc : memref<!tpu.dma_semaphore, #tpu.memory_space<semaphore_mem>>
      %dma_start3A_118 = arith.constant 0 : i32
      %dma_start3A_119 = tpu.memref_slice %arg4[%arg0, %mul3A_116, %dma_start3A_118] : memref<2x10240x128xf32, #tpu.memory_space<hbm>> -> memref<1x640x128xf32, #tpu.memory_space<hbm>>
      %dma_start3A_120 = tpu.memref_squeeze %dma_start3A_119 : memref<1x640x128xf32, #tpu.memory_space<hbm>> -> memref<640x128xf32, #tpu.memory_space<hbm>>
      %dma_start3A_121 = arith.constant 0 : i32
      %dma_start3A_122 = tpu.memref_slice %arg8[%mul3A_114, %dma_start3A_121] : memref<10240x128xf32, #tpu.memory_space<vmem_shared>> -> memref<640x128xf32, #tpu.memory_space<vmem_shared>>
      tpu.enqueue_dma source(%dma_start3A_122 : memref<640x128xf32, #tpu.memory_space<vmem_shared>>) target(%dma_start3A_120 : memref<640x128xf32, #tpu.memory_space<hbm>>) target_semaphore(%run_scoped3A_117 : memref<!tpu.dma_semaphore, #tpu.memory_space<semaphore_mem>>)
      %dma_wait3A_123 = arith.constant 0 : i32
      %dma_wait3A_124 = tpu.memref_slice %arg4[%arg0, %mul3A_116, %dma_wait3A_123] : memref<2x10240x128xf32, #tpu.memory_space<hbm>> -> memref<1x640x128xf32, #tpu.memory_space<hbm>>
      %dma_wait3A_125 = tpu.memref_squeeze %dma_wait3A_124 : memref<1x640x128xf32, #tpu.memory_space<hbm>> -> memref<640x128xf32, #tpu.memory_space<hbm>>
      %dma_wait3A_126 = arith.constant 0 : i32
      %dma_wait3A_127 = tpu.memref_slice %arg8[%mul3A_114, %dma_wait3A_126] : memref<10240x128xf32, #tpu.memory_space<vmem_shared>> -> memref<640x128xf32, #tpu.memory_space<vmem_shared>>
      tpu.wait_dma2 semaphore(%run_scoped3A_117 : memref<!tpu.dma_semaphore, #tpu.memory_space<semaphore_mem>>) src(%dma_wait3A_127 : memref<640x128xf32, #tpu.memory_space<vmem_shared>>) dst(%dma_wait3A_125 : memref<640x128xf32, #tpu.memory_space<hbm>>)
      tpu.yield
    }) : () -> ()
    return
  }
}

#map = affine_map<(d0, d1) -> (0, 0)>
#map1 = affine_map<(d0, d1) -> (0, 0, 0, 0, 0)>
#map2 = affine_map<(d0, d1) -> (0, 0, 0)>
module attributes {stable_mosaic.version = 14 : i64} {
  func.func @body(%arg0: i32, %arg1: i32, %arg2: memref<10000x128xf32, #tpu.memory_space<hbm>>, %arg3: memref<32x2x2x40x128xi32, #tpu.memory_space<hbm>>, %arg4: memref<2x10240x128xf32, #tpu.memory_space<hbm>>, %arg5: memref<2x10240xf32, #tpu.memory_space<hbm>>, %arg6: memref<2x40x128xi32, #tpu.memory_space<vmem>>, %arg7: memref<128x128xf32, #tpu.memory_space<vmem>>, %arg8: memref<128x128xf32, #tpu.memory_space<vmem>>, %arg9: memref<10240x128xf32, #tpu.memory_space<vmem_shared>>, %arg10: memref<!tpu.dma_semaphore, #tpu.memory_space<semaphore_mem>>, %arg11: memref<!tpu.dma_semaphore, #tpu.memory_space<semaphore_mem>>, %arg12: memref<128xf32, #tpu.memory_space<vmem>>, %arg13: memref<640xf32, #tpu.memory_space<vmem>>, %arg14: memref<10240xf32, #tpu.memory_space<vmem_shared>>) attributes {dimension_semantics = [#tpu.dimension_semantics<core_parallel>, #tpu.dimension_semantics<subcore_parallel>], iteration_bounds = array<i64: 2, 16>, scalar_prefetch = 0 : i64, scratch_operands = 9 : i64, tpu.core_type = #tpu.core_type<sc_vector_subcore>, window_params = [{transform_indices = #map}, {transform_indices = #map1}, {transform_indices = #map2}, {transform_indices = #map}]} {
    %mul3A = arith.constant 16 : i32
    %mul3A_0 = arith.muli %arg0, %mul3A : i32
    %add3A = arith.addi %mul3A_0, %arg1 : i32
    %scan3A = arith.constant 0 : i32
    %scan3A_1 = arith.constant 0 : i32
    %scan3A_2 = arith.constant 128 : i32
    %scan3A_3 = arith.addi %scan3A_1, %scan3A_2 : i32
    %scan3A_4 = arith.constant 1 : i32
    %scan3A_5 = scf.for %scan3A_145 = %scan3A_1 to %scan3A_3 step %scan3A_4 iter_args(%scan3A_146 = %scan3A) -> (i32)  : i32 {
      %broadcast_in_dim3A = arith.constant 0.000000e+00 : f32
      %broadcast_in_dim3A_147 = vector.broadcast %broadcast_in_dim3A : f32 to vector<16xf32>
      %swap3A = arith.index_cast %scan3A_145 : i32 to index
      %swap3A_148 = arith.constant 0 : index
      %swap3A_149 = tpu.vector_load %arg7[%swap3A, %swap3A_148] {strides = array<i32>} : memref<128x128xf32, #tpu.memory_space<vmem>>, vector<1x16xf32>,
      %swap3A_150 = vector.shape_cast %swap3A_149 : vector<1x16xf32> to vector<16xf32>
      %swap3A_151 = vector.shape_cast %broadcast_in_dim3A_147 : vector<16xf32> to vector<1x16xf32>
      tpu.vector_store %arg7[%swap3A, %swap3A_148], %swap3A_151 {strides = array<i32>} : memref<128x128xf32, #tpu.memory_space<vmem>>, vector<1x16xf32>,
      %broadcast_in_dim3A_152 = arith.constant 0.000000e+00 : f32
      %broadcast_in_dim3A_153 = vector.broadcast %broadcast_in_dim3A_152 : f32 to vector<16xf32>
      %swap3A_154 = arith.index_cast %scan3A_145 : i32 to index
      %swap3A_155 = arith.constant 16 : index
      %swap3A_156 = tpu.vector_load %arg7[%swap3A_154, %swap3A_155] {strides = array<i32>} : memref<128x128xf32, #tpu.memory_space<vmem>>, vector<1x16xf32>,
      %swap3A_157 = vector.shape_cast %swap3A_156 : vector<1x16xf32> to vector<16xf32>
      %swap3A_158 = vector.shape_cast %broadcast_in_dim3A_153 : vector<16xf32> to vector<1x16xf32>
      tpu.vector_store %arg7[%swap3A_154, %swap3A_155], %swap3A_158 {strides = array<i32>} : memref<128x128xf32, #tpu.memory_space<vmem>>, vector<1x16xf32>,
      %broadcast_in_dim3A_159 = arith.constant 0.000000e+00 : f32
      %broadcast_in_dim3A_160 = vector.broadcast %broadcast_in_dim3A_159 : f32 to vector<16xf32>
      %swap3A_161 = arith.index_cast %scan3A_145 : i32 to index
      %swap3A_162 = arith.constant 32 : index
      %swap3A_163 = tpu.vector_load %arg7[%swap3A_161, %swap3A_162] {strides = array<i32>} : memref<128x128xf32, #tpu.memory_space<vmem>>, vector<1x16xf32>,
      %swap3A_164 = vector.shape_cast %swap3A_163 : vector<1x16xf32> to vector<16xf32>
      %swap3A_165 = vector.shape_cast %broadcast_in_dim3A_160 : vector<16xf32> to vector<1x16xf32>
      tpu.vector_store %arg7[%swap3A_161, %swap3A_162], %swap3A_165 {strides = array<i32>} : memref<128x128xf32, #tpu.memory_space<vmem>>, vector<1x16xf32>,
      %broadcast_in_dim3A_166 = arith.constant 0.000000e+00 : f32
      %broadcast_in_dim3A_167 = vector.broadcast %broadcast_in_dim3A_166 : f32 to vector<16xf32>
      %swap3A_168 = arith.index_cast %scan3A_145 : i32 to index
      %swap3A_169 = arith.constant 48 : index
      %swap3A_170 = tpu.vector_load %arg7[%swap3A_168, %swap3A_169] {strides = array<i32>} : memref<128x128xf32, #tpu.memory_space<vmem>>, vector<1x16xf32>,
      %swap3A_171 = vector.shape_cast %swap3A_170 : vector<1x16xf32> to vector<16xf32>
      %swap3A_172 = vector.shape_cast %broadcast_in_dim3A_167 : vector<16xf32> to vector<1x16xf32>
      tpu.vector_store %arg7[%swap3A_168, %swap3A_169], %swap3A_172 {strides = array<i32>} : memref<128x128xf32, #tpu.memory_space<vmem>>, vector<1x16xf32>,
      %broadcast_in_dim3A_173 = arith.constant 0.000000e+00 : f32
      %broadcast_in_dim3A_174 = vector.broadcast %broadcast_in_dim3A_173 : f32 to vector<16xf32>
      %swap3A_175 = arith.index_cast %scan3A_145 : i32 to index
      %swap3A_176 = arith.constant 64 : index
      %swap3A_177 = tpu.vector_load %arg7[%swap3A_175, %swap3A_176] {strides = array<i32>} : memref<128x128xf32, #tpu.memory_space<vmem>>, vector<1x16xf32>,
      %swap3A_178 = vector.shape_cast %swap3A_177 : vector<1x16xf32> to vector<16xf32>
      %swap3A_179 = vector.shape_cast %broadcast_in_dim3A_174 : vector<16xf32> to vector<1x16xf32>
      tpu.vector_store %arg7[%swap3A_175, %swap3A_176], %swap3A_179 {strides = array<i32>} : memref<128x128xf32, #tpu.memory_space<vmem>>, vector<1x16xf32>,
      %broadcast_in_dim3A_180 = arith.constant 0.000000e+00 : f32
      %broadcast_in_dim3A_181 = vector.broadcast %broadcast_in_dim3A_180 : f32 to vector<16xf32>
      %swap3A_182 = arith.index_cast %scan3A_145 : i32 to index
      %swap3A_183 = arith.constant 80 : index
      %swap3A_184 = tpu.vector_load %arg7[%swap3A_182, %swap3A_183] {strides = array<i32>} : memref<128x128xf32, #tpu.memory_space<vmem>>, vector<1x16xf32>,
      %swap3A_185 = vector.shape_cast %swap3A_184 : vector<1x16xf32> to vector<16xf32>
      %swap3A_186 = vector.shape_cast %broadcast_in_dim3A_181 : vector<16xf32> to vector<1x16xf32>
      tpu.vector_store %arg7[%swap3A_182, %swap3A_183], %swap3A_186 {strides = array<i32>} : memref<128x128xf32, #tpu.memory_space<vmem>>, vector<1x16xf32>,
      %broadcast_in_dim3A_187 = arith.constant 0.000000e+00 : f32
      %broadcast_in_dim3A_188 = vector.broadcast %broadcast_in_dim3A_187 : f32 to vector<16xf32>
      %swap3A_189 = arith.index_cast %scan3A_145 : i32 to index
      %swap3A_190 = arith.constant 96 : index
      %swap3A_191 = tpu.vector_load %arg7[%swap3A_189, %swap3A_190] {strides = array<i32>} : memref<128x128xf32, #tpu.memory_space<vmem>>, vector<1x16xf32>,
      %swap3A_192 = vector.shape_cast %swap3A_191 : vector<1x16xf32> to vector<16xf32>
      %swap3A_193 = vector.shape_cast %broadcast_in_dim3A_188 : vector<16xf32> to vector<1x16xf32>
      tpu.vector_store %arg7[%swap3A_189, %swap3A_190], %swap3A_193 {strides = array<i32>} : memref<128x128xf32, #tpu.memory_space<vmem>>, vector<1x16xf32>,
      %broadcast_in_dim3A_194 = arith.constant 0.000000e+00 : f32
      %broadcast_in_dim3A_195 = vector.broadcast %broadcast_in_dim3A_194 : f32 to vector<16xf32>
      %swap3A_196 = arith.index_cast %scan3A_145 : i32 to index
      %swap3A_197 = arith.constant 112 : index
      %swap3A_198 = tpu.vector_load %arg7[%swap3A_196, %swap3A_197] {strides = array<i32>} : memref<128x128xf32, #tpu.memory_space<vmem>>, vector<1x16xf32>,
      %swap3A_199 = vector.shape_cast %swap3A_198 : vector<1x16xf32> to vector<16xf32>
      %swap3A_200 = vector.shape_cast %broadcast_in_dim3A_195 : vector<16xf32> to vector<1x16xf32>
      tpu.vector_store %arg7[%swap3A_196, %swap3A_197], %swap3A_200 {strides = array<i32>} : memref<128x128xf32, #tpu.memory_space<vmem>>, vector<1x16xf32>,
      %scan3A_201 = arith.constant 0 : i32
      scf.yield %scan3A_201 : i32
    }
    %scan3A_6 = arith.constant 128 : i32
    %mul3A_7 = arith.constant 640 : i32
    %mul3A_8 = arith.muli %arg1, %mul3A_7 : i32
    %add3A_9 = arith.constant 0 : i32
    %add3A_10 = arith.addi %mul3A_8, %add3A_9 : i32
    "tpu.region"() ({
      %run_scoped3A_145 = tpu.sem_alloc : memref<!tpu.dma_semaphore, #tpu.memory_space<semaphore_mem>>
      %dma_start3A_146 = arith.constant 0 : i32
      %dma_start3A_147 = tpu.memref_slice %arg9[%add3A_10, %dma_start3A_146] : memref<10240x128xf32, #tpu.memory_space<vmem_shared>> -> memref<128x128xf32, #tpu.memory_space<vmem_shared>>
      %dma_start3A_148 = arith.constant 0 : i32
      %dma_start3A_149 = tpu.memref_slice %arg9[%add3A_10, %dma_start3A_148] : memref<10240x128xf32, #tpu.memory_space<vmem_shared>> -> memref<128x128xf32, #tpu.memory_space<vmem_shared>>
      tpu.enqueue_dma source(%arg7 : memref<128x128xf32, #tpu.memory_space<vmem>>) target(%dma_start3A_149 : memref<128x128xf32, #tpu.memory_space<vmem_shared>>) target_semaphore(%run_scoped3A_145 : memref<!tpu.dma_semaphore, #tpu.memory_space<semaphore_mem>>)
      %dma_wait3A_150 = arith.constant 0 : i32
      %dma_wait3A_151 = tpu.memref_slice %arg9[%add3A_10, %dma_wait3A_150] : memref<10240x128xf32, #tpu.memory_space<vmem_shared>> -> memref<128x128xf32, #tpu.memory_space<vmem_shared>>
      %dma_wait3A_152 = arith.constant 0 : i32
      %dma_wait3A_153 = tpu.memref_slice %arg9[%add3A_10, %dma_wait3A_152] : memref<10240x128xf32, #tpu.memory_space<vmem_shared>> -> memref<128x128xf32, #tpu.memory_space<vmem_shared>>
      tpu.wait_dma2 semaphore(%run_scoped3A_145 : memref<!tpu.dma_semaphore, #tpu.memory_space<semaphore_mem>>) src(%arg7 : memref<128x128xf32, #tpu.memory_space<vmem>>) dst(%dma_wait3A_153 : memref<128x128xf32, #tpu.memory_space<vmem_shared>>)
      tpu.yield
    }) : () -> ()
    %mul3A_11 = arith.constant 640 : i32
    %mul3A_12 = arith.muli %arg1, %mul3A_11 : i32
    %add3A_13 = arith.constant 128 : i32
    %add3A_14 = arith.addi %mul3A_12, %add3A_13 : i32
    "tpu.region"() ({
      %run_scoped3A_145 = tpu.sem_alloc : memref<!tpu.dma_semaphore, #tpu.memory_space<semaphore_mem>>
      %dma_start3A_146 = arith.constant 0 : i32
      %dma_start3A_147 = tpu.memref_slice %arg9[%add3A_14, %dma_start3A_146] : memref<10240x128xf32, #tpu.memory_space<vmem_shared>> -> memref<128x128xf32, #tpu.memory_space<vmem_shared>>
      %dma_start3A_148 = arith.constant 0 : i32
      %dma_start3A_149 = tpu.memref_slice %arg9[%add3A_14, %dma_start3A_148] : memref<10240x128xf32, #tpu.memory_space<vmem_shared>> -> memref<128x128xf32, #tpu.memory_space<vmem_shared>>
      tpu.enqueue_dma source(%arg7 : memref<128x128xf32, #tpu.memory_space<vmem>>) target(%dma_start3A_149 : memref<128x128xf32, #tpu.memory_space<vmem_shared>>) target_semaphore(%run_scoped3A_145 : memref<!tpu.dma_semaphore, #tpu.memory_space<semaphore_mem>>)
      %dma_wait3A_150 = arith.constant 0 : i32
      %dma_wait3A_151 = tpu.memref_slice %arg9[%add3A_14, %dma_wait3A_150] : memref<10240x128xf32, #tpu.memory_space<vmem_shared>> -> memref<128x128xf32, #tpu.memory_space<vmem_shared>>
      %dma_wait3A_152 = arith.constant 0 : i32
      %dma_wait3A_153 = tpu.memref_slice %arg9[%add3A_14, %dma_wait3A_152] : memref<10240x128xf32, #tpu.memory_space<vmem_shared>> -> memref<128x128xf32, #tpu.memory_space<vmem_shared>>
      tpu.wait_dma2 semaphore(%run_scoped3A_145 : memref<!tpu.dma_semaphore, #tpu.memory_space<semaphore_mem>>) src(%arg7 : memref<128x128xf32, #tpu.memory_space<vmem>>) dst(%dma_wait3A_153 : memref<128x128xf32, #tpu.memory_space<vmem_shared>>)
      tpu.yield
    }) : () -> ()
    %mul3A_15 = arith.constant 640 : i32
    %mul3A_16 = arith.muli %arg1, %mul3A_15 : i32
    %add3A_17 = arith.constant 256 : i32
    %add3A_18 = arith.addi %mul3A_16, %add3A_17 : i32
    "tpu.region"() ({
      %run_scoped3A_145 = tpu.sem_alloc : memref<!tpu.dma_semaphore, #tpu.memory_space<semaphore_mem>>
      %dma_start3A_146 = arith.constant 0 : i32
      %dma_start3A_147 = tpu.memref_slice %arg9[%add3A_18, %dma_start3A_146] : memref<10240x128xf32, #tpu.memory_space<vmem_shared>> -> memref<128x128xf32, #tpu.memory_space<vmem_shared>>
      %dma_start3A_148 = arith.constant 0 : i32
      %dma_start3A_149 = tpu.memref_slice %arg9[%add3A_18, %dma_start3A_148] : memref<10240x128xf32, #tpu.memory_space<vmem_shared>> -> memref<128x128xf32, #tpu.memory_space<vmem_shared>>
      tpu.enqueue_dma source(%arg7 : memref<128x128xf32, #tpu.memory_space<vmem>>) target(%dma_start3A_149 : memref<128x128xf32, #tpu.memory_space<vmem_shared>>) target_semaphore(%run_scoped3A_145 : memref<!tpu.dma_semaphore, #tpu.memory_space<semaphore_mem>>)
      %dma_wait3A_150 = arith.constant 0 : i32
      %dma_wait3A_151 = tpu.memref_slice %arg9[%add3A_18, %dma_wait3A_150] : memref<10240x128xf32, #tpu.memory_space<vmem_shared>> -> memref<128x128xf32, #tpu.memory_space<vmem_shared>>
      %dma_wait3A_152 = arith.constant 0 : i32
      %dma_wait3A_153 = tpu.memref_slice %arg9[%add3A_18, %dma_wait3A_152] : memref<10240x128xf32, #tpu.memory_space<vmem_shared>> -> memref<128x128xf32, #tpu.memory_space<vmem_shared>>
      tpu.wait_dma2 semaphore(%run_scoped3A_145 : memref<!tpu.dma_semaphore, #tpu.memory_space<semaphore_mem>>) src(%arg7 : memref<128x128xf32, #tpu.memory_space<vmem>>) dst(%dma_wait3A_153 : memref<128x128xf32, #tpu.memory_space<vmem_shared>>)
      tpu.yield
    }) : () -> ()
    %mul3A_19 = arith.constant 640 : i32
    %mul3A_20 = arith.muli %arg1, %mul3A_19 : i32
    %add3A_21 = arith.constant 384 : i32
    %add3A_22 = arith.addi %mul3A_20, %add3A_21 : i32
    "tpu.region"() ({
      %run_scoped3A_145 = tpu.sem_alloc : memref<!tpu.dma_semaphore, #tpu.memory_space<semaphore_mem>>
      %dma_start3A_146 = arith.constant 0 : i32
      %dma_start3A_147 = tpu.memref_slice %arg9[%add3A_22, %dma_start3A_146] : memref<10240x128xf32, #tpu.memory_space<vmem_shared>> -> memref<128x128xf32, #tpu.memory_space<vmem_shared>>
      %dma_start3A_148 = arith.constant 0 : i32
      %dma_start3A_149 = tpu.memref_slice %arg9[%add3A_22, %dma_start3A_148] : memref<10240x128xf32, #tpu.memory_space<vmem_shared>> -> memref<128x128xf32, #tpu.memory_space<vmem_shared>>
      tpu.enqueue_dma source(%arg7 : memref<128x128xf32, #tpu.memory_space<vmem>>) target(%dma_start3A_149 : memref<128x128xf32, #tpu.memory_space<vmem_shared>>) target_semaphore(%run_scoped3A_145 : memref<!tpu.dma_semaphore, #tpu.memory_space<semaphore_mem>>)
      %dma_wait3A_150 = arith.constant 0 : i32
      %dma_wait3A_151 = tpu.memref_slice %arg9[%add3A_22, %dma_wait3A_150] : memref<10240x128xf32, #tpu.memory_space<vmem_shared>> -> memref<128x128xf32, #tpu.memory_space<vmem_shared>>
      %dma_wait3A_152 = arith.constant 0 : i32
      %dma_wait3A_153 = tpu.memref_slice %arg9[%add3A_22, %dma_wait3A_152] : memref<10240x128xf32, #tpu.memory_space<vmem_shared>> -> memref<128x128xf32, #tpu.memory_space<vmem_shared>>
      tpu.wait_dma2 semaphore(%run_scoped3A_145 : memref<!tpu.dma_semaphore, #tpu.memory_space<semaphore_mem>>) src(%arg7 : memref<128x128xf32, #tpu.memory_space<vmem>>) dst(%dma_wait3A_153 : memref<128x128xf32, #tpu.memory_space<vmem_shared>>)
      tpu.yield
    }) : () -> ()
    %mul3A_23 = arith.constant 640 : i32
    %mul3A_24 = arith.muli %arg1, %mul3A_23 : i32
    %add3A_25 = arith.constant 512 : i32
    %add3A_26 = arith.addi %mul3A_24, %add3A_25 : i32
    "tpu.region"() ({
      %run_scoped3A_145 = tpu.sem_alloc : memref<!tpu.dma_semaphore, #tpu.memory_space<semaphore_mem>>
      %dma_start3A_146 = arith.constant 0 : i32
      %dma_start3A_147 = tpu.memref_slice %arg9[%add3A_26, %dma_start3A_146] : memref<10240x128xf32, #tpu.memory_space<vmem_shared>> -> memref<128x128xf32, #tpu.memory_space<vmem_shared>>
      %dma_start3A_148 = arith.constant 0 : i32
      %dma_start3A_149 = tpu.memref_slice %arg9[%add3A_26, %dma_start3A_148] : memref<10240x128xf32, #tpu.memory_space<vmem_shared>> -> memref<128x128xf32, #tpu.memory_space<vmem_shared>>
      tpu.enqueue_dma source(%arg7 : memref<128x128xf32, #tpu.memory_space<vmem>>) target(%dma_start3A_149 : memref<128x128xf32, #tpu.memory_space<vmem_shared>>) target_semaphore(%run_scoped3A_145 : memref<!tpu.dma_semaphore, #tpu.memory_space<semaphore_mem>>)
      %dma_wait3A_150 = arith.constant 0 : i32
      %dma_wait3A_151 = tpu.memref_slice %arg9[%add3A_26, %dma_wait3A_150] : memref<10240x128xf32, #tpu.memory_space<vmem_shared>> -> memref<128x128xf32, #tpu.memory_space<vmem_shared>>
      %dma_wait3A_152 = arith.constant 0 : i32
      %dma_wait3A_153 = tpu.memref_slice %arg9[%add3A_26, %dma_wait3A_152] : memref<10240x128xf32, #tpu.memory_space<vmem_shared>> -> memref<128x128xf32, #tpu.memory_space<vmem_shared>>
      tpu.wait_dma2 semaphore(%run_scoped3A_145 : memref<!tpu.dma_semaphore, #tpu.memory_space<semaphore_mem>>) src(%arg7 : memref<128x128xf32, #tpu.memory_space<vmem>>) dst(%dma_wait3A_153 : memref<128x128xf32, #tpu.memory_space<vmem_shared>>)
      tpu.yield
    }) : () -> ()
    %scan3A_27 = arith.constant 0 : i32
    %scan3A_28 = arith.constant 0 : i32
    %scan3A_29 = arith.constant 40 : i32
    %scan3A_30 = arith.addi %scan3A_28, %scan3A_29 : i32
    %scan3A_31 = arith.constant 1 : i32
    %scan3A_32 = scf.for %scan3A_145 = %scan3A_28 to %scan3A_30 step %scan3A_31 iter_args(%scan3A_146 = %scan3A_27) -> (i32)  : i32 {
      %broadcast_in_dim3A = arith.constant 0.000000e+00 : f32
      %broadcast_in_dim3A_147 = vector.broadcast %broadcast_in_dim3A : f32 to vector<16xf32>
      %mul3A_148 = arith.constant 16 : i32
      %mul3A_149 = arith.muli %scan3A_145, %mul3A_148 : i32
      %swap3A = arith.index_cast %mul3A_149 : i32 to index
      %swap3A_150 = tpu.vector_load %arg13[%swap3A] {strides = array<i32>} : memref<640xf32, #tpu.memory_space<vmem>>, vector<16xf32>,
      %swap3A_151 = vector.shape_cast %swap3A_150 : vector<16xf32> to vector<16xf32>
      %swap3A_152 = vector.shape_cast %broadcast_in_dim3A_147 : vector<16xf32> to vector<16xf32>
      tpu.vector_store %arg13[%swap3A], %swap3A_152 {strides = array<i32>} : memref<640xf32, #tpu.memory_space<vmem>>, vector<16xf32>,
      %scan3A_153 = arith.constant 0 : i32
      scf.yield %scan3A_153 : i32
    }
    %scan3A_33 = arith.constant 40 : i32
    %mul3A_34 = arith.constant 640 : i32
    %mul3A_35 = arith.muli %arg1, %mul3A_34 : i32
    "tpu.region"() ({
      %run_scoped3A_145 = tpu.sem_alloc : memref<!tpu.dma_semaphore, #tpu.memory_space<semaphore_mem>>
      %dma_start3A_146 = tpu.memref_slice %arg14[%mul3A_35] : memref<10240xf32, #tpu.memory_space<vmem_shared>> -> memref<640xf32, #tpu.memory_space<vmem_shared>>
      %dma_start3A_147 = tpu.memref_slice %arg14[%mul3A_35] : memref<10240xf32, #tpu.memory_space<vmem_shared>> -> memref<640xf32, #tpu.memory_space<vmem_shared>>
      tpu.enqueue_dma source(%arg13 : memref<640xf32, #tpu.memory_space<vmem>>) target(%dma_start3A_147 : memref<640xf32, #tpu.memory_space<vmem_shared>>) target_semaphore(%run_scoped3A_145 : memref<!tpu.dma_semaphore, #tpu.memory_space<semaphore_mem>>)
      %dma_wait3A_148 = tpu.memref_slice %arg14[%mul3A_35] : memref<10240xf32, #tpu.memory_space<vmem_shared>> -> memref<640xf32, #tpu.memory_space<vmem_shared>>
      %dma_wait3A_149 = tpu.memref_slice %arg14[%mul3A_35] : memref<10240xf32, #tpu.memory_space<vmem_shared>> -> memref<640xf32, #tpu.memory_space<vmem_shared>>
      tpu.wait_dma2 semaphore(%run_scoped3A_145 : memref<!tpu.dma_semaphore, #tpu.memory_space<semaphore_mem>>) src(%arg13 : memref<640xf32, #tpu.memory_space<vmem>>) dst(%dma_wait3A_149 : memref<640xf32, #tpu.memory_space<vmem_shared>>)
      tpu.yield
    }) : () -> ()
    %scan3A_36 = arith.constant 0 : i32
    %scan3A_37 = arith.constant 0 : i32
    %scan3A_38 = arith.constant 8 : i32
    %scan3A_39 = arith.addi %scan3A_37, %scan3A_38 : i32
    %scan3A_40 = arith.constant 1 : i32
    %scan3A_41 = scf.for %scan3A_145 = %scan3A_37 to %scan3A_39 step %scan3A_40 iter_args(%scan3A_146 = %scan3A_36) -> (i32)  : i32 {
      %broadcast_in_dim3A = arith.constant 1.000000e+00 : f32
      %broadcast_in_dim3A_147 = vector.broadcast %broadcast_in_dim3A : f32 to vector<16xf32>
      %mul3A_148 = arith.constant 16 : i32
      %mul3A_149 = arith.muli %scan3A_145, %mul3A_148 : i32
      %swap3A = arith.index_cast %mul3A_149 : i32 to index
      %swap3A_150 = tpu.vector_load %arg12[%swap3A] {strides = array<i32>} : memref<128xf32, #tpu.memory_space<vmem>>, vector<16xf32>,
      %swap3A_151 = vector.shape_cast %swap3A_150 : vector<16xf32> to vector<16xf32>
      %swap3A_152 = vector.shape_cast %broadcast_in_dim3A_147 : vector<16xf32> to vector<16xf32>
      tpu.vector_store %arg12[%swap3A], %swap3A_152 {strides = array<i32>} : memref<128xf32, #tpu.memory_space<vmem>>, vector<16xf32>,
      %scan3A_153 = arith.constant 0 : i32
      scf.yield %scan3A_153 : i32
    }
    %scan3A_42 = arith.constant 8 : i32
    %run_scoped3A = arith.constant 0 : i32
    "tpu.region"() ({
      %run_scoped3A_145 = tpu.sem_alloc : memref<!tpu.dma_semaphore, #tpu.memory_space<semaphore_mem>>
      %dma_start3A_146 = arith.constant 0 : i32
      %dma_start3A_147 = arith.constant 0 : i32
      %dma_start3A_148 = arith.constant 0 : i32
      %dma_start3A_149 = tpu.memref_slice %arg3[%add3A, %run_scoped3A, %dma_start3A_146, %dma_start3A_147, %dma_start3A_148] : memref<32x2x2x40x128xi32, #tpu.memory_space<hbm>> -> memref<1x1x2x40x128xi32, #tpu.memory_space<hbm>>
      %dma_start3A_150 = tpu.memref_squeeze %dma_start3A_149 : memref<1x1x2x40x128xi32, #tpu.memory_space<hbm>> -> memref<2x40x128xi32, #tpu.memory_space<hbm>>
      %dma_start3A_151 = arith.constant 0 : i32
      %dma_start3A_152 = arith.constant 0 : i32
      %dma_start3A_153 = arith.constant 0 : i32
      %dma_start3A_154 = tpu.memref_slice %arg3[%add3A, %run_scoped3A, %dma_start3A_151, %dma_start3A_152, %dma_start3A_153] : memref<32x2x2x40x128xi32, #tpu.memory_space<hbm>> -> memref<1x1x2x40x128xi32, #tpu.memory_space<hbm>>
      %dma_start3A_155 = tpu.memref_squeeze %dma_start3A_154 : memref<1x1x2x40x128xi32, #tpu.memory_space<hbm>> -> memref<2x40x128xi32, #tpu.memory_space<hbm>>
      tpu.enqueue_dma source(%dma_start3A_155 : memref<2x40x128xi32, #tpu.memory_space<hbm>>) target(%arg6 : memref<2x40x128xi32, #tpu.memory_space<vmem>>) target_semaphore(%run_scoped3A_145 : memref<!tpu.dma_semaphore, #tpu.memory_space<semaphore_mem>>)
      %dma_wait3A_156 = arith.constant 0 : i32
      %dma_wait3A_157 = arith.constant 0 : i32
      %dma_wait3A_158 = arith.constant 0 : i32
      %dma_wait3A_159 = tpu.memref_slice %arg3[%add3A, %run_scoped3A, %dma_wait3A_156, %dma_wait3A_157, %dma_wait3A_158] : memref<32x2x2x40x128xi32, #tpu.memory_space<hbm>> -> memref<1x1x2x40x128xi32, #tpu.memory_space<hbm>>
      %dma_wait3A_160 = tpu.memref_squeeze %dma_wait3A_159 : memref<1x1x2x40x128xi32, #tpu.memory_space<hbm>> -> memref<2x40x128xi32, #tpu.memory_space<hbm>>
      %dma_wait3A_161 = arith.constant 0 : i32
      %dma_wait3A_162 = arith.constant 0 : i32
      %dma_wait3A_163 = arith.constant 0 : i32
      %dma_wait3A_164 = tpu.memref_slice %arg3[%add3A, %run_scoped3A, %dma_wait3A_161, %dma_wait3A_162, %dma_wait3A_163] : memref<32x2x2x40x128xi32, #tpu.memory_space<hbm>> -> memref<1x1x2x40x128xi32, #tpu.memory_space<hbm>>
      %dma_wait3A_165 = tpu.memref_squeeze %dma_wait3A_164 : memref<1x1x2x40x128xi32, #tpu.memory_space<hbm>> -> memref<2x40x128xi32, #tpu.memory_space<hbm>>
      tpu.wait_dma2 semaphore(%run_scoped3A_145 : memref<!tpu.dma_semaphore, #tpu.memory_space<semaphore_mem>>) src(%dma_wait3A_165 : memref<2x40x128xi32, #tpu.memory_space<hbm>>) dst(%arg6 : memref<2x40x128xi32, #tpu.memory_space<vmem>>)
      tpu.yield
    }) : () -> ()
    %dma_start3A = arith.constant 0 : i32
    %dma_start3A_43 = arith.constant 0 : i32
    %dma_start3A_44 = arith.constant 0 : i32
    %dma_start3A_45 = tpu.memref_slice %arg6[%dma_start3A, %dma_start3A_43, %dma_start3A_44] : memref<2x40x128xi32, #tpu.memory_space<vmem>> -> memref<1x1x128xi32, #tpu.memory_space<vmem>>
    %dma_start3A_46 = tpu.memref_squeeze %dma_start3A_45 : memref<1x1x128xi32, #tpu.memory_space<vmem>> -> memref<128xi32, #tpu.memory_space<vmem>>
    %dma_start3A_47 = arith.constant 0 : i32
    %dma_start3A_48 = arith.constant 0 : i32
    %dma_start3A_49 = tpu.memref_slice %arg2[%dma_start3A_47, %dma_start3A_48] : memref<10000x128xf32, #tpu.memory_space<hbm>> -> memref<10000x128xf32, #tpu.memory_space<hbm>>
    tpu.enqueue_indirect_dma source(%dma_start3A_49 : memref<10000x128xf32, #tpu.memory_space<hbm>>) target(%arg7 : memref<128x128xf32, #tpu.memory_space<vmem>>) offsets(%dma_start3A_46 : memref<128xi32, #tpu.memory_space<vmem>>) semaphore(%arg10 : memref<!tpu.dma_semaphore, #tpu.memory_space<semaphore_mem>>)
    %dma_start3A_50 = arith.constant 0 : i32
    %dma_start3A_51 = arith.constant 1 : i32
    %dma_start3A_52 = arith.constant 0 : i32
    %dma_start3A_53 = tpu.memref_slice %arg6[%dma_start3A_50, %dma_start3A_51, %dma_start3A_52] : memref<2x40x128xi32, #tpu.memory_space<vmem>> -> memref<1x1x128xi32, #tpu.memory_space<vmem>>
    %dma_start3A_54 = tpu.memref_squeeze %dma_start3A_53 : memref<1x1x128xi32, #tpu.memory_space<vmem>> -> memref<128xi32, #tpu.memory_space<vmem>>
    %dma_start3A_55 = arith.constant 0 : i32
    %dma_start3A_56 = arith.constant 0 : i32
    %dma_start3A_57 = tpu.memref_slice %arg2[%dma_start3A_55, %dma_start3A_56] : memref<10000x128xf32, #tpu.memory_space<hbm>> -> memref<10000x128xf32, #tpu.memory_space<hbm>>
    tpu.enqueue_indirect_dma source(%dma_start3A_57 : memref<10000x128xf32, #tpu.memory_space<hbm>>) target(%arg8 : memref<128x128xf32, #tpu.memory_space<vmem>>) offsets(%dma_start3A_54 : memref<128xi32, #tpu.memory_space<vmem>>) semaphore(%arg11 : memref<!tpu.dma_semaphore, #tpu.memory_space<semaphore_mem>>)
    %barrier3A = arith.constant 0 : index
    tpu.barrier barrier_id(%barrier3A)
    %scan3A_58 = arith.constant 0 : i32
    %scan3A_59 = arith.constant 0 : i32
    %scan3A_60 = arith.constant 19 : i32
    %scan3A_61 = arith.addi %scan3A_59, %scan3A_60 : i32
    %scan3A_62 = arith.constant 1 : i32
    %scan3A_63 = scf.for %scan3A_145 = %scan3A_59 to %scan3A_61 step %scan3A_62 iter_args(%scan3A_146 = %scan3A_58) -> (i32)  : i32 {
      %mul3A_147 = arith.constant 2 : i32
      %mul3A_148 = arith.muli %mul3A_147, %scan3A_145 : i32
      %dma_wait3A_149 = arith.constant 0 : i32
      %dma_wait3A_150 = arith.constant 0 : i32
      %dma_wait3A_151 = tpu.memref_slice %arg6[%dma_wait3A_149, %mul3A_148, %dma_wait3A_150] : memref<2x40x128xi32, #tpu.memory_space<vmem>> -> memref<1x1x128xi32, #tpu.memory_space<vmem>>
      %dma_wait3A_152 = tpu.memref_squeeze %dma_wait3A_151 : memref<1x1x128xi32, #tpu.memory_space<vmem>> -> memref<128xi32, #tpu.memory_space<vmem>>
      %dma_wait3A_153 = arith.constant 0 : i32
      %dma_wait3A_154 = arith.constant 0 : i32
      %dma_wait3A_155 = tpu.memref_slice %arg2[%dma_wait3A_153, %dma_wait3A_154] : memref<10000x128xf32, #tpu.memory_space<hbm>> -> memref<10000x128xf32, #tpu.memory_space<hbm>>
      tpu.wait_indirect_dma semaphore(%arg10 : memref<!tpu.dma_semaphore, #tpu.memory_space<semaphore_mem>>) src(%dma_wait3A_155 : memref<10000x128xf32, #tpu.memory_space<hbm>>) dst(%arg7 : memref<128x128xf32, #tpu.memory_space<vmem>>)
      %run_scoped3A_156 = arith.constant 1 : i32
      "tpu.region"() ({
        %run_scoped3A_188 = tpu.sem_alloc : memref<!tpu.dma_semaphore, #tpu.memory_space<semaphore_mem>>
        %dma_start3A_189 = arith.constant 0 : i32
        %dma_start3A_190 = tpu.memref_slice %arg6[%run_scoped3A_156, %mul3A_148, %dma_start3A_189] : memref<2x40x128xi32, #tpu.memory_space<vmem>> -> memref<1x1x128xi32, #tpu.memory_space<vmem>>
        %dma_start3A_191 = tpu.memref_squeeze %dma_start3A_190 : memref<1x1x128xi32, #tpu.memory_space<vmem>> -> memref<128xi32, #tpu.memory_space<vmem>>
        %dma_start3A_192 = arith.constant 0 : i32
        %dma_start3A_193 = arith.constant 0 : i32
        %dma_start3A_194 = tpu.memref_slice %arg9[%dma_start3A_192, %dma_start3A_193] : memref<10240x128xf32, #tpu.memory_space<vmem_shared>> -> memref<10240x128xf32, #tpu.memory_space<vmem_shared>>
        tpu.enqueue_indirect_dma source(%arg7 : memref<128x128xf32, #tpu.memory_space<vmem>>) target(%dma_start3A_194 : memref<10240x128xf32, #tpu.memory_space<vmem_shared>>) offsets(%dma_start3A_191 : memref<128xi32, #tpu.memory_space<vmem>>) semaphore(%run_scoped3A_188 : memref<!tpu.dma_semaphore, #tpu.memory_space<semaphore_mem>>) {add = true}
        %dma_wait3A_195 = arith.constant 0 : i32
        %dma_wait3A_196 = tpu.memref_slice %arg6[%run_scoped3A_156, %mul3A_148, %dma_wait3A_195] : memref<2x40x128xi32, #tpu.memory_space<vmem>> -> memref<1x1x128xi32, #tpu.memory_space<vmem>>
        %dma_wait3A_197 = tpu.memref_squeeze %dma_wait3A_196 : memref<1x1x128xi32, #tpu.memory_space<vmem>> -> memref<128xi32, #tpu.memory_space<vmem>>
        %dma_wait3A_198 = arith.constant 0 : i32
        %dma_wait3A_199 = arith.constant 0 : i32
        %dma_wait3A_200 = tpu.memref_slice %arg9[%dma_wait3A_198, %dma_wait3A_199] : memref<10240x128xf32, #tpu.memory_space<vmem_shared>> -> memref<10240x128xf32, #tpu.memory_space<vmem_shared>>
        tpu.wait_indirect_dma semaphore(%run_scoped3A_188 : memref<!tpu.dma_semaphore, #tpu.memory_space<semaphore_mem>>) src(%arg7 : memref<128x128xf32, #tpu.memory_space<vmem>>) dst(%dma_wait3A_200 : memref<10240x128xf32, #tpu.memory_space<vmem_shared>>)
        tpu.yield
      }) : () -> ()
      %run_scoped3A_157 = arith.constant 1 : i32
      "tpu.region"() ({
        %run_scoped3A_188 = tpu.sem_alloc : memref<!tpu.dma_semaphore, #tpu.memory_space<semaphore_mem>>
        %dma_start3A_189 = arith.constant 0 : i32
        %dma_start3A_190 = tpu.memref_slice %arg6[%run_scoped3A_157, %mul3A_148, %dma_start3A_189] : memref<2x40x128xi32, #tpu.memory_space<vmem>> -> memref<1x1x128xi32, #tpu.memory_space<vmem>>
        %dma_start3A_191 = tpu.memref_squeeze %dma_start3A_190 : memref<1x1x128xi32, #tpu.memory_space<vmem>> -> memref<128xi32, #tpu.memory_space<vmem>>
        %dma_start3A_192 = arith.constant 0 : i32
        %dma_start3A_193 = tpu.memref_slice %arg14[%dma_start3A_192] : memref<10240xf32, #tpu.memory_space<vmem_shared>> -> memref<10240xf32, #tpu.memory_space<vmem_shared>>
        tpu.enqueue_indirect_dma source(%arg12 : memref<128xf32, #tpu.memory_space<vmem>>) target(%dma_start3A_193 : memref<10240xf32, #tpu.memory_space<vmem_shared>>) offsets(%dma_start3A_191 : memref<128xi32, #tpu.memory_space<vmem>>) semaphore(%run_scoped3A_188 : memref<!tpu.dma_semaphore, #tpu.memory_space<semaphore_mem>>) {add = true}
        %dma_wait3A_194 = arith.constant 0 : i32
        %dma_wait3A_195 = tpu.memref_slice %arg6[%run_scoped3A_157, %mul3A_148, %dma_wait3A_194] : memref<2x40x128xi32, #tpu.memory_space<vmem>> -> memref<1x1x128xi32, #tpu.memory_space<vmem>>
        %dma_wait3A_196 = tpu.memref_squeeze %dma_wait3A_195 : memref<1x1x128xi32, #tpu.memory_space<vmem>> -> memref<128xi32, #tpu.memory_space<vmem>>
        %dma_wait3A_197 = arith.constant 0 : i32
        %dma_wait3A_198 = tpu.memref_slice %arg14[%dma_wait3A_197] : memref<10240xf32, #tpu.memory_space<vmem_shared>> -> memref<10240xf32, #tpu.memory_space<vmem_shared>>
        tpu.wait_indirect_dma semaphore(%run_scoped3A_188 : memref<!tpu.dma_semaphore, #tpu.memory_space<semaphore_mem>>) src(%arg12 : memref<128xf32, #tpu.memory_space<vmem>>) dst(%dma_wait3A_198 : memref<10240xf32, #tpu.memory_space<vmem_shared>>)
        tpu.yield
      }) : () -> ()
      %add3A_158 = arith.constant 2 : i32
      %add3A_159 = arith.addi %mul3A_148, %add3A_158 : i32
      %dma_start3A_160 = arith.constant 0 : i32
      %dma_start3A_161 = arith.constant 0 : i32
      %dma_start3A_162 = tpu.memref_slice %arg6[%dma_start3A_160, %add3A_159, %dma_start3A_161] : memref<2x40x128xi32, #tpu.memory_space<vmem>> -> memref<1x1x128xi32, #tpu.memory_space<vmem>>
      %dma_start3A_163 = tpu.memref_squeeze %dma_start3A_162 : memref<1x1x128xi32, #tpu.memory_space<vmem>> -> memref<128xi32, #tpu.memory_space<vmem>>
      %dma_start3A_164 = arith.constant 0 : i32
      %dma_start3A_165 = arith.constant 0 : i32
      %dma_start3A_166 = tpu.memref_slice %arg2[%dma_start3A_164, %dma_start3A_165] : memref<10000x128xf32, #tpu.memory_space<hbm>> -> memref<10000x128xf32, #tpu.memory_space<hbm>>
      tpu.enqueue_indirect_dma source(%dma_start3A_166 : memref<10000x128xf32, #tpu.memory_space<hbm>>) target(%arg7 : memref<128x128xf32, #tpu.memory_space<vmem>>) offsets(%dma_start3A_163 : memref<128xi32, #tpu.memory_space<vmem>>) semaphore(%arg10 : memref<!tpu.dma_semaphore, #tpu.memory_space<semaphore_mem>>)
      %add3A_167 = arith.constant 1 : i32
      %add3A_168 = arith.addi %mul3A_148, %add3A_167 : i32
      %dma_wait3A_169 = arith.constant 0 : i32
      %dma_wait3A_170 = arith.constant 0 : i32
      %dma_wait3A_171 = tpu.memref_slice %arg6[%dma_wait3A_169, %add3A_168, %dma_wait3A_170] : memref<2x40x128xi32, #tpu.memory_space<vmem>> -> memref<1x1x128xi32, #tpu.memory_space<vmem>>
      %dma_wait3A_172 = tpu.memref_squeeze %dma_wait3A_171 : memref<1x1x128xi32, #tpu.memory_space<vmem>> -> memref<128xi32, #tpu.memory_space<vmem>>
      %dma_wait3A_173 = arith.constant 0 : i32
      %dma_wait3A_174 = arith.constant 0 : i32
      %dma_wait3A_175 = tpu.memref_slice %arg2[%dma_wait3A_173, %dma_wait3A_174] : memref<10000x128xf32, #tpu.memory_space<hbm>> -> memref<10000x128xf32, #tpu.memory_space<hbm>>
      tpu.wait_indirect_dma semaphore(%arg11 : memref<!tpu.dma_semaphore, #tpu.memory_space<semaphore_mem>>) src(%dma_wait3A_175 : memref<10000x128xf32, #tpu.memory_space<hbm>>) dst(%arg8 : memref<128x128xf32, #tpu.memory_space<vmem>>)
      %run_scoped3A_176 = arith.constant 1 : i32
      "tpu.region"() ({
        %run_scoped3A_188 = tpu.sem_alloc : memref<!tpu.dma_semaphore, #tpu.memory_space<semaphore_mem>>
        %dma_start3A_189 = arith.constant 0 : i32
        %dma_start3A_190 = tpu.memref_slice %arg6[%run_scoped3A_176, %add3A_168, %dma_start3A_189] : memref<2x40x128xi32, #tpu.memory_space<vmem>> -> memref<1x1x128xi32, #tpu.memory_space<vmem>>
        %dma_start3A_191 = tpu.memref_squeeze %dma_start3A_190 : memref<1x1x128xi32, #tpu.memory_space<vmem>> -> memref<128xi32, #tpu.memory_space<vmem>>
        %dma_start3A_192 = arith.constant 0 : i32
        %dma_start3A_193 = arith.constant 0 : i32
        %dma_start3A_194 = tpu.memref_slice %arg9[%dma_start3A_192, %dma_start3A_193] : memref<10240x128xf32, #tpu.memory_space<vmem_shared>> -> memref<10240x128xf32, #tpu.memory_space<vmem_shared>>
        tpu.enqueue_indirect_dma source(%arg8 : memref<128x128xf32, #tpu.memory_space<vmem>>) target(%dma_start3A_194 : memref<10240x128xf32, #tpu.memory_space<vmem_shared>>) offsets(%dma_start3A_191 : memref<128xi32, #tpu.memory_space<vmem>>) semaphore(%run_scoped3A_188 : memref<!tpu.dma_semaphore, #tpu.memory_space<semaphore_mem>>) {add = true}
        %dma_wait3A_195 = arith.constant 0 : i32
        %dma_wait3A_196 = tpu.memref_slice %arg6[%run_scoped3A_176, %add3A_168, %dma_wait3A_195] : memref<2x40x128xi32, #tpu.memory_space<vmem>> -> memref<1x1x128xi32, #tpu.memory_space<vmem>>
        %dma_wait3A_197 = tpu.memref_squeeze %dma_wait3A_196 : memref<1x1x128xi32, #tpu.memory_space<vmem>> -> memref<128xi32, #tpu.memory_space<vmem>>
        %dma_wait3A_198 = arith.constant 0 : i32
        %dma_wait3A_199 = arith.constant 0 : i32
        %dma_wait3A_200 = tpu.memref_slice %arg9[%dma_wait3A_198, %dma_wait3A_199] : memref<10240x128xf32, #tpu.memory_space<vmem_shared>> -> memref<10240x128xf32, #tpu.memory_space<vmem_shared>>
        tpu.wait_indirect_dma semaphore(%run_scoped3A_188 : memref<!tpu.dma_semaphore, #tpu.memory_space<semaphore_mem>>) src(%arg8 : memref<128x128xf32, #tpu.memory_space<vmem>>) dst(%dma_wait3A_200 : memref<10240x128xf32, #tpu.memory_space<vmem_shared>>)
        tpu.yield
      }) : () -> ()
      %run_scoped3A_177 = arith.constant 1 : i32
      "tpu.region"() ({
        %run_scoped3A_188 = tpu.sem_alloc : memref<!tpu.dma_semaphore, #tpu.memory_space<semaphore_mem>>
        %dma_start3A_189 = arith.constant 0 : i32
        %dma_start3A_190 = tpu.memref_slice %arg6[%run_scoped3A_177, %add3A_168, %dma_start3A_189] : memref<2x40x128xi32, #tpu.memory_space<vmem>> -> memref<1x1x128xi32, #tpu.memory_space<vmem>>
        %dma_start3A_191 = tpu.memref_squeeze %dma_start3A_190 : memref<1x1x128xi32, #tpu.memory_space<vmem>> -> memref<128xi32, #tpu.memory_space<vmem>>
        %dma_start3A_192 = arith.constant 0 : i32
        %dma_start3A_193 = tpu.memref_slice %arg14[%dma_start3A_192] : memref<10240xf32, #tpu.memory_space<vmem_shared>> -> memref<10240xf32, #tpu.memory_space<vmem_shared>>
        tpu.enqueue_indirect_dma source(%arg12 : memref<128xf32, #tpu.memory_space<vmem>>) target(%dma_start3A_193 : memref<10240xf32, #tpu.memory_space<vmem_shared>>) offsets(%dma_start3A_191 : memref<128xi32, #tpu.memory_space<vmem>>) semaphore(%run_scoped3A_188 : memref<!tpu.dma_semaphore, #tpu.memory_space<semaphore_mem>>) {add = true}
        %dma_wait3A_194 = arith.constant 0 : i32
        %dma_wait3A_195 = tpu.memref_slice %arg6[%run_scoped3A_177, %add3A_168, %dma_wait3A_194] : memref<2x40x128xi32, #tpu.memory_space<vmem>> -> memref<1x1x128xi32, #tpu.memory_space<vmem>>
        %dma_wait3A_196 = tpu.memref_squeeze %dma_wait3A_195 : memref<1x1x128xi32, #tpu.memory_space<vmem>> -> memref<128xi32, #tpu.memory_space<vmem>>
        %dma_wait3A_197 = arith.constant 0 : i32
        %dma_wait3A_198 = tpu.memref_slice %arg14[%dma_wait3A_197] : memref<10240xf32, #tpu.memory_space<vmem_shared>> -> memref<10240xf32, #tpu.memory_space<vmem_shared>>
        tpu.wait_indirect_dma semaphore(%run_scoped3A_188 : memref<!tpu.dma_semaphore, #tpu.memory_space<semaphore_mem>>) src(%arg12 : memref<128xf32, #tpu.memory_space<vmem>>) dst(%dma_wait3A_198 : memref<10240xf32, #tpu.memory_space<vmem_shared>>)
        tpu.yield
      }) : () -> ()
      %add3A_178 = arith.constant 3 : i32
      %add3A_179 = arith.addi %mul3A_148, %add3A_178 : i32
      %dma_start3A_180 = arith.constant 0 : i32
      %dma_start3A_181 = arith.constant 0 : i32
      %dma_start3A_182 = tpu.memref_slice %arg6[%dma_start3A_180, %add3A_179, %dma_start3A_181] : memref<2x40x128xi32, #tpu.memory_space<vmem>> -> memref<1x1x128xi32, #tpu.memory_space<vmem>>
      %dma_start3A_183 = tpu.memref_squeeze %dma_start3A_182 : memref<1x1x128xi32, #tpu.memory_space<vmem>> -> memref<128xi32, #tpu.memory_space<vmem>>
      %dma_start3A_184 = arith.constant 0 : i32
      %dma_start3A_185 = arith.constant 0 : i32
      %dma_start3A_186 = tpu.memref_slice %arg2[%dma_start3A_184, %dma_start3A_185] : memref<10000x128xf32, #tpu.memory_space<hbm>> -> memref<10000x128xf32, #tpu.memory_space<hbm>>
      tpu.enqueue_indirect_dma source(%dma_start3A_186 : memref<10000x128xf32, #tpu.memory_space<hbm>>) target(%arg8 : memref<128x128xf32, #tpu.memory_space<vmem>>) offsets(%dma_start3A_183 : memref<128xi32, #tpu.memory_space<vmem>>) semaphore(%arg11 : memref<!tpu.dma_semaphore, #tpu.memory_space<semaphore_mem>>)
      %scan3A_187 = arith.constant 0 : i32
      scf.yield %scan3A_187 : i32
    }
    %scan3A_64 = arith.constant 19 : i32
    %dma_wait3A = arith.constant 0 : i32
    %dma_wait3A_65 = arith.constant 38 : i32
    %dma_wait3A_66 = arith.constant 0 : i32
    %dma_wait3A_67 = tpu.memref_slice %arg6[%dma_wait3A, %dma_wait3A_65, %dma_wait3A_66] : memref<2x40x128xi32, #tpu.memory_space<vmem>> -> memref<1x1x128xi32, #tpu.memory_space<vmem>>
    %dma_wait3A_68 = tpu.memref_squeeze %dma_wait3A_67 : memref<1x1x128xi32, #tpu.memory_space<vmem>> -> memref<128xi32, #tpu.memory_space<vmem>>
    %dma_wait3A_69 = arith.constant 0 : i32
    %dma_wait3A_70 = arith.constant 0 : i32
    %dma_wait3A_71 = tpu.memref_slice %arg2[%dma_wait3A_69, %dma_wait3A_70] : memref<10000x128xf32, #tpu.memory_space<hbm>> -> memref<10000x128xf32, #tpu.memory_space<hbm>>
    tpu.wait_indirect_dma semaphore(%arg10 : memref<!tpu.dma_semaphore, #tpu.memory_space<semaphore_mem>>) src(%dma_wait3A_71 : memref<10000x128xf32, #tpu.memory_space<hbm>>) dst(%arg7 : memref<128x128xf32, #tpu.memory_space<vmem>>)
    %run_scoped3A_72 = arith.constant 1 : i32
    %run_scoped3A_73 = arith.constant 38 : i32
    "tpu.region"() ({
      %run_scoped3A_145 = tpu.sem_alloc : memref<!tpu.dma_semaphore, #tpu.memory_space<semaphore_mem>>
      %dma_start3A_146 = arith.constant 0 : i32
      %dma_start3A_147 = tpu.memref_slice %arg6[%run_scoped3A_72, %run_scoped3A_73, %dma_start3A_146] : memref<2x40x128xi32, #tpu.memory_space<vmem>> -> memref<1x1x128xi32, #tpu.memory_space<vmem>>
      %dma_start3A_148 = tpu.memref_squeeze %dma_start3A_147 : memref<1x1x128xi32, #tpu.memory_space<vmem>> -> memref<128xi32, #tpu.memory_space<vmem>>
      %dma_start3A_149 = arith.constant 0 : i32
      %dma_start3A_150 = arith.constant 0 : i32
      %dma_start3A_151 = tpu.memref_slice %arg9[%dma_start3A_149, %dma_start3A_150] : memref<10240x128xf32, #tpu.memory_space<vmem_shared>> -> memref<10240x128xf32, #tpu.memory_space<vmem_shared>>
      tpu.enqueue_indirect_dma source(%arg7 : memref<128x128xf32, #tpu.memory_space<vmem>>) target(%dma_start3A_151 : memref<10240x128xf32, #tpu.memory_space<vmem_shared>>) offsets(%dma_start3A_148 : memref<128xi32, #tpu.memory_space<vmem>>) semaphore(%run_scoped3A_145 : memref<!tpu.dma_semaphore, #tpu.memory_space<semaphore_mem>>) {add = true}
      %dma_wait3A_152 = arith.constant 0 : i32
      %dma_wait3A_153 = tpu.memref_slice %arg6[%run_scoped3A_72, %run_scoped3A_73, %dma_wait3A_152] : memref<2x40x128xi32, #tpu.memory_space<vmem>> -> memref<1x1x128xi32, #tpu.memory_space<vmem>>
      %dma_wait3A_154 = tpu.memref_squeeze %dma_wait3A_153 : memref<1x1x128xi32, #tpu.memory_space<vmem>> -> memref<128xi32, #tpu.memory_space<vmem>>
      %dma_wait3A_155 = arith.constant 0 : i32
      %dma_wait3A_156 = arith.constant 0 : i32
      %dma_wait3A_157 = tpu.memref_slice %arg9[%dma_wait3A_155, %dma_wait3A_156] : memref<10240x128xf32, #tpu.memory_space<vmem_shared>> -> memref<10240x128xf32, #tpu.memory_space<vmem_shared>>
      tpu.wait_indirect_dma semaphore(%run_scoped3A_145 : memref<!tpu.dma_semaphore, #tpu.memory_space<semaphore_mem>>) src(%arg7 : memref<128x128xf32, #tpu.memory_space<vmem>>) dst(%dma_wait3A_157 : memref<10240x128xf32, #tpu.memory_space<vmem_shared>>)
      tpu.yield
    }) : () -> ()
    %run_scoped3A_74 = arith.constant 1 : i32
    %run_scoped3A_75 = arith.constant 38 : i32
    "tpu.region"() ({
      %run_scoped3A_145 = tpu.sem_alloc : memref<!tpu.dma_semaphore, #tpu.memory_space<semaphore_mem>>
      %dma_start3A_146 = arith.constant 0 : i32
      %dma_start3A_147 = tpu.memref_slice %arg6[%run_scoped3A_74, %run_scoped3A_75, %dma_start3A_146] : memref<2x40x128xi32, #tpu.memory_space<vmem>> -> memref<1x1x128xi32, #tpu.memory_space<vmem>>
      %dma_start3A_148 = tpu.memref_squeeze %dma_start3A_147 : memref<1x1x128xi32, #tpu.memory_space<vmem>> -> memref<128xi32, #tpu.memory_space<vmem>>
      %dma_start3A_149 = arith.constant 0 : i32
      %dma_start3A_150 = tpu.memref_slice %arg14[%dma_start3A_149] : memref<10240xf32, #tpu.memory_space<vmem_shared>> -> memref<10240xf32, #tpu.memory_space<vmem_shared>>
      tpu.enqueue_indirect_dma source(%arg12 : memref<128xf32, #tpu.memory_space<vmem>>) target(%dma_start3A_150 : memref<10240xf32, #tpu.memory_space<vmem_shared>>) offsets(%dma_start3A_148 : memref<128xi32, #tpu.memory_space<vmem>>) semaphore(%run_scoped3A_145 : memref<!tpu.dma_semaphore, #tpu.memory_space<semaphore_mem>>) {add = true}
      %dma_wait3A_151 = arith.constant 0 : i32
      %dma_wait3A_152 = tpu.memref_slice %arg6[%run_scoped3A_74, %run_scoped3A_75, %dma_wait3A_151] : memref<2x40x128xi32, #tpu.memory_space<vmem>> -> memref<1x1x128xi32, #tpu.memory_space<vmem>>
      %dma_wait3A_153 = tpu.memref_squeeze %dma_wait3A_152 : memref<1x1x128xi32, #tpu.memory_space<vmem>> -> memref<128xi32, #tpu.memory_space<vmem>>
      %dma_wait3A_154 = arith.constant 0 : i32
      %dma_wait3A_155 = tpu.memref_slice %arg14[%dma_wait3A_154] : memref<10240xf32, #tpu.memory_space<vmem_shared>> -> memref<10240xf32, #tpu.memory_space<vmem_shared>>
      tpu.wait_indirect_dma semaphore(%run_scoped3A_145 : memref<!tpu.dma_semaphore, #tpu.memory_space<semaphore_mem>>) src(%arg12 : memref<128xf32, #tpu.memory_space<vmem>>) dst(%dma_wait3A_155 : memref<10240xf32, #tpu.memory_space<vmem_shared>>)
      tpu.yield
    }) : () -> ()
    %dma_wait3A_76 = arith.constant 0 : i32
    %dma_wait3A_77 = arith.constant 39 : i32
    %dma_wait3A_78 = arith.constant 0 : i32
    %dma_wait3A_79 = tpu.memref_slice %arg6[%dma_wait3A_76, %dma_wait3A_77, %dma_wait3A_78] : memref<2x40x128xi32, #tpu.memory_space<vmem>> -> memref<1x1x128xi32, #tpu.memory_space<vmem>>
    %dma_wait3A_80 = tpu.memref_squeeze %dma_wait3A_79 : memref<1x1x128xi32, #tpu.memory_space<vmem>> -> memref<128xi32, #tpu.memory_space<vmem>>
    %dma_wait3A_81 = arith.constant 0 : i32
    %dma_wait3A_82 = arith.constant 0 : i32
    %dma_wait3A_83 = tpu.memref_slice %arg2[%dma_wait3A_81, %dma_wait3A_82] : memref<10000x128xf32, #tpu.memory_space<hbm>> -> memref<10000x128xf32, #tpu.memory_space<hbm>>
    tpu.wait_indirect_dma semaphore(%arg11 : memref<!tpu.dma_semaphore, #tpu.memory_space<semaphore_mem>>) src(%dma_wait3A_83 : memref<10000x128xf32, #tpu.memory_space<hbm>>) dst(%arg8 : memref<128x128xf32, #tpu.memory_space<vmem>>)
    %run_scoped3A_84 = arith.constant 1 : i32
    %run_scoped3A_85 = arith.constant 39 : i32
    "tpu.region"() ({
      %run_scoped3A_145 = tpu.sem_alloc : memref<!tpu.dma_semaphore, #tpu.memory_space<semaphore_mem>>
      %dma_start3A_146 = arith.constant 0 : i32
      %dma_start3A_147 = tpu.memref_slice %arg6[%run_scoped3A_84, %run_scoped3A_85, %dma_start3A_146] : memref<2x40x128xi32, #tpu.memory_space<vmem>> -> memref<1x1x128xi32, #tpu.memory_space<vmem>>
      %dma_start3A_148 = tpu.memref_squeeze %dma_start3A_147 : memref<1x1x128xi32, #tpu.memory_space<vmem>> -> memref<128xi32, #tpu.memory_space<vmem>>
      %dma_start3A_149 = arith.constant 0 : i32
      %dma_start3A_150 = arith.constant 0 : i32
      %dma_start3A_151 = tpu.memref_slice %arg9[%dma_start3A_149, %dma_start3A_150] : memref<10240x128xf32, #tpu.memory_space<vmem_shared>> -> memref<10240x128xf32, #tpu.memory_space<vmem_shared>>
      tpu.enqueue_indirect_dma source(%arg8 : memref<128x128xf32, #tpu.memory_space<vmem>>) target(%dma_start3A_151 : memref<10240x128xf32, #tpu.memory_space<vmem_shared>>) offsets(%dma_start3A_148 : memref<128xi32, #tpu.memory_space<vmem>>) semaphore(%run_scoped3A_145 : memref<!tpu.dma_semaphore, #tpu.memory_space<semaphore_mem>>) {add = true}
      %dma_wait3A_152 = arith.constant 0 : i32
      %dma_wait3A_153 = tpu.memref_slice %arg6[%run_scoped3A_84, %run_scoped3A_85, %dma_wait3A_152] : memref<2x40x128xi32, #tpu.memory_space<vmem>> -> memref<1x1x128xi32, #tpu.memory_space<vmem>>
      %dma_wait3A_154 = tpu.memref_squeeze %dma_wait3A_153 : memref<1x1x128xi32, #tpu.memory_space<vmem>> -> memref<128xi32, #tpu.memory_space<vmem>>
      %dma_wait3A_155 = arith.constant 0 : i32
      %dma_wait3A_156 = arith.constant 0 : i32
      %dma_wait3A_157 = tpu.memref_slice %arg9[%dma_wait3A_155, %dma_wait3A_156] : memref<10240x128xf32, #tpu.memory_space<vmem_shared>> -> memref<10240x128xf32, #tpu.memory_space<vmem_shared>>
      tpu.wait_indirect_dma semaphore(%run_scoped3A_145 : memref<!tpu.dma_semaphore, #tpu.memory_space<semaphore_mem>>) src(%arg8 : memref<128x128xf32, #tpu.memory_space<vmem>>) dst(%dma_wait3A_157 : memref<10240x128xf32, #tpu.memory_space<vmem_shared>>)
      tpu.yield
    }) : () -> ()
    %run_scoped3A_86 = arith.constant 1 : i32
    %run_scoped3A_87 = arith.constant 39 : i32
    "tpu.region"() ({
      %run_scoped3A_145 = tpu.sem_alloc : memref<!tpu.dma_semaphore, #tpu.memory_space<semaphore_mem>>
      %dma_start3A_146 = arith.constant 0 : i32
      %dma_start3A_147 = tpu.memref_slice %arg6[%run_scoped3A_86, %run_scoped3A_87, %dma_start3A_146] : memref<2x40x128xi32, #tpu.memory_space<vmem>> -> memref<1x1x128xi32, #tpu.memory_space<vmem>>
      %dma_start3A_148 = tpu.memref_squeeze %dma_start3A_147 : memref<1x1x128xi32, #tpu.memory_space<vmem>> -> memref<128xi32, #tpu.memory_space<vmem>>
      %dma_start3A_149 = arith.constant 0 : i32
      %dma_start3A_150 = tpu.memref_slice %arg14[%dma_start3A_149] : memref<10240xf32, #tpu.memory_space<vmem_shared>> -> memref<10240xf32, #tpu.memory_space<vmem_shared>>
      tpu.enqueue_indirect_dma source(%arg12 : memref<128xf32, #tpu.memory_space<vmem>>) target(%dma_start3A_150 : memref<10240xf32, #tpu.memory_space<vmem_shared>>) offsets(%dma_start3A_148 : memref<128xi32, #tpu.memory_space<vmem>>) semaphore(%run_scoped3A_145 : memref<!tpu.dma_semaphore, #tpu.memory_space<semaphore_mem>>) {add = true}
      %dma_wait3A_151 = arith.constant 0 : i32
      %dma_wait3A_152 = tpu.memref_slice %arg6[%run_scoped3A_86, %run_scoped3A_87, %dma_wait3A_151] : memref<2x40x128xi32, #tpu.memory_space<vmem>> -> memref<1x1x128xi32, #tpu.memory_space<vmem>>
      %dma_wait3A_153 = tpu.memref_squeeze %dma_wait3A_152 : memref<1x1x128xi32, #tpu.memory_space<vmem>> -> memref<128xi32, #tpu.memory_space<vmem>>
      %dma_wait3A_154 = arith.constant 0 : i32
      %dma_wait3A_155 = tpu.memref_slice %arg14[%dma_wait3A_154] : memref<10240xf32, #tpu.memory_space<vmem_shared>> -> memref<10240xf32, #tpu.memory_space<vmem_shared>>
      tpu.wait_indirect_dma semaphore(%run_scoped3A_145 : memref<!tpu.dma_semaphore, #tpu.memory_space<semaphore_mem>>) src(%arg12 : memref<128xf32, #tpu.memory_space<vmem>>) dst(%dma_wait3A_155 : memref<10240xf32, #tpu.memory_space<vmem_shared>>)
      tpu.yield
    }) : () -> ()
    %run_scoped3A_88 = arith.constant 1 : i32
    "tpu.region"() ({
      %run_scoped3A_145 = tpu.sem_alloc : memref<!tpu.dma_semaphore, #tpu.memory_space<semaphore_mem>>
      %dma_start3A_146 = arith.constant 0 : i32
      %dma_start3A_147 = arith.constant 0 : i32
      %dma_start3A_148 = arith.constant 0 : i32
      %dma_start3A_149 = tpu.memref_slice %arg3[%add3A, %run_scoped3A_88, %dma_start3A_146, %dma_start3A_147, %dma_start3A_148] : memref<32x2x2x40x128xi32, #tpu.memory_space<hbm>> -> memref<1x1x2x40x128xi32, #tpu.memory_space<hbm>>
      %dma_start3A_150 = tpu.memref_squeeze %dma_start3A_149 : memref<1x1x2x40x128xi32, #tpu.memory_space<hbm>> -> memref<2x40x128xi32, #tpu.memory_space<hbm>>
      %dma_start3A_151 = arith.constant 0 : i32
      %dma_start3A_152 = arith.constant 0 : i32
      %dma_start3A_153 = arith.constant 0 : i32
      %dma_start3A_154 = tpu.memref_slice %arg3[%add3A, %run_scoped3A_88, %dma_start3A_151, %dma_start3A_152, %dma_start3A_153] : memref<32x2x2x40x128xi32, #tpu.memory_space<hbm>> -> memref<1x1x2x40x128xi32, #tpu.memory_space<hbm>>
      %dma_start3A_155 = tpu.memref_squeeze %dma_start3A_154 : memref<1x1x2x40x128xi32, #tpu.memory_space<hbm>> -> memref<2x40x128xi32, #tpu.memory_space<hbm>>
      tpu.enqueue_dma source(%dma_start3A_155 : memref<2x40x128xi32, #tpu.memory_space<hbm>>) target(%arg6 : memref<2x40x128xi32, #tpu.memory_space<vmem>>) target_semaphore(%run_scoped3A_145 : memref<!tpu.dma_semaphore, #tpu.memory_space<semaphore_mem>>)
      %dma_wait3A_156 = arith.constant 0 : i32
      %dma_wait3A_157 = arith.constant 0 : i32
      %dma_wait3A_158 = arith.constant 0 : i32
      %dma_wait3A_159 = tpu.memref_slice %arg3[%add3A, %run_scoped3A_88, %dma_wait3A_156, %dma_wait3A_157, %dma_wait3A_158] : memref<32x2x2x40x128xi32, #tpu.memory_space<hbm>> -> memref<1x1x2x40x128xi32, #tpu.memory_space<hbm>>
      %dma_wait3A_160 = tpu.memref_squeeze %dma_wait3A_159 : memref<1x1x2x40x128xi32, #tpu.memory_space<hbm>> -> memref<2x40x128xi32, #tpu.memory_space<hbm>>
      %dma_wait3A_161 = arith.constant 0 : i32
      %dma_wait3A_162 = arith.constant 0 : i32
      %dma_wait3A_163 = arith.constant 0 : i32
      %dma_wait3A_164 = tpu.memref_slice %arg3[%add3A, %run_scoped3A_88, %dma_wait3A_161, %dma_wait3A_162, %dma_wait3A_163] : memref<32x2x2x40x128xi32, #tpu.memory_space<hbm>> -> memref<1x1x2x40x128xi32, #tpu.memory_space<hbm>>
      %dma_wait3A_165 = tpu.memref_squeeze %dma_wait3A_164 : memref<1x1x2x40x128xi32, #tpu.memory_space<hbm>> -> memref<2x40x128xi32, #tpu.memory_space<hbm>>
      tpu.wait_dma2 semaphore(%run_scoped3A_145 : memref<!tpu.dma_semaphore, #tpu.memory_space<semaphore_mem>>) src(%dma_wait3A_165 : memref<2x40x128xi32, #tpu.memory_space<hbm>>) dst(%arg6 : memref<2x40x128xi32, #tpu.memory_space<vmem>>)
      tpu.yield
    }) : () -> ()
    %dma_start3A_89 = arith.constant 0 : i32
    %dma_start3A_90 = arith.constant 0 : i32
    %dma_start3A_91 = arith.constant 0 : i32
    %dma_start3A_92 = tpu.memref_slice %arg6[%dma_start3A_89, %dma_start3A_90, %dma_start3A_91] : memref<2x40x128xi32, #tpu.memory_space<vmem>> -> memref<1x1x128xi32, #tpu.memory_space<vmem>>
    %dma_start3A_93 = tpu.memref_squeeze %dma_start3A_92 : memref<1x1x128xi32, #tpu.memory_space<vmem>> -> memref<128xi32, #tpu.memory_space<vmem>>
    %dma_start3A_94 = arith.constant 0 : i32
    %dma_start3A_95 = arith.constant 0 : i32
    %dma_start3A_96 = tpu.memref_slice %arg2[%dma_start3A_94, %dma_start3A_95] : memref<10000x128xf32, #tpu.memory_space<hbm>> -> memref<10000x128xf32, #tpu.memory_space<hbm>>
    tpu.enqueue_indirect_dma source(%dma_start3A_96 : memref<10000x128xf32, #tpu.memory_space<hbm>>) target(%arg7 : memref<128x128xf32, #tpu.memory_space<vmem>>) offsets(%dma_start3A_93 : memref<128xi32, #tpu.memory_space<vmem>>) semaphore(%arg10 : memref<!tpu.dma_semaphore, #tpu.memory_space<semaphore_mem>>)
    %dma_start3A_97 = arith.constant 0 : i32
    %dma_start3A_98 = arith.constant 1 : i32
    %dma_start3A_99 = arith.constant 0 : i32
    %dma_start3A_100 = tpu.memref_slice %arg6[%dma_start3A_97, %dma_start3A_98, %dma_start3A_99] : memref<2x40x128xi32, #tpu.memory_space<vmem>> -> memref<1x1x128xi32, #tpu.memory_space<vmem>>
    %dma_start3A_101 = tpu.memref_squeeze %dma_start3A_100 : memref<1x1x128xi32, #tpu.memory_space<vmem>> -> memref<128xi32, #tpu.memory_space<vmem>>
    %dma_start3A_102 = arith.constant 0 : i32
    %dma_start3A_103 = arith.constant 0 : i32
    %dma_start3A_104 = tpu.memref_slice %arg2[%dma_start3A_102, %dma_start3A_103] : memref<10000x128xf32, #tpu.memory_space<hbm>> -> memref<10000x128xf32, #tpu.memory_space<hbm>>
    tpu.enqueue_indirect_dma source(%dma_start3A_104 : memref<10000x128xf32, #tpu.memory_space<hbm>>) target(%arg8 : memref<128x128xf32, #tpu.memory_space<vmem>>) offsets(%dma_start3A_101 : memref<128xi32, #tpu.memory_space<vmem>>) semaphore(%arg11 : memref<!tpu.dma_semaphore, #tpu.memory_space<semaphore_mem>>)
    %scan3A_105 = arith.constant 0 : i32
    %scan3A_106 = arith.constant 0 : i32
    %scan3A_107 = arith.constant 19 : i32
    %scan3A_108 = arith.addi %scan3A_106, %scan3A_107 : i32
    %scan3A_109 = arith.constant 1 : i32
    %scan3A_110 = scf.for %scan3A_145 = %scan3A_106 to %scan3A_108 step %scan3A_109 iter_args(%scan3A_146 = %scan3A_105) -> (i32)  : i32 {
      %mul3A_147 = arith.constant 2 : i32
      %mul3A_148 = arith.muli %mul3A_147, %scan3A_145 : i32
      %dma_wait3A_149 = arith.constant 0 : i32
      %dma_wait3A_150 = arith.constant 0 : i32
      %dma_wait3A_151 = tpu.memref_slice %arg6[%dma_wait3A_149, %mul3A_148, %dma_wait3A_150] : memref<2x40x128xi32, #tpu.memory_space<vmem>> -> memref<1x1x128xi32, #tpu.memory_space<vmem>>
      %dma_wait3A_152 = tpu.memref_squeeze %dma_wait3A_151 : memref<1x1x128xi32, #tpu.memory_space<vmem>> -> memref<128xi32, #tpu.memory_space<vmem>>
      %dma_wait3A_153 = arith.constant 0 : i32
      %dma_wait3A_154 = arith.constant 0 : i32
      %dma_wait3A_155 = tpu.memref_slice %arg2[%dma_wait3A_153, %dma_wait3A_154] : memref<10000x128xf32, #tpu.memory_space<hbm>> -> memref<10000x128xf32, #tpu.memory_space<hbm>>
      tpu.wait_indirect_dma semaphore(%arg10 : memref<!tpu.dma_semaphore, #tpu.memory_space<semaphore_mem>>) src(%dma_wait3A_155 : memref<10000x128xf32, #tpu.memory_space<hbm>>) dst(%arg7 : memref<128x128xf32, #tpu.memory_space<vmem>>)
      %run_scoped3A_156 = arith.constant 1 : i32
      "tpu.region"() ({
        %run_scoped3A_188 = tpu.sem_alloc : memref<!tpu.dma_semaphore, #tpu.memory_space<semaphore_mem>>
        %dma_start3A_189 = arith.constant 0 : i32
        %dma_start3A_190 = tpu.memref_slice %arg6[%run_scoped3A_156, %mul3A_148, %dma_start3A_189] : memref<2x40x128xi32, #tpu.memory_space<vmem>> -> memref<1x1x128xi32, #tpu.memory_space<vmem>>
        %dma_start3A_191 = tpu.memref_squeeze %dma_start3A_190 : memref<1x1x128xi32, #tpu.memory_space<vmem>> -> memref<128xi32, #tpu.memory_space<vmem>>
        %dma_start3A_192 = arith.constant 0 : i32
        %dma_start3A_193 = arith.constant 0 : i32
        %dma_start3A_194 = tpu.memref_slice %arg9[%dma_start3A_192, %dma_start3A_193] : memref<10240x128xf32, #tpu.memory_space<vmem_shared>> -> memref<10240x128xf32, #tpu.memory_space<vmem_shared>>
        tpu.enqueue_indirect_dma source(%arg7 : memref<128x128xf32, #tpu.memory_space<vmem>>) target(%dma_start3A_194 : memref<10240x128xf32, #tpu.memory_space<vmem_shared>>) offsets(%dma_start3A_191 : memref<128xi32, #tpu.memory_space<vmem>>) semaphore(%run_scoped3A_188 : memref<!tpu.dma_semaphore, #tpu.memory_space<semaphore_mem>>) {add = true}
        %dma_wait3A_195 = arith.constant 0 : i32
        %dma_wait3A_196 = tpu.memref_slice %arg6[%run_scoped3A_156, %mul3A_148, %dma_wait3A_195] : memref<2x40x128xi32, #tpu.memory_space<vmem>> -> memref<1x1x128xi32, #tpu.memory_space<vmem>>
        %dma_wait3A_197 = tpu.memref_squeeze %dma_wait3A_196 : memref<1x1x128xi32, #tpu.memory_space<vmem>> -> memref<128xi32, #tpu.memory_space<vmem>>
        %dma_wait3A_198 = arith.constant 0 : i32
        %dma_wait3A_199 = arith.constant 0 : i32
        %dma_wait3A_200 = tpu.memref_slice %arg9[%dma_wait3A_198, %dma_wait3A_199] : memref<10240x128xf32, #tpu.memory_space<vmem_shared>> -> memref<10240x128xf32, #tpu.memory_space<vmem_shared>>
        tpu.wait_indirect_dma semaphore(%run_scoped3A_188 : memref<!tpu.dma_semaphore, #tpu.memory_space<semaphore_mem>>) src(%arg7 : memref<128x128xf32, #tpu.memory_space<vmem>>) dst(%dma_wait3A_200 : memref<10240x128xf32, #tpu.memory_space<vmem_shared>>)
        tpu.yield
      }) : () -> ()
      %run_scoped3A_157 = arith.constant 1 : i32
      "tpu.region"() ({
        %run_scoped3A_188 = tpu.sem_alloc : memref<!tpu.dma_semaphore, #tpu.memory_space<semaphore_mem>>
        %dma_start3A_189 = arith.constant 0 : i32
        %dma_start3A_190 = tpu.memref_slice %arg6[%run_scoped3A_157, %mul3A_148, %dma_start3A_189] : memref<2x40x128xi32, #tpu.memory_space<vmem>> -> memref<1x1x128xi32, #tpu.memory_space<vmem>>
        %dma_start3A_191 = tpu.memref_squeeze %dma_start3A_190 : memref<1x1x128xi32, #tpu.memory_space<vmem>> -> memref<128xi32, #tpu.memory_space<vmem>>
        %dma_start3A_192 = arith.constant 0 : i32
        %dma_start3A_193 = tpu.memref_slice %arg14[%dma_start3A_192] : memref<10240xf32, #tpu.memory_space<vmem_shared>> -> memref<10240xf32, #tpu.memory_space<vmem_shared>>
        tpu.enqueue_indirect_dma source(%arg12 : memref<128xf32, #tpu.memory_space<vmem>>) target(%dma_start3A_193 : memref<10240xf32, #tpu.memory_space<vmem_shared>>) offsets(%dma_start3A_191 : memref<128xi32, #tpu.memory_space<vmem>>) semaphore(%run_scoped3A_188 : memref<!tpu.dma_semaphore, #tpu.memory_space<semaphore_mem>>) {add = true}
        %dma_wait3A_194 = arith.constant 0 : i32
        %dma_wait3A_195 = tpu.memref_slice %arg6[%run_scoped3A_157, %mul3A_148, %dma_wait3A_194] : memref<2x40x128xi32, #tpu.memory_space<vmem>> -> memref<1x1x128xi32, #tpu.memory_space<vmem>>
        %dma_wait3A_196 = tpu.memref_squeeze %dma_wait3A_195 : memref<1x1x128xi32, #tpu.memory_space<vmem>> -> memref<128xi32, #tpu.memory_space<vmem>>
        %dma_wait3A_197 = arith.constant 0 : i32
        %dma_wait3A_198 = tpu.memref_slice %arg14[%dma_wait3A_197] : memref<10240xf32, #tpu.memory_space<vmem_shared>> -> memref<10240xf32, #tpu.memory_space<vmem_shared>>
        tpu.wait_indirect_dma semaphore(%run_scoped3A_188 : memref<!tpu.dma_semaphore, #tpu.memory_space<semaphore_mem>>) src(%arg12 : memref<128xf32, #tpu.memory_space<vmem>>) dst(%dma_wait3A_198 : memref<10240xf32, #tpu.memory_space<vmem_shared>>)
        tpu.yield
      }) : () -> ()
      %add3A_158 = arith.constant 2 : i32
      %add3A_159 = arith.addi %mul3A_148, %add3A_158 : i32
      %dma_start3A_160 = arith.constant 0 : i32
      %dma_start3A_161 = arith.constant 0 : i32
      %dma_start3A_162 = tpu.memref_slice %arg6[%dma_start3A_160, %add3A_159, %dma_start3A_161] : memref<2x40x128xi32, #tpu.memory_space<vmem>> -> memref<1x1x128xi32, #tpu.memory_space<vmem>>
      %dma_start3A_163 = tpu.memref_squeeze %dma_start3A_162 : memref<1x1x128xi32, #tpu.memory_space<vmem>> -> memref<128xi32, #tpu.memory_space<vmem>>
      %dma_start3A_164 = arith.constant 0 : i32
      %dma_start3A_165 = arith.constant 0 : i32
      %dma_start3A_166 = tpu.memref_slice %arg2[%dma_start3A_164, %dma_start3A_165] : memref<10000x128xf32, #tpu.memory_space<hbm>> -> memref<10000x128xf32, #tpu.memory_space<hbm>>
      tpu.enqueue_indirect_dma source(%dma_start3A_166 : memref<10000x128xf32, #tpu.memory_space<hbm>>) target(%arg7 : memref<128x128xf32, #tpu.memory_space<vmem>>) offsets(%dma_start3A_163 : memref<128xi32, #tpu.memory_space<vmem>>) semaphore(%arg10 : memref<!tpu.dma_semaphore, #tpu.memory_space<semaphore_mem>>)
      %add3A_167 = arith.constant 1 : i32
      %add3A_168 = arith.addi %mul3A_148, %add3A_167 : i32
      %dma_wait3A_169 = arith.constant 0 : i32
      %dma_wait3A_170 = arith.constant 0 : i32
      %dma_wait3A_171 = tpu.memref_slice %arg6[%dma_wait3A_169, %add3A_168, %dma_wait3A_170] : memref<2x40x128xi32, #tpu.memory_space<vmem>> -> memref<1x1x128xi32, #tpu.memory_space<vmem>>
      %dma_wait3A_172 = tpu.memref_squeeze %dma_wait3A_171 : memref<1x1x128xi32, #tpu.memory_space<vmem>> -> memref<128xi32, #tpu.memory_space<vmem>>
      %dma_wait3A_173 = arith.constant 0 : i32
      %dma_wait3A_174 = arith.constant 0 : i32
      %dma_wait3A_175 = tpu.memref_slice %arg2[%dma_wait3A_173, %dma_wait3A_174] : memref<10000x128xf32, #tpu.memory_space<hbm>> -> memref<10000x128xf32, #tpu.memory_space<hbm>>
      tpu.wait_indirect_dma semaphore(%arg11 : memref<!tpu.dma_semaphore, #tpu.memory_space<semaphore_mem>>) src(%dma_wait3A_175 : memref<10000x128xf32, #tpu.memory_space<hbm>>) dst(%arg8 : memref<128x128xf32, #tpu.memory_space<vmem>>)
      %run_scoped3A_176 = arith.constant 1 : i32
      "tpu.region"() ({
        %run_scoped3A_188 = tpu.sem_alloc : memref<!tpu.dma_semaphore, #tpu.memory_space<semaphore_mem>>
        %dma_start3A_189 = arith.constant 0 : i32
        %dma_start3A_190 = tpu.memref_slice %arg6[%run_scoped3A_176, %add3A_168, %dma_start3A_189] : memref<2x40x128xi32, #tpu.memory_space<vmem>> -> memref<1x1x128xi32, #tpu.memory_space<vmem>>
        %dma_start3A_191 = tpu.memref_squeeze %dma_start3A_190 : memref<1x1x128xi32, #tpu.memory_space<vmem>> -> memref<128xi32, #tpu.memory_space<vmem>>
        %dma_start3A_192 = arith.constant 0 : i32
        %dma_start3A_193 = arith.constant 0 : i32
        %dma_start3A_194 = tpu.memref_slice %arg9[%dma_start3A_192, %dma_start3A_193] : memref<10240x128xf32, #tpu.memory_space<vmem_shared>> -> memref<10240x128xf32, #tpu.memory_space<vmem_shared>>
        tpu.enqueue_indirect_dma source(%arg8 : memref<128x128xf32, #tpu.memory_space<vmem>>) target(%dma_start3A_194 : memref<10240x128xf32, #tpu.memory_space<vmem_shared>>) offsets(%dma_start3A_191 : memref<128xi32, #tpu.memory_space<vmem>>) semaphore(%run_scoped3A_188 : memref<!tpu.dma_semaphore, #tpu.memory_space<semaphore_mem>>) {add = true}
        %dma_wait3A_195 = arith.constant 0 : i32
        %dma_wait3A_196 = tpu.memref_slice %arg6[%run_scoped3A_176, %add3A_168, %dma_wait3A_195] : memref<2x40x128xi32, #tpu.memory_space<vmem>> -> memref<1x1x128xi32, #tpu.memory_space<vmem>>
        %dma_wait3A_197 = tpu.memref_squeeze %dma_wait3A_196 : memref<1x1x128xi32, #tpu.memory_space<vmem>> -> memref<128xi32, #tpu.memory_space<vmem>>
        %dma_wait3A_198 = arith.constant 0 : i32
        %dma_wait3A_199 = arith.constant 0 : i32
        %dma_wait3A_200 = tpu.memref_slice %arg9[%dma_wait3A_198, %dma_wait3A_199] : memref<10240x128xf32, #tpu.memory_space<vmem_shared>> -> memref<10240x128xf32, #tpu.memory_space<vmem_shared>>
        tpu.wait_indirect_dma semaphore(%run_scoped3A_188 : memref<!tpu.dma_semaphore, #tpu.memory_space<semaphore_mem>>) src(%arg8 : memref<128x128xf32, #tpu.memory_space<vmem>>) dst(%dma_wait3A_200 : memref<10240x128xf32, #tpu.memory_space<vmem_shared>>)
        tpu.yield
      }) : () -> ()
      %run_scoped3A_177 = arith.constant 1 : i32
      "tpu.region"() ({
        %run_scoped3A_188 = tpu.sem_alloc : memref<!tpu.dma_semaphore, #tpu.memory_space<semaphore_mem>>
        %dma_start3A_189 = arith.constant 0 : i32
        %dma_start3A_190 = tpu.memref_slice %arg6[%run_scoped3A_177, %add3A_168, %dma_start3A_189] : memref<2x40x128xi32, #tpu.memory_space<vmem>> -> memref<1x1x128xi32, #tpu.memory_space<vmem>>
        %dma_start3A_191 = tpu.memref_squeeze %dma_start3A_190 : memref<1x1x128xi32, #tpu.memory_space<vmem>> -> memref<128xi32, #tpu.memory_space<vmem>>
        %dma_start3A_192 = arith.constant 0 : i32
        %dma_start3A_193 = tpu.memref_slice %arg14[%dma_start3A_192] : memref<10240xf32, #tpu.memory_space<vmem_shared>> -> memref<10240xf32, #tpu.memory_space<vmem_shared>>
        tpu.enqueue_indirect_dma source(%arg12 : memref<128xf32, #tpu.memory_space<vmem>>) target(%dma_start3A_193 : memref<10240xf32, #tpu.memory_space<vmem_shared>>) offsets(%dma_start3A_191 : memref<128xi32, #tpu.memory_space<vmem>>) semaphore(%run_scoped3A_188 : memref<!tpu.dma_semaphore, #tpu.memory_space<semaphore_mem>>) {add = true}
        %dma_wait3A_194 = arith.constant 0 : i32
        %dma_wait3A_195 = tpu.memref_slice %arg6[%run_scoped3A_177, %add3A_168, %dma_wait3A_194] : memref<2x40x128xi32, #tpu.memory_space<vmem>> -> memref<1x1x128xi32, #tpu.memory_space<vmem>>
        %dma_wait3A_196 = tpu.memref_squeeze %dma_wait3A_195 : memref<1x1x128xi32, #tpu.memory_space<vmem>> -> memref<128xi32, #tpu.memory_space<vmem>>
        %dma_wait3A_197 = arith.constant 0 : i32
        %dma_wait3A_198 = tpu.memref_slice %arg14[%dma_wait3A_197] : memref<10240xf32, #tpu.memory_space<vmem_shared>> -> memref<10240xf32, #tpu.memory_space<vmem_shared>>
        tpu.wait_indirect_dma semaphore(%run_scoped3A_188 : memref<!tpu.dma_semaphore, #tpu.memory_space<semaphore_mem>>) src(%arg12 : memref<128xf32, #tpu.memory_space<vmem>>) dst(%dma_wait3A_198 : memref<10240xf32, #tpu.memory_space<vmem_shared>>)
        tpu.yield
      }) : () -> ()
      %add3A_178 = arith.constant 3 : i32
      %add3A_179 = arith.addi %mul3A_148, %add3A_178 : i32
      %dma_start3A_180 = arith.constant 0 : i32
      %dma_start3A_181 = arith.constant 0 : i32
      %dma_start3A_182 = tpu.memref_slice %arg6[%dma_start3A_180, %add3A_179, %dma_start3A_181] : memref<2x40x128xi32, #tpu.memory_space<vmem>> -> memref<1x1x128xi32, #tpu.memory_space<vmem>>
      %dma_start3A_183 = tpu.memref_squeeze %dma_start3A_182 : memref<1x1x128xi32, #tpu.memory_space<vmem>> -> memref<128xi32, #tpu.memory_space<vmem>>
      %dma_start3A_184 = arith.constant 0 : i32
      %dma_start3A_185 = arith.constant 0 : i32
      %dma_start3A_186 = tpu.memref_slice %arg2[%dma_start3A_184, %dma_start3A_185] : memref<10000x128xf32, #tpu.memory_space<hbm>> -> memref<10000x128xf32, #tpu.memory_space<hbm>>
      tpu.enqueue_indirect_dma source(%dma_start3A_186 : memref<10000x128xf32, #tpu.memory_space<hbm>>) target(%arg8 : memref<128x128xf32, #tpu.memory_space<vmem>>) offsets(%dma_start3A_183 : memref<128xi32, #tpu.memory_space<vmem>>) semaphore(%arg11 : memref<!tpu.dma_semaphore, #tpu.memory_space<semaphore_mem>>)
      %scan3A_187 = arith.constant 0 : i32
      scf.yield %scan3A_187 : i32
    }
    %scan3A_111 = arith.constant 19 : i32
    %dma_wait3A_112 = arith.constant 0 : i32
    %dma_wait3A_113 = arith.constant 38 : i32
    %dma_wait3A_114 = arith.constant 0 : i32
    %dma_wait3A_115 = tpu.memref_slice %arg6[%dma_wait3A_112, %dma_wait3A_113, %dma_wait3A_114] : memref<2x40x128xi32, #tpu.memory_space<vmem>> -> memref<1x1x128xi32, #tpu.memory_space<vmem>>
    %dma_wait3A_116 = tpu.memref_squeeze %dma_wait3A_115 : memref<1x1x128xi32, #tpu.memory_space<vmem>> -> memref<128xi32, #tpu.memory_space<vmem>>
    %dma_wait3A_117 = arith.constant 0 : i32
    %dma_wait3A_118 = arith.constant 0 : i32
    %dma_wait3A_119 = tpu.memref_slice %arg2[%dma_wait3A_117, %dma_wait3A_118] : memref<10000x128xf32, #tpu.memory_space<hbm>> -> memref<10000x128xf32, #tpu.memory_space<hbm>>
    tpu.wait_indirect_dma semaphore(%arg10 : memref<!tpu.dma_semaphore, #tpu.memory_space<semaphore_mem>>) src(%dma_wait3A_119 : memref<10000x128xf32, #tpu.memory_space<hbm>>) dst(%arg7 : memref<128x128xf32, #tpu.memory_space<vmem>>)
    %run_scoped3A_120 = arith.constant 1 : i32
    %run_scoped3A_121 = arith.constant 38 : i32
    "tpu.region"() ({
      %run_scoped3A_145 = tpu.sem_alloc : memref<!tpu.dma_semaphore, #tpu.memory_space<semaphore_mem>>
      %dma_start3A_146 = arith.constant 0 : i32
      %dma_start3A_147 = tpu.memref_slice %arg6[%run_scoped3A_120, %run_scoped3A_121, %dma_start3A_146] : memref<2x40x128xi32, #tpu.memory_space<vmem>> -> memref<1x1x128xi32, #tpu.memory_space<vmem>>
      %dma_start3A_148 = tpu.memref_squeeze %dma_start3A_147 : memref<1x1x128xi32, #tpu.memory_space<vmem>> -> memref<128xi32, #tpu.memory_space<vmem>>
      %dma_start3A_149 = arith.constant 0 : i32
      %dma_start3A_150 = arith.constant 0 : i32
      %dma_start3A_151 = tpu.memref_slice %arg9[%dma_start3A_149, %dma_start3A_150] : memref<10240x128xf32, #tpu.memory_space<vmem_shared>> -> memref<10240x128xf32, #tpu.memory_space<vmem_shared>>
      tpu.enqueue_indirect_dma source(%arg7 : memref<128x128xf32, #tpu.memory_space<vmem>>) target(%dma_start3A_151 : memref<10240x128xf32, #tpu.memory_space<vmem_shared>>) offsets(%dma_start3A_148 : memref<128xi32, #tpu.memory_space<vmem>>) semaphore(%run_scoped3A_145 : memref<!tpu.dma_semaphore, #tpu.memory_space<semaphore_mem>>) {add = true}
      %dma_wait3A_152 = arith.constant 0 : i32
      %dma_wait3A_153 = tpu.memref_slice %arg6[%run_scoped3A_120, %run_scoped3A_121, %dma_wait3A_152] : memref<2x40x128xi32, #tpu.memory_space<vmem>> -> memref<1x1x128xi32, #tpu.memory_space<vmem>>
      %dma_wait3A_154 = tpu.memref_squeeze %dma_wait3A_153 : memref<1x1x128xi32, #tpu.memory_space<vmem>> -> memref<128xi32, #tpu.memory_space<vmem>>
      %dma_wait3A_155 = arith.constant 0 : i32
      %dma_wait3A_156 = arith.constant 0 : i32
      %dma_wait3A_157 = tpu.memref_slice %arg9[%dma_wait3A_155, %dma_wait3A_156] : memref<10240x128xf32, #tpu.memory_space<vmem_shared>> -> memref<10240x128xf32, #tpu.memory_space<vmem_shared>>
      tpu.wait_indirect_dma semaphore(%run_scoped3A_145 : memref<!tpu.dma_semaphore, #tpu.memory_space<semaphore_mem>>) src(%arg7 : memref<128x128xf32, #tpu.memory_space<vmem>>) dst(%dma_wait3A_157 : memref<10240x128xf32, #tpu.memory_space<vmem_shared>>)
      tpu.yield
    }) : () -> ()
    %run_scoped3A_122 = arith.constant 1 : i32
    %run_scoped3A_123 = arith.constant 38 : i32
    "tpu.region"() ({
      %run_scoped3A_145 = tpu.sem_alloc : memref<!tpu.dma_semaphore, #tpu.memory_space<semaphore_mem>>
      %dma_start3A_146 = arith.constant 0 : i32
      %dma_start3A_147 = tpu.memref_slice %arg6[%run_scoped3A_122, %run_scoped3A_123, %dma_start3A_146] : memref<2x40x128xi32, #tpu.memory_space<vmem>> -> memref<1x1x128xi32, #tpu.memory_space<vmem>>
      %dma_start3A_148 = tpu.memref_squeeze %dma_start3A_147 : memref<1x1x128xi32, #tpu.memory_space<vmem>> -> memref<128xi32, #tpu.memory_space<vmem>>
      %dma_start3A_149 = arith.constant 0 : i32
      %dma_start3A_150 = tpu.memref_slice %arg14[%dma_start3A_149] : memref<10240xf32, #tpu.memory_space<vmem_shared>> -> memref<10240xf32, #tpu.memory_space<vmem_shared>>
      tpu.enqueue_indirect_dma source(%arg12 : memref<128xf32, #tpu.memory_space<vmem>>) target(%dma_start3A_150 : memref<10240xf32, #tpu.memory_space<vmem_shared>>) offsets(%dma_start3A_148 : memref<128xi32, #tpu.memory_space<vmem>>) semaphore(%run_scoped3A_145 : memref<!tpu.dma_semaphore, #tpu.memory_space<semaphore_mem>>) {add = true}
      %dma_wait3A_151 = arith.constant 0 : i32
      %dma_wait3A_152 = tpu.memref_slice %arg6[%run_scoped3A_122, %run_scoped3A_123, %dma_wait3A_151] : memref<2x40x128xi32, #tpu.memory_space<vmem>> -> memref<1x1x128xi32, #tpu.memory_space<vmem>>
      %dma_wait3A_153 = tpu.memref_squeeze %dma_wait3A_152 : memref<1x1x128xi32, #tpu.memory_space<vmem>> -> memref<128xi32, #tpu.memory_space<vmem>>
      %dma_wait3A_154 = arith.constant 0 : i32
      %dma_wait3A_155 = tpu.memref_slice %arg14[%dma_wait3A_154] : memref<10240xf32, #tpu.memory_space<vmem_shared>> -> memref<10240xf32, #tpu.memory_space<vmem_shared>>
      tpu.wait_indirect_dma semaphore(%run_scoped3A_145 : memref<!tpu.dma_semaphore, #tpu.memory_space<semaphore_mem>>) src(%arg12 : memref<128xf32, #tpu.memory_space<vmem>>) dst(%dma_wait3A_155 : memref<10240xf32, #tpu.memory_space<vmem_shared>>)
      tpu.yield
    }) : () -> ()
    %dma_wait3A_124 = arith.constant 0 : i32
    %dma_wait3A_125 = arith.constant 39 : i32
    %dma_wait3A_126 = arith.constant 0 : i32
    %dma_wait3A_127 = tpu.memref_slice %arg6[%dma_wait3A_124, %dma_wait3A_125, %dma_wait3A_126] : memref<2x40x128xi32, #tpu.memory_space<vmem>> -> memref<1x1x128xi32, #tpu.memory_space<vmem>>
    %dma_wait3A_128 = tpu.memref_squeeze %dma_wait3A_127 : memref<1x1x128xi32, #tpu.memory_space<vmem>> -> memref<128xi32, #tpu.memory_space<vmem>>
    %dma_wait3A_129 = arith.constant 0 : i32
    %dma_wait3A_130 = arith.constant 0 : i32
    %dma_wait3A_131 = tpu.memref_slice %arg2[%dma_wait3A_129, %dma_wait3A_130] : memref<10000x128xf32, #tpu.memory_space<hbm>> -> memref<10000x128xf32, #tpu.memory_space<hbm>>
    tpu.wait_indirect_dma semaphore(%arg11 : memref<!tpu.dma_semaphore, #tpu.memory_space<semaphore_mem>>) src(%dma_wait3A_131 : memref<10000x128xf32, #tpu.memory_space<hbm>>) dst(%arg8 : memref<128x128xf32, #tpu.memory_space<vmem>>)
    %run_scoped3A_132 = arith.constant 1 : i32
    %run_scoped3A_133 = arith.constant 39 : i32
    "tpu.region"() ({
      %run_scoped3A_145 = tpu.sem_alloc : memref<!tpu.dma_semaphore, #tpu.memory_space<semaphore_mem>>
      %dma_start3A_146 = arith.constant 0 : i32
      %dma_start3A_147 = tpu.memref_slice %arg6[%run_scoped3A_132, %run_scoped3A_133, %dma_start3A_146] : memref<2x40x128xi32, #tpu.memory_space<vmem>> -> memref<1x1x128xi32, #tpu.memory_space<vmem>>
      %dma_start3A_148 = tpu.memref_squeeze %dma_start3A_147 : memref<1x1x128xi32, #tpu.memory_space<vmem>> -> memref<128xi32, #tpu.memory_space<vmem>>
      %dma_start3A_149 = arith.constant 0 : i32
      %dma_start3A_150 = arith.constant 0 : i32
      %dma_start3A_151 = tpu.memref_slice %arg9[%dma_start3A_149, %dma_start3A_150] : memref<10240x128xf32, #tpu.memory_space<vmem_shared>> -> memref<10240x128xf32, #tpu.memory_space<vmem_shared>>
      tpu.enqueue_indirect_dma source(%arg8 : memref<128x128xf32, #tpu.memory_space<vmem>>) target(%dma_start3A_151 : memref<10240x128xf32, #tpu.memory_space<vmem_shared>>) offsets(%dma_start3A_148 : memref<128xi32, #tpu.memory_space<vmem>>) semaphore(%run_scoped3A_145 : memref<!tpu.dma_semaphore, #tpu.memory_space<semaphore_mem>>) {add = true}
      %dma_wait3A_152 = arith.constant 0 : i32
      %dma_wait3A_153 = tpu.memref_slice %arg6[%run_scoped3A_132, %run_scoped3A_133, %dma_wait3A_152] : memref<2x40x128xi32, #tpu.memory_space<vmem>> -> memref<1x1x128xi32, #tpu.memory_space<vmem>>
      %dma_wait3A_154 = tpu.memref_squeeze %dma_wait3A_153 : memref<1x1x128xi32, #tpu.memory_space<vmem>> -> memref<128xi32, #tpu.memory_space<vmem>>
      %dma_wait3A_155 = arith.constant 0 : i32
      %dma_wait3A_156 = arith.constant 0 : i32
      %dma_wait3A_157 = tpu.memref_slice %arg9[%dma_wait3A_155, %dma_wait3A_156] : memref<10240x128xf32, #tpu.memory_space<vmem_shared>> -> memref<10240x128xf32, #tpu.memory_space<vmem_shared>>
      tpu.wait_indirect_dma semaphore(%run_scoped3A_145 : memref<!tpu.dma_semaphore, #tpu.memory_space<semaphore_mem>>) src(%arg8 : memref<128x128xf32, #tpu.memory_space<vmem>>) dst(%dma_wait3A_157 : memref<10240x128xf32, #tpu.memory_space<vmem_shared>>)
      tpu.yield
    }) : () -> ()
    %run_scoped3A_134 = arith.constant 1 : i32
    %run_scoped3A_135 = arith.constant 39 : i32
    "tpu.region"() ({
      %run_scoped3A_145 = tpu.sem_alloc : memref<!tpu.dma_semaphore, #tpu.memory_space<semaphore_mem>>
      %dma_start3A_146 = arith.constant 0 : i32
      %dma_start3A_147 = tpu.memref_slice %arg6[%run_scoped3A_134, %run_scoped3A_135, %dma_start3A_146] : memref<2x40x128xi32, #tpu.memory_space<vmem>> -> memref<1x1x128xi32, #tpu.memory_space<vmem>>
      %dma_start3A_148 = tpu.memref_squeeze %dma_start3A_147 : memref<1x1x128xi32, #tpu.memory_space<vmem>> -> memref<128xi32, #tpu.memory_space<vmem>>
      %dma_start3A_149 = arith.constant 0 : i32
      %dma_start3A_150 = tpu.memref_slice %arg14[%dma_start3A_149] : memref<10240xf32, #tpu.memory_space<vmem_shared>> -> memref<10240xf32, #tpu.memory_space<vmem_shared>>
      tpu.enqueue_indirect_dma source(%arg12 : memref<128xf32, #tpu.memory_space<vmem>>) target(%dma_start3A_150 : memref<10240xf32, #tpu.memory_space<vmem_shared>>) offsets(%dma_start3A_148 : memref<128xi32, #tpu.memory_space<vmem>>) semaphore(%run_scoped3A_145 : memref<!tpu.dma_semaphore, #tpu.memory_space<semaphore_mem>>) {add = true}
      %dma_wait3A_151 = arith.constant 0 : i32
      %dma_wait3A_152 = tpu.memref_slice %arg6[%run_scoped3A_134, %run_scoped3A_135, %dma_wait3A_151] : memref<2x40x128xi32, #tpu.memory_space<vmem>> -> memref<1x1x128xi32, #tpu.memory_space<vmem>>
      %dma_wait3A_153 = tpu.memref_squeeze %dma_wait3A_152 : memref<1x1x128xi32, #tpu.memory_space<vmem>> -> memref<128xi32, #tpu.memory_space<vmem>>
      %dma_wait3A_154 = arith.constant 0 : i32
      %dma_wait3A_155 = tpu.memref_slice %arg14[%dma_wait3A_154] : memref<10240xf32, #tpu.memory_space<vmem_shared>> -> memref<10240xf32, #tpu.memory_space<vmem_shared>>
      tpu.wait_indirect_dma semaphore(%run_scoped3A_145 : memref<!tpu.dma_semaphore, #tpu.memory_space<semaphore_mem>>) src(%arg12 : memref<128xf32, #tpu.memory_space<vmem>>) dst(%dma_wait3A_155 : memref<10240xf32, #tpu.memory_space<vmem_shared>>)
      tpu.yield
    }) : () -> ()
    %barrier3A_136 = arith.constant 0 : index
    tpu.barrier barrier_id(%barrier3A_136)
    %mul3A_137 = arith.constant 640 : i32
    %mul3A_138 = arith.muli %arg1, %mul3A_137 : i32
    %mul3A_139 = arith.constant 640 : i32
    %mul3A_140 = arith.muli %arg1, %mul3A_139 : i32
    "tpu.region"() ({
      %run_scoped3A_145 = tpu.sem_alloc : memref<!tpu.dma_semaphore, #tpu.memory_space<semaphore_mem>>
      %dma_start3A_146 = arith.constant 0 : i32
      %dma_start3A_147 = tpu.memref_slice %arg4[%arg0, %mul3A_140, %dma_start3A_146] : memref<2x10240x128xf32, #tpu.memory_space<hbm>> -> memref<1x640x128xf32, #tpu.memory_space<hbm>>
      %dma_start3A_148 = tpu.memref_squeeze %dma_start3A_147 : memref<1x640x128xf32, #tpu.memory_space<hbm>> -> memref<640x128xf32, #tpu.memory_space<hbm>>
      %dma_start3A_149 = arith.constant 0 : i32
      %dma_start3A_150 = tpu.memref_slice %arg9[%mul3A_138, %dma_start3A_149] : memref<10240x128xf32, #tpu.memory_space<vmem_shared>> -> memref<640x128xf32, #tpu.memory_space<vmem_shared>>
      tpu.enqueue_dma source(%dma_start3A_150 : memref<640x128xf32, #tpu.memory_space<vmem_shared>>) target(%dma_start3A_148 : memref<640x128xf32, #tpu.memory_space<hbm>>) target_semaphore(%run_scoped3A_145 : memref<!tpu.dma_semaphore, #tpu.memory_space<semaphore_mem>>)
      %dma_wait3A_151 = arith.constant 0 : i32
      %dma_wait3A_152 = tpu.memref_slice %arg4[%arg0, %mul3A_140, %dma_wait3A_151] : memref<2x10240x128xf32, #tpu.memory_space<hbm>> -> memref<1x640x128xf32, #tpu.memory_space<hbm>>
      %dma_wait3A_153 = tpu.memref_squeeze %dma_wait3A_152 : memref<1x640x128xf32, #tpu.memory_space<hbm>> -> memref<640x128xf32, #tpu.memory_space<hbm>>
      %dma_wait3A_154 = arith.constant 0 : i32
      %dma_wait3A_155 = tpu.memref_slice %arg9[%mul3A_138, %dma_wait3A_154] : memref<10240x128xf32, #tpu.memory_space<vmem_shared>> -> memref<640x128xf32, #tpu.memory_space<vmem_shared>>
      tpu.wait_dma2 semaphore(%run_scoped3A_145 : memref<!tpu.dma_semaphore, #tpu.memory_space<semaphore_mem>>) src(%dma_wait3A_155 : memref<640x128xf32, #tpu.memory_space<vmem_shared>>) dst(%dma_wait3A_153 : memref<640x128xf32, #tpu.memory_space<hbm>>)
      tpu.yield
    }) : () -> ()
    %mul3A_141 = arith.constant 640 : i32
    %mul3A_142 = arith.muli %arg1, %mul3A_141 : i32
    %mul3A_143 = arith.constant 640 : i32
    %mul3A_144 = arith.muli %arg1, %mul3A_143 : i32
    "tpu.region"() ({
      %run_scoped3A_145 = tpu.sem_alloc : memref<!tpu.dma_semaphore, #tpu.memory_space<semaphore_mem>>
      %dma_start3A_146 = tpu.memref_slice %arg5[%arg0, %mul3A_144] : memref<2x10240xf32, #tpu.memory_space<hbm>> -> memref<1x640xf32, #tpu.memory_space<hbm>>
      %dma_start3A_147 = tpu.memref_squeeze %dma_start3A_146 : memref<1x640xf32, #tpu.memory_space<hbm>> -> memref<640xf32, #tpu.memory_space<hbm>>
      %dma_start3A_148 = tpu.memref_slice %arg14[%mul3A_142] : memref<10240xf32, #tpu.memory_space<vmem_shared>> -> memref<640xf32, #tpu.memory_space<vmem_shared>>
      tpu.enqueue_dma source(%dma_start3A_148 : memref<640xf32, #tpu.memory_space<vmem_shared>>) target(%dma_start3A_147 : memref<640xf32, #tpu.memory_space<hbm>>) target_semaphore(%run_scoped3A_145 : memref<!tpu.dma_semaphore, #tpu.memory_space<semaphore_mem>>)
      %dma_wait3A_149 = tpu.memref_slice %arg5[%arg0, %mul3A_144] : memref<2x10240xf32, #tpu.memory_space<hbm>> -> memref<1x640xf32, #tpu.memory_space<hbm>>
      %dma_wait3A_150 = tpu.memref_squeeze %dma_wait3A_149 : memref<1x640xf32, #tpu.memory_space<hbm>> -> memref<640xf32, #tpu.memory_space<hbm>>
      %dma_wait3A_151 = tpu.memref_slice %arg14[%mul3A_142] : memref<10240xf32, #tpu.memory_space<vmem_shared>> -> memref<640xf32, #tpu.memory_space<vmem_shared>>
      tpu.wait_dma2 semaphore(%run_scoped3A_145 : memref<!tpu.dma_semaphore, #tpu.memory_space<semaphore_mem>>) src(%dma_wait3A_151 : memref<640xf32, #tpu.memory_space<vmem_shared>>) dst(%dma_wait3A_150 : memref<640xf32, #tpu.memory_space<hbm>>)
      tpu.yield
    }) : () -> ()
    return
  }
}

module attributes {stable_mosaic.version = 14 : i64} {
  func.func @_tc_body(%arg0: i32, %arg1: memref<2x2000x128xf32, #tpu.memory_space<vmem>>, %arg2: memref<2000x2xf32, #tpu.memory_space<vmem>>, %arg3: memref<2000x128xf32, #tpu.memory_space<vmem>>, %arg4: memref<128x128xf32, #tpu.memory_space<vmem>>, %arg5: memref<1x128xf32, #tpu.memory_space<vmem>>, %arg6: memref<2000x128xf32, #tpu.memory_space<vmem>>) attributes {dimension_semantics = [#tpu.dimension_semantics<arbitrary>], iteration_bounds = array<i64: 5>, scalar_prefetch = 0 : i64, scratch_operands = 0 : i64, tpu.core_type = #tpu.core_type<tc>, window_params = [{transform_indices = @transform_0, window_bounds = array<i64: 2, 2000, 128>}, {transform_indices = @transform_1, window_bounds = array<i64: 2000, 2>}, {transform_indices = @transform_2, window_bounds = array<i64: 2000, 128>}, {pipeline_mode = #tpu.pipeline_mode<synchronous>, transform_indices = @transform_3, window_bounds = array<i64: 128, 128>}, {pipeline_mode = #tpu.pipeline_mode<synchronous>, transform_indices = @transform_4, window_bounds = array<i64: 1, 128>}, {transform_indices = @transform_5, window_bounds = array<i64: 2000, 128>}]} {
    %get3A = arith.constant 0 : index
    %get3A_0 = arith.constant 0 : index
    %get3A_1 = arith.constant 0 : index
    %get3A_2 = vector.load %arg1[%get3A, %get3A_0, %get3A_1] : memref<2x2000x128xf32, #tpu.memory_space<vmem>>, vector<1x2000x128xf32>
    %get3A_3 = vector.shape_cast %get3A_2 : vector<1x2000x128xf32> to vector<2000x128xf32>
    %get3A_4 = arith.constant 1 : index
    %get3A_5 = arith.constant 0 : index
    %get3A_6 = arith.constant 0 : index
    %get3A_7 = vector.load %arg1[%get3A_4, %get3A_5, %get3A_6] : memref<2x2000x128xf32, #tpu.memory_space<vmem>>, vector<1x2000x128xf32>
    %get3A_8 = vector.shape_cast %get3A_7 : vector<1x2000x128xf32> to vector<2000x128xf32>
    %add3A = arith.addf %get3A_3, %get3A_8 : vector<2000x128xf32>
    %get3A_9 = arith.constant 0 : index
    %get3A_10 = arith.constant 0 : index
    %get3A_11 = vector.load %arg2[%get3A_9, %get3A_10] : memref<2000x2xf32, #tpu.memory_space<vmem>>, vector<2000x1xf32>
    %get3A_12 = vector.shape_cast %get3A_11 : vector<2000x1xf32> to vector<2000xf32>
    %get3A_13 = arith.constant 0 : index
    %get3A_14 = arith.constant 1 : index
    %get3A_15 = vector.load %arg2[%get3A_13, %get3A_14] : memref<2000x2xf32, #tpu.memory_space<vmem>>, vector<2000x1xf32>
    %get3A_16 = vector.shape_cast %get3A_15 : vector<2000x1xf32> to vector<2000xf32>
    %add3A_17 = arith.addf %get3A_12, %get3A_16 : vector<2000xf32>
    %broadcast_in_dim3A = vector.shape_cast %add3A_17 : vector<2000xf32> to vector<2000x1xf32>
    %get3A_18 = arith.constant 0 : index
    %get3A_19 = arith.constant 0 : index
    %get3A_20 = vector.load %arg3[%get3A_18, %get3A_19] : memref<2000x128xf32, #tpu.memory_space<vmem>>, vector<2000x128xf32>
    %mul3A = vector.broadcast %broadcast_in_dim3A : vector<2000x1xf32> to vector<2000x128xf32>
    %mul3A_21 = arith.mulf %mul3A, %get3A_20 : vector<2000x128xf32>
    %sub3A = arith.subf %add3A, %mul3A_21 : vector<2000x128xf32>
    %get3A_22 = arith.constant 0 : index
    %get3A_23 = arith.constant 0 : index
    %get3A_24 = vector.load %arg4[%get3A_22, %get3A_23] : memref<128x128xf32, #tpu.memory_space<vmem>>, vector<128x128xf32>
    %dot_general3A = arith.constant dense<0.000000e+00> : vector<2000x128xf32>
    %dot_general3A_25 = tpu.matmul %sub3A, %get3A_24, %dot_general3A {dimension_numbers = #tpu.dot_dimension_numbers<[1], [1], [0], [0], [0, 0, 1, 0], [], []>, precision = #tpu.contract_precision<fp32>, transpose_lhs_hint = false} : vector<2000x128xf32>, vector<128x128xf32>, vector<2000x128xf32> -> vector<2000x128xf32>
    %broadcast_in_dim3A_26 = vector.shape_cast %add3A_17 : vector<2000xf32> to vector<2000x1xf32>
    %get3A_27 = arith.constant 0 : index
    %get3A_28 = arith.constant 0 : index
    %get3A_29 = vector.load %arg5[%get3A_27, %get3A_28] : memref<1x128xf32, #tpu.memory_space<vmem>>, vector<1x128xf32>
    %mul3A_30 = vector.broadcast %broadcast_in_dim3A_26 : vector<2000x1xf32> to vector<2000x128xf32>
    %mul3A_31 = vector.broadcast %get3A_29 : vector<1x128xf32> to vector<2000x128xf32>
    %mul3A_32 = arith.mulf %mul3A_30, %mul3A_31 : vector<2000x128xf32>
    %add3A_33 = arith.addf %dot_general3A_25, %mul3A_32 : vector<2000x128xf32>
    %swap3A = arith.constant 0 : index
    %swap3A_34 = arith.constant 0 : index
    %swap3A_35 = vector.load %arg6[%swap3A, %swap3A_34] : memref<2000x128xf32, #tpu.memory_space<vmem>>, vector<2000x128xf32>
    tpu.vector_store %arg6[%swap3A, %swap3A_34], %add3A_33 {strides = array<i32>} : memref<2000x128xf32, #tpu.memory_space<vmem>>, vector<2000x128xf32>,
    return
  }
  func.func @transform_0(%arg0: i32) -> (i32, i32, i32) {
    %c0_i32 = arith.constant 0 : i32
    %c0_i32_0 = arith.constant 0 : i32
    %c0_i32_1 = arith.constant 0 : i32
    return %c0_i32, %arg0, %c0_i32_0 : i32, i32, i32
  }
  func.func @transform_1(%arg0: i32) -> (i32, i32) {
    %c0_i32 = arith.constant 0 : i32
    %c0_i32_0 = arith.constant 0 : i32
    return %arg0, %c0_i32 : i32, i32
  }
  func.func @transform_2(%arg0: i32) -> (i32, i32) {
    %c0_i32 = arith.constant 0 : i32
    %c0_i32_0 = arith.constant 0 : i32
    return %arg0, %c0_i32 : i32, i32
  }
  func.func @transform_3(%arg0: i32) -> (i32, i32) {
    %c0_i32 = arith.constant 0 : i32
    %c0_i32_0 = arith.constant 0 : i32
    %c0_i32_1 = arith.constant 0 : i32
    return %c0_i32, %c0_i32_0 : i32, i32
  }
  func.func @transform_4(%arg0: i32) -> (i32, i32) {
    %c0_i32 = arith.constant 0 : i32
    %c0_i32_0 = arith.constant 0 : i32
    %c0_i32_1 = arith.constant 0 : i32
    return %c0_i32, %c0_i32_0 : i32, i32
  }
  func.func @transform_5(%arg0: i32) -> (i32, i32) {
    %c0_i32 = arith.constant 0 : i32
    %c0_i32_0 = arith.constant 0 : i32
    return %arg0, %c0_i32 : i32, i32
  }
}

module attributes {stable_mosaic.version = 14 : i64} {
  func.func @_tc_body(%arg0: i32, %arg1: memref<2x2000x128xf32, #tpu.memory_space<vmem>>, %arg2: memref<2000x2xf32, #tpu.memory_space<vmem>>, %arg3: memref<2000x128xf32, #tpu.memory_space<vmem>>, %arg4: memref<128x128xf32, #tpu.memory_space<vmem>>, %arg5: memref<1x128xf32, #tpu.memory_space<vmem>>, %arg6: memref<2000x128xf32, #tpu.memory_space<vmem>>) attributes {dimension_semantics = [#tpu.dimension_semantics<arbitrary>], iteration_bounds = array<i64: 5>, scalar_prefetch = 0 : i64, scratch_operands = 0 : i64, tpu.core_type = #tpu.core_type<tc>, window_params = [{transform_indices = @transform_0, window_bounds = array<i64: 2, 2000, 128>}, {transform_indices = @transform_1, window_bounds = array<i64: 2000, 2>}, {transform_indices = @transform_2, window_bounds = array<i64: 2000, 128>}, {pipeline_mode = #tpu.pipeline_mode<synchronous>, transform_indices = @transform_3, window_bounds = array<i64: 128, 128>}, {pipeline_mode = #tpu.pipeline_mode<synchronous>, transform_indices = @transform_4, window_bounds = array<i64: 1, 128>}, {transform_indices = @transform_5, window_bounds = array<i64: 2000, 128>}]} {
    %get3A = arith.constant 0 : index
    %get3A_0 = arith.constant 0 : index
    %get3A_1 = arith.constant 0 : index
    %get3A_2 = vector.load %arg1[%get3A, %get3A_0, %get3A_1] : memref<2x2000x128xf32, #tpu.memory_space<vmem>>, vector<1x2000x128xf32>
    %get3A_3 = vector.shape_cast %get3A_2 : vector<1x2000x128xf32> to vector<2000x128xf32>
    %get3A_4 = arith.constant 1 : index
    %get3A_5 = arith.constant 0 : index
    %get3A_6 = arith.constant 0 : index
    %get3A_7 = vector.load %arg1[%get3A_4, %get3A_5, %get3A_6] : memref<2x2000x128xf32, #tpu.memory_space<vmem>>, vector<1x2000x128xf32>
    %get3A_8 = vector.shape_cast %get3A_7 : vector<1x2000x128xf32> to vector<2000x128xf32>
    %add3A = arith.addf %get3A_3, %get3A_8 : vector<2000x128xf32>
    %get3A_9 = arith.constant 0 : index
    %get3A_10 = arith.constant 0 : index
    %get3A_11 = vector.load %arg2[%get3A_9, %get3A_10] : memref<2000x2xf32, #tpu.memory_space<vmem>>, vector<2000x1xf32>
    %get3A_12 = vector.shape_cast %get3A_11 : vector<2000x1xf32> to vector<2000xf32>
    %get3A_13 = arith.constant 0 : index
    %get3A_14 = arith.constant 1 : index
    %get3A_15 = vector.load %arg2[%get3A_13, %get3A_14] : memref<2000x2xf32, #tpu.memory_space<vmem>>, vector<2000x1xf32>
    %get3A_16 = vector.shape_cast %get3A_15 : vector<2000x1xf32> to vector<2000xf32>
    %add3A_17 = arith.addf %get3A_12, %get3A_16 : vector<2000xf32>
    %broadcast_in_dim3A = vector.shape_cast %add3A_17 : vector<2000xf32> to vector<2000x1xf32>
    %get3A_18 = arith.constant 0 : index
    %get3A_19 = arith.constant 0 : index
    %get3A_20 = vector.load %arg3[%get3A_18, %get3A_19] : memref<2000x128xf32, #tpu.memory_space<vmem>>, vector<2000x128xf32>
    %mul3A = vector.broadcast %broadcast_in_dim3A : vector<2000x1xf32> to vector<2000x128xf32>
    %mul3A_21 = arith.mulf %mul3A, %get3A_20 : vector<2000x128xf32>
    %sub3A = arith.subf %add3A, %mul3A_21 : vector<2000x128xf32>
    %get3A_22 = arith.constant 0 : index
    %get3A_23 = arith.constant 0 : index
    %get3A_24 = vector.load %arg4[%get3A_22, %get3A_23] : memref<128x128xf32, #tpu.memory_space<vmem>>, vector<128x128xf32>
    %dot_general3A = arith.constant dense<0.000000e+00> : vector<2000x128xf32>
    %dot_general3A_25 = tpu.matmul %sub3A, %get3A_24, %dot_general3A {dimension_numbers = #tpu.dot_dimension_numbers<[1], [1], [0], [0], [0, 0, 1, 0], [], []>, precision = #tpu.contract_precision<fp32>, transpose_lhs_hint = false} : vector<2000x128xf32>, vector<128x128xf32>, vector<2000x128xf32> -> vector<2000x128xf32>
    %broadcast_in_dim3A_26 = vector.shape_cast %add3A_17 : vector<2000xf32> to vector<2000x1xf32>
    %get3A_27 = arith.constant 0 : index
    %get3A_28 = arith.constant 0 : index
    %get3A_29 = vector.load %arg5[%get3A_27, %get3A_28] : memref<1x128xf32, #tpu.memory_space<vmem>>, vector<1x128xf32>
    %mul3A_30 = vector.broadcast %broadcast_in_dim3A_26 : vector<2000x1xf32> to vector<2000x128xf32>
    %mul3A_31 = vector.broadcast %get3A_29 : vector<1x128xf32> to vector<2000x128xf32>
    %mul3A_32 = arith.mulf %mul3A_30, %mul3A_31 : vector<2000x128xf32>
    %add3A_33 = arith.addf %dot_general3A_25, %mul3A_32 : vector<2000x128xf32>
    %swap3A = arith.constant 0 : index
    %swap3A_34 = arith.constant 0 : index
    %swap3A_35 = vector.load %arg6[%swap3A, %swap3A_34] : memref<2000x128xf32, #tpu.memory_space<vmem>>, vector<2000x128xf32>
    tpu.vector_store %arg6[%swap3A, %swap3A_34], %add3A_33 {strides = array<i32>} : memref<2000x128xf32, #tpu.memory_space<vmem>>, vector<2000x128xf32>,
    return
  }
  func.func @transform_0(%arg0: i32) -> (i32, i32, i32) {
    %c0_i32 = arith.constant 0 : i32
    %c0_i32_0 = arith.constant 0 : i32
    %c0_i32_1 = arith.constant 0 : i32
    return %c0_i32, %arg0, %c0_i32_0 : i32, i32, i32
  }
  func.func @transform_1(%arg0: i32) -> (i32, i32) {
    %c0_i32 = arith.constant 0 : i32
    %c0_i32_0 = arith.constant 0 : i32
    return %arg0, %c0_i32 : i32, i32
  }
  func.func @transform_2(%arg0: i32) -> (i32, i32) {
    %c0_i32 = arith.constant 0 : i32
    %c0_i32_0 = arith.constant 0 : i32
    return %arg0, %c0_i32 : i32, i32
  }
  func.func @transform_3(%arg0: i32) -> (i32, i32) {
    %c0_i32 = arith.constant 0 : i32
    %c0_i32_0 = arith.constant 0 : i32
    %c0_i32_1 = arith.constant 0 : i32
    return %c0_i32, %c0_i32_0 : i32, i32
  }
  func.func @transform_4(%arg0: i32) -> (i32, i32) {
    %c0_i32 = arith.constant 0 : i32
    %c0_i32_0 = arith.constant 0 : i32
    %c0_i32_1 = arith.constant 0 : i32
    return %c0_i32, %c0_i32_0 : i32, i32
  }
  func.func @transform_5(%arg0: i32) -> (i32, i32) {
    %c0_i32 = arith.constant 0 : i32
    %c0_i32_0 = arith.constant 0 : i32
    return %arg0, %c0_i32 : i32, i32
  }
}

</mosaic_0001>

<sc_bundles>
// kernel: kernel.11.cloned.1.call-start
scs
__scs_entry_jumppad:
0x0: {  	(pc) =	sbr.rel $0x88, $3  }
0x1: {  	(tag) =	ssettag $0x0;
	lr =	simm.s32 $0x1  }
0x2: {  	[smem:$0x3F99] =	sst lr;
	_ =	strace $0xD0000000  }
0x3: {  	_ = 	snop  }
0x4: {  	_ = 	snop  }
0x5: {  	_ = 	snop  }
0x6: {  	_ = 	snop  }
0x7: {  	_ = 	snop  }
__scs_overlays_trampoline_lowered:
0x8: {  	[smem:$0x3FA8] =	sst s0  }
0x9: {  	[smem:$0x3FA9] =	sst s1  }
0xa: {  	[smem:$0x3FAA] =	sst s2  }
0xb: {  	[smem:$0x3FAB] =	sst s3  }
0xc: {  	[smem:$0x3FAC] =	sst s4  }
0xd: {  	[smem:$0x3FAD] =	sst s5  }
0xe: {  	[smem:$0x3FAE] =	sst s6  }
0xf: {  	[smem:$0x3FAF] =	sst s7  }
0x10: {  	[smem:$0x3FB0] =	sst s8  }
0x11: {  	[smem:$0x3FB1] =	sst s9;
	s0 =	simm.s32 @!p0 $0x0  }
0x12: {  	s1 =	sld [smem:$0x3F97];
	s0 =	simm.s32 @p0 $0x1  }
0x13: {  	[smem:$0x3FB2] =	sst s0;
	s0 =	simm.s32 @!p1 $0x0  }
0x14: {  	s2 =	sld [smem:$0x3F96];
	s0 =	simm.s32 @p1 $0x1  }
0x15: {  	[smem:$0x3FB3] =	sst s0;
	s0 =	simm.s32 @!p2 $0x0  }
0x16: {  	s3 =	sld [smem:$0x3FDB];
	s0 =	simm.s32 @p2 $0x1  }
0x17: {  	s4 =	simm.s32 $0x1BF5;
	[smem:$0x3FB5] =	sst s0  }
0x18: {  	s0 =	sld [smem:$0x3F98];
	_ =	swait.ge [sflag:s4], $0x0  }
0x19: {  	s7 =	sld [smem:$0x3F99]  }
0x1a: {  	s8 =	sadd.s32 $0xFFFFE003, lr  }
0x1b: {  	s9 =	sadd.s32 $0xFFFFFEF7, lr;
	s5 =	simm.s32 $0xFFFFFFFF;
	p2 =	slt.u32 s8, $0xFFFFF086  }
0x1c: {  	p1 =	slt.u32 s9, $0xF7A;
	s5 =	simm.s32 @!p2 $0x0  }
0x1d: {  	s5 =	simm.s32 @p1 $0x1;
	p0 =	seq.s32 s7, s2  }
0x1e: {  	s7 =	smul.u32 @!p0 $0xF7A, s2;
	p2 =	seq.s32 @!p0 s5, $0x0  }
0x1f: {  	s9 =	smul.u32 $0xF7A, s1;
	s8 =	simm.s32 @!p0 $0x1BF5;
	p2 =	por !p2, p0  }
0x20: {  	[sflag:s8] =	ssyncset.s32 @!p0 $0xFFFFF086;
	s6 =	sadd.s32 @!p0 s3, s7;
	s7 =	simm.s32 @!p0 $0x108  }
0x21: {  	s3 =	sadd.s32 s3, s9;
	s6 =	sadd.s32 @!p0 $0x88, s6;
	s7 =	simm.s32 @p2 $0x1082  }
0x22: {  	[simem:s7], [sflag:s8] =	dma.local @!p0 [hbm:s6], $0xF7A  }
0x23: {  	s9 =	sor.u32 $0xD0000000, s2;
	s6 =	simm.s32 $0x108;
	_ =	swait.ge @!p0 [sflag:s8], $0x0  }
0x24: {  	s3 =	sadd.s32 $0x88, s3;
	s6 =	simm.s32 @!p1 $0x1082;
	[sflag:s4] =	ssyncset.s32 $0xFFFFF086  }
0x25: {  	[simem:s6], [sflag:s4] =	dma.local [hbm:s3], $0xF7A  }
0x26: {  	[smem:$0x3F99] =	sst s1;
	(tag) =	ssettag s2;
	_ =	strace s9  }
0x27: {  	s1 =	sld [smem:$0x3FA9]  }
0x28: {  	s2 =	sld [smem:$0x3FAA]  }
0x29: {  	s4 =	sld [smem:$0x3FAC]  }
0x2a: {  	p0 =	seq.s32 s5, $0x0;
	s5 =	sld [smem:$0x3FAD]  }
0x2b: {  	s6 =	sld [smem:$0x3FAE]  }
0x2c: {  	s7 =	sld [smem:$0x3FAF]  }
0x2d: {  	s3 =	simm.s32 $0x108;
	s8 =	sld [smem:$0x3FB0]  }
0x2e: {  	s3 =	simm.s32 @!p0 $0x1082;
	s9 =	sld [smem:$0x3FB1]  }
0x2f: {  	lr =	sadd.s32 s0, s3;
	s0 =	sld [smem:$0x3FA8]  }
0x30: {  	s3 =	sld [smem:$0x3FAB]  }
0x31: {  	[smem:$0x3FB4] =	sst s10  }
0x32: {  	s10 =	sld [smem:$0x3FB2];
	_ =	sdelay $0x3  }
0x33: {  	p0 =	seq.s32 s10, $0x1;
	s10 =	sld [smem:$0x3FB4];
	_ =	sdelay $0x3  }
0x34: {  	[smem:$0x3FB4] =	sst s10  }
0x35: {  	s10 =	sld [smem:$0x3FB3];
	_ =	sdelay $0x3  }
0x36: {  	p1 =	seq.s32 s10, $0x1;
	s10 =	sld [smem:$0x3FB4];
	_ =	sdelay $0x3  }
0x37: {  	[smem:$0x3FB4] =	sst s10  }
0x38: {  	s10 =	sld [smem:$0x3FB5]  }
0x39: {  	_ = 	snop;
	(pc) =	sbr.ind lr, $3  }
0x3a: {  	_ = 	snop  }
0x3b: {  	_ = 	snop  }
0x3c: {  	p2 =	seq.s32 s10, $0x1;
	s10 =	sld [smem:$0x3FB4]  }
0x3d: {  	_ =	shalt  }
0x3e: {  	_ =	shalt  }
0x3f: {  	_ =	shalt  }
0x40: {  	_ =	shalt  }
0x41: {  	_ =	shalt  }
0x42: {  	_ =	shalt  }
0x43: {  	_ =	shalt  }
0x44: {  	_ =	shalt  }
0x45: {  	_ =	shalt  }
0x46: {  	_ =	shalt  }
0x47: {  	_ =	shalt  }
0x48: {  	_ =	shalt  }
0x49: {  	_ =	shalt  }
0x4a: {  	_ =	shalt  }
0x4b: {  	_ =	shalt  }
0x4c: {  	_ =	shalt  }
0x4d: {  	_ =	shalt  }
0x4e: {  	_ =	shalt  }
0x4f: {  	_ =	shalt  }
0x50: {  	_ =	shalt  }
0x51: {  	_ =	shalt  }
0x52: {  	_ =	shalt  }
0x53: {  	_ =	shalt  }
0x54: {  	_ =	shalt  }
0x55: {  	_ =	shalt  }
0x56: {  	_ =	shalt  }
0x57: {  	_ =	shalt  }
0x58: {  	_ =	shalt  }
0x59: {  	_ =	shalt  }
0x5a: {  	_ =	shalt  }
0x5b: {  	_ =	shalt  }
0x5c: {  	_ =	shalt  }
0x5d: {  	_ =	shalt  }
0x5e: {  	_ =	shalt  }
0x5f: {  	_ =	shalt  }
0x60: {  	_ =	shalt  }
0x61: {  	_ =	shalt  }
0x62: {  	_ =	shalt  }
0x63: {  	_ =	shalt  }
0x64: {  	_ =	shalt  }
0x65: {  	_ =	shalt  }
0x66: {  	_ =	shalt  }
0x67: {  	_ =	shalt  }
0x68: {  	_ =	shalt  }
0x69: {  	_ =	shalt  }
0x6a: {  	_ =	shalt  }
0x6b: {  	_ =	shalt  }
0x6c: {  	_ =	shalt  }
0x6d: {  	_ =	shalt  }
0x6e: {  	_ =	shalt  }
0x6f: {  	_ =	shalt  }
0x70: {  	_ =	shalt  }
0x71: {  	_ =	shalt  }
0x72: {  	_ =	shalt  }
0x73: {  	_ =	shalt  }
0x74: {  	_ =	shalt  }
0x75: {  	_ =	shalt  }
0x76: {  	_ =	shalt  }
0x77: {  	_ =	shalt  }
0x78: {  	_ =	shalt  }
0x79: {  	_ =	shalt  }
0x7a: {  	_ =	shalt  }
0x7b: {  	_ =	shalt  }
0x7c: {  	_ =	shalt  }
0x7d: {  	_ =	shalt  }
0x7e: {  	_ =	shalt  }
0x7f: {  	_ =	shalt  }
0x80: {  	_ =	shalt  }
0x81: {  	_ =	shalt  }
0x82: {  	_ =	shalt  }
0x83: {  	_ =	shalt  }
0x84: {  	_ =	shalt  }
0x85: {  	_ =	shalt  }
0x86: {  	_ =	shalt  }
0x87: {  	_ =	shalt  }
.Lfunc_end0:
.L_simem_size_0:
called_computation.1_lowered:
.L_overlay_start_0:
0x88: {  	s2 =	sld [smem:$0x3FD9]  }
0x89: {  	s3 =	sld [smem:$0x3FFE];
	_ =	sdelay $0x1  }
0x8a: {  	s1 =	srdreg.scid  }
0x8b: {  	s0 =	sand.u32 $0x1, s1  }
0x8c: {  	s17 =	sshll.u32 s0, $0xA;
	s2 =	sadd.s32 s3, s2  }
0x8d: {  	s2 =	sadd.s32 s2, s17  }
0x8e: {  	[smem:$0x3FC0] =	sst s2  }
0x8f: {  	_ = 	snop  }
0x90: {  	s2 =	sld [smem:$0x3FD0];
	(tm) =	ssettm $0x1  }
0x91: {  	s18 =	sld [smem:$0x3FFB];
	_ =	sdelay $0x3  }
0x92: {  	_ =	strace s18  }
0x93: {  	s3 =	sld [smem:$0x3FFC];
	_ =	sdelay $0x3  }
0x94: {  	_ =	strace s3  }
0x95: {  	s3 =	sld [smem:$0x3FFD];
	_ =	sdelay $0x3  }
0x96: {  	_ =	strace s3  }
0x97: {  	_ =	strace $0x8FFFFFFF  }
0x98: {  	s19 =	sld [smem:$0x3FDB];
	_ =	sdelay $0x1  }
0x99: {  	s4 =	simm.s32 $_scs_section_size  }
0x9a: {  	s5 =	simm.s32 $_size__tile_overlayer_lowered;
	s6 =	simm.s32 $_tile_overlayer_lowered  }
0x9b: {  	s22 =	simm.s32 $0x1BFF;
	s21 =	sshll.u32 s6, $0x1;
	s3 =	sadd.s32 s4, s19  }
0x9c: {  	s7 =	simm.s32 $0x0;
	s20 =	sshll.u32 s5, $0x1;
	s5 =	sadd.s32 s21, s3  }
0x9d: {  	[timem:s7], [sflag:s22] =	dma.local [hbm:s5], s20  }
0x9e: {  	_ =	swait.ge [sflag:s22], s20  }
0x9f: {  	s4 =	ssub.s32 $0x0, s20;
	[sflag:s22] =	ssyncset.done $0x0  }
0xa0: {  	[sflag:s22] =	ssyncadd.s32 s4;
	_ =	sdelay $0x1  }
0xa1: {  	s23 =	simm.s32 $0x1B8B  }
0xa2: {  	_ =	swait.ge [sflag:s23], $0x1  }
0xa3: {  	[sflag:s23] =	ssyncset.done $0x0  }
0xa4: {  	s25 =	simm.s32 $0x1B8E;
	s24 =	sld [smem:$0x3FFE];
	[sflag:s23] =	ssyncadd.s32 $0xFFFFFFFF  }
0xa5: {  	s26 =	simm.s32 $execute0_lowered;
	[smem:$0x3FD2] =	sst s25  }
0xa6: {  	s5 =	sshll.u32 s26, $0x1;
	_ =	strace $0x80000049;
	[dreg:$0x1] =	wrdreg $0xFFFFFFFF  }
0xa7: {  	s28 =	simm.s32 $_size_execute0_lowered;
	s3 =	sadd.s32 s3, s5;
	[dreg:$0x0] =	wrdreg $0x0  }
0xa8: {  	s5 =	sshll.u32 s28, $0x1;
	[dreg:$0x2] =	wrdreg s3  }
0xa9: {  	[dreg:$0x3] =	wrdreg s5  }
0xaa: {  	[dreg:$0x4] =	wrdreg $0xC0  }
0xab: {  	_ =	task [dreg:s7], $0x5FFFF  }
0xac: {  	[dreg:$0x1] =	wrdreg $0xFFFFFFFF  }
0xad: {  	[dreg:$0x0] =	wrdreg $0x60  }
0xae: {  	[dreg:$0x2] =	wrdreg s2  }
0xaf: {  	[dreg:$0x3] =	wrdreg s24  }
0xb0: {  	[dreg:$0x4] =	wrdreg $0xA8000  }
0xb1: {  	[dreg:$0x5] =	wrdreg $0x9  }
0xb2: {  	_ =	task.clear_ibuf [dreg:s7], $0x6FFFF;
	_ =	strace $0x90000049  }
0xb3: {  	s29 =	simm.s32 $0x9;
	_ =	strace $0x8000004B  }
0xb4: {  	_ =	swait.ge [sflag:s29], $0x1  }
0xb5: {  	[sflag:s29] =	ssyncadd.s32 $0xFFFFFFFF  }
0xb6: {  	_ =	strace $0x9000004B  }
0xb7: {  	_ =	sfence  }
0xb8: {  	s30 =	sld [smem:$0x0];
	_ =	sdelay $0x2  }
0xb9: {  	s31 =	sshll.u32 s1, $0xD;
	s1 =	sshrl.u32 s1, $0x2  }
0xba: {  	s3 =	sand.u32 $0x4000, s31;
	s1 =	sadd.s32 s1, s30  }
0xbb: {  	s0 =	sor.u32 s3, s0;
	s1 =	sshll.u32 s1, $0x11  }
0xbc: {  	s0 =	sor.u32 s1, s0  }
0xbd: {  	s0 =	sadd.s32 $0x8F2B, s0  }
0xbe: {  	[sflag:s0] =	ssyncadd.remote.s32 $0x1  }
0xbf: {  	_ =	sfence.sel $0xFFFF  }
0xc0: {  	[dreg:$0x0] =	wrdreg $0xFFFFFFFF;
	(pc) =	sbr.abs _section_cstart, $3  }
0xc1: {  	[dreg:$0x1] =	wrdreg $0xFFFFFFFF  }
0xc2: {  	_ =	task.clear_ibuf [dreg:s7], $0x2FFFF;
	_ =	strace $0x9FFFFFFF  }
0xc3: {  	(tm) =	ssettm $0x7FFFFFFF  }
tec
execute0_lowered:
.L_overlay_start_1:
0x0: {  	(tag) =	ssettag $0x1  }
0x1: {  	s2 =	rddreg [dreg:$0x0]  }
0x2: {  	s6 =	rddreg [dreg:$0x1]  }
0x3: {  	s0 =	srdreg.scid;
	s3 =	rddreg [dreg:$0x2]  }
0x4: {  	s4 =	simm.s32 $0x0;
	s14 =	simm.s32 $0x2800;
	s15 =	simm.s32 $0x3  }
0x5: {  	s16 =	simm.s32 $0x80;
	s17 =	simm.s32 $0x6800;
	s18 =	simm.s32 $0x1  }
0x6: {  	s19 =	simm.s32 $0x2;
	s20 =	simm.s32 $0x2700;
	s5 =	sand.u32 $0x1, s0  }
0x7: {  	s21 =	simm.s32 $0x2780;
	s0 =	stileid.u32;
	s8 =	smul.u32 $0x140000, s5  }
0x8: {  	s22 =	simm.s32 $0x0;
	s1 =	sshll.u32 s5, $0x4;
	s9 =	smul.u32 $0x14000, s0  }
0x9: {  	s10 =	smul.u32 $0x50000, s0;
	s29 =	ssub.s32 $0x2, s5;
	s1 =	sor.u32 s0, s1  }
0xa: {  	[smem:$0x7FF] =	sst s4;
	s31 =	sshrl.u32 s29, $0x1;
	s7 =	smul.u32 $0x5000, s1  }
0xb: {  	s1 =	rddreg [dreg:$0x3];
	_ =	strace $0x8000004A;
	s30 =	sshrl.u32 s10, $0x2  }
0xc: {  	s28 =	sadd.s32 s9, s8;
	s13 =	ssub.s32 s29, s31;
	s5 =	sadd.s32 s30, s3  }
0xd: {  	s13 =	smax.u32 s13, $0x1;
	s7 =	sshrl.u32 s7, $0x3;
	s8 =	sadd.s32 $0xC000, s5  }
0xe: {  	s9 =	sadd.s32 $0x10000, s5;
	s11 =	sadd.s32 s7, s6;
	s7 =	sshrl.u32 s28, $0x3  }
0xf: {  	s12 =	sadd.s32 s7, s6;
	s6 =	sadd.s32 $0x4000, s5;
	s7 =	sadd.s32 $0x8000, s5  }
0x10: {  	v0 =	vimm.f32 $0.0e+00;
	s10 =	sadd.s32 $0x2800, s11;
	s11 =	sadd.s32 $0x2D00, s11;
	s12 =	sadd.s32 $0x16800, s12  }
.LBB2_1:
0x11: {  	s23 =	simm.s32 $0x0;
	s24 =	simm.s32 $0x200  }
.LBB2_2:
0x12: {  	p0 =	sne.s32 s24, $0xFE00;
	[tilespmem:s23+$0x2870] =	vst v0  }
0x13: {  	[tilespmem:s23+$0x2800] =	vst v0  }
0x14: {  	[tilespmem:s23+$0x2810] =	vst v0  }
.Ltmp0:
0x15: {  	[tilespmem:s23+$0x2820] =	vst v0;
	(pc) =	sbr.rel @p0 .LBB2_2-.Ltmp0, $4  }
0x16: {  	[tilespmem:s23+$0x2830] =	vst v0  }
0x17: {  	[tilespmem:s23+$0x2840] =	vst v0  }
0x18: {  	[tilespmem:s23+$0x2850] =	vst v0  }
0x19: {  	[tilespmem:s23+$0x2860] =	vst v0;
	s23 =	sshra.s32 s24, $0x2;
	s24 =	sadd.s32 $0x200, s24  }
0x1a: {  	[tilespmem:s23+$0x2870] =	vst v0  }
0x1b: {  	[tilespmem:s23+$0x2800] =	vst v0  }
0x1c: {  	[tilespmem:s23+$0x2810] =	vst v0  }
0x1d: {  	[tilespmem:s23+$0x2820] =	vst v0  }
0x1e: {  	[tilespmem:s23+$0x2830] =	vst v0  }
0x1f: {  	[tilespmem:s23+$0x2840] =	vst v0  }
0x20: {  	[tilespmem:s23+$0x2850] =	vst v0  }
0x21: {  	[tilespmem:s23+$0x2860] =	vst v0  }
0x22: {  	[spmem:s5] =	stream.linear.scatter [tilespmem:s14], [sflag:$0x3], $0x4000, $0x38;
	[tilespmem:$0x1E800] =	vst v63  }
0x23: {  	_ =	swait.ge [sflag:s15], $0x4000  }
0x24: {  	[sflag:s15] =	ssyncset.done $0x0  }
0x25: {  	[sflag:s15] =	ssyncadd.s32 $0xFFFFC000  }
0x26: {  	[spmem:s6] =	stream.linear.scatter [tilespmem:s14], [sflag:$0x3], $0x4000, $0x38;
	[tilespmem:$0x1E800] =	vst v63  }
0x27: {  	_ =	swait.ge [sflag:s15], $0x4000  }
0x28: {  	[sflag:s15] =	ssyncset.done $0x0  }
0x29: {  	[sflag:s15] =	ssyncadd.s32 $0xFFFFC000  }
0x2a: {  	[spmem:s7] =	stream.linear.scatter [tilespmem:s14], [sflag:$0x3], $0x4000, $0x38;
	[tilespmem:$0x1E800] =	vst v63  }
0x2b: {  	_ =	swait.ge [sflag:s15], $0x4000  }
0x2c: {  	[sflag:s15] =	ssyncset.done $0x0  }
0x2d: {  	[sflag:s15] =	ssyncadd.s32 $0xFFFFC000  }
0x2e: {  	[spmem:s8] =	stream.linear.scatter [tilespmem:s14], [sflag:$0x3], $0x4000, $0x38;
	[tilespmem:$0x1E800] =	vst v63  }
0x2f: {  	_ =	swait.ge [sflag:s15], $0x4000  }
0x30: {  	[sflag:s15] =	ssyncset.done $0x0  }
0x31: {  	[sflag:s15] =	ssyncadd.s32 $0xFFFFC000  }
0x32: {  	[spmem:s9] =	stream.linear.scatter [tilespmem:s14], [sflag:$0x3], $0x4000, $0x38;
	[tilespmem:$0x1E800] =	vst v63  }
0x33: {  	_ =	swait.ge [sflag:s15], $0x4000  }
0x34: {  	[sflag:s15] =	ssyncset.done $0x0  }
0x35: {  	[sflag:s15] =	ssyncadd.s32 $0xFFFFC000  }
0x36: {  	[tilespmem:s4], [sflag:$0x3] =	stream.linear.gather [hbm4b:s10+s4], $0x2800, $0x38;
	[tilespmem:$0x1E800] =	vst v63  }
0x37: {  	_ =	swait.ge [sflag:s15], $0x2800  }
0x38: {  	[sflag:s15] =	ssyncset.done $0x0  }
0x39: {  	[sflag:s15] =	ssyncadd.s32 $0xFFFFD800  }
0x3a: {  	[tilespmem:s14], [sflag:$0x1] =	stream.indirect.gather [hbm4b:s2+s16], $0x80, s4, s16, $0xb8;
	[tilespmem:$0x1E800] =	vst v63  }
0x3b: {  	_ = 	snop  }
0x3c: {  	[tilespmem:s17], [sflag:$0x2] =	stream.indirect.gather [hbm4b:s2+s16], $0x80, s16, s16, $0xb8;
	[tilespmem:$0x1E800] =	vst v63  }
0x3d: {  	[bflag:$0x0] =	sbarrier.arrive $0xFFFF  }
0x3e: {  	_ =	swait.ge [sflag:s18], $0x4000  }
0x3f: {  	[sflag:s18] =	ssyncset.done $0x0  }
0x40: {  	s29 =	simm.s32 $0x1400;
	[sflag:s18] =	ssyncadd.s32 $0xFFFFC000  }
0x41: {  	[spmem:s3] =	stream.indirect.scatter.add.f32 [tilespmem:s14], [sflag:$0x3], $0x80, s29, s16, $0xb8;
	[tilespmem:$0x1E800] =	vst v63  }
0x42: {  	_ =	swait.ge [sflag:s15], $0x4000  }
0x43: {  	[sflag:s15] =	ssyncset.done $0x0  }
0x44: {  	s30 =	simm.s32 $0x100;
	[sflag:s15] =	ssyncadd.s32 $0xFFFFC000  }
0x45: {  	[tilespmem:s14], [sflag:$0x1] =	stream.indirect.gather [hbm4b:s2+s16], $0x80, s30, s16, $0xb8;
	[tilespmem:$0x1E800] =	vst v63  }
0x46: {  	_ =	swait.ge [sflag:s19], $0x4000  }
0x47: {  	[sflag:s19] =	ssyncset.done $0x0  }
0x48: {  	s31 =	simm.s32 $0x1480;
	[sflag:s19] =	ssyncadd.s32 $0xFFFFC000  }
0x49: {  	[spmem:s3] =	stream.indirect.scatter.add.f32 [tilespmem:s17], [sflag:$0x3], $0x80, s31, s16, $0xb8;
	[tilespmem:$0x1E800] =	vst v63  }
0x4a: {  	_ =	swait.ge [sflag:s15], $0x4000  }
0x4b: {  	[sflag:s15] =	ssyncset.done $0x0  }
0x4c: {  	s23 =	simm.s32 $0x800;
	s24 =	simm.s32 $0x180;
	[sflag:s15] =	ssyncadd.s32 $0xFFFFC000  }
.LBB2_4:
0x4d: {  	[tilespmem:s17], [sflag:$0x2] =	stream.indirect.gather [hbm4b:s2+s16], $0x80, s24, s16, $0xb8;
	[tilespmem:$0x1E800] =	vst v63  }
0x4e: {  	s24 =	smov.u32 s23  }
0x4f: {  	p0 =	sne.s32 s23, $0x4C00;
	s23 =	sadd.s32 $0x400, s23;
	_ =	swait.ge [sflag:s18], $0x4000  }
0x50: {  	s24 =	sshra.s32 s24, $0x2;
	[sflag:s18] =	ssyncset.done $0x0  }
0x51: {  	s25 =	sadd.s32 $0x1300, s24;
	[sflag:s18] =	ssyncadd.s32 $0xFFFFC000  }
0x52: {  	[spmem:s3] =	stream.indirect.scatter.add.f32 [tilespmem:s14], [sflag:$0x3], $0x80, s25, s16, $0xb8;
	[tilespmem:$0x1E800] =	vst v63  }
0x53: {  	_ =	swait.ge [sflag:s15], $0x4000  }
0x54: {  	[sflag:s15] =	ssyncset.done $0x0  }
0x55: {  	[sflag:s15] =	ssyncadd.s32 $0xFFFFC000  }
0x56: {  	[tilespmem:s14], [sflag:$0x1] =	stream.indirect.gather [hbm4b:s2+s16], $0x80, s24, s16, $0xb8;
	[tilespmem:$0x1E800] =	vst v63  }
0x57: {  	_ =	swait.ge [sflag:s19], $0x4000  }
0x58: {  	[sflag:s19] =	ssyncset.done $0x0  }
.Ltmp1:
0x59: {  	s25 =	sadd.s32 $0x1380, s24;
	[sflag:s19] =	ssyncadd.s32 $0xFFFFC000;
	(pc) =	sbr.rel @p0 .LBB2_4-.Ltmp1, $4  }
0x5a: {  	[spmem:s3] =	stream.indirect.scatter.add.f32 [tilespmem:s17], [sflag:$0x3], $0x80, s25, s16, $0xb8;
	[tilespmem:$0x1E800] =	vst v63  }
0x5b: {  	_ =	swait.ge [sflag:s15], $0x4000  }
0x5c: {  	[sflag:s15] =	ssyncset.done $0x0  }
0x5d: {  	s24 =	sadd.s32 $0x80, s24;
	[sflag:s15] =	ssyncadd.s32 $0xFFFFC000  }
0x5e: {  	[tilespmem:s17], [sflag:$0x2] =	stream.indirect.gather [hbm4b:s2+s16], $0x80, s24, s16, $0xb8;
	[tilespmem:$0x1E800] =	vst v63  }
0x5f: {  	_ =	swait.ge [sflag:s18], $0x4000  }
0x60: {  	[sflag:s18] =	ssyncset.done $0x0  }
0x61: {  	[sflag:s18] =	ssyncadd.s32 $0xFFFFC000  }
0x62: {  	[spmem:s3] =	stream.indirect.scatter.add.f32 [tilespmem:s14], [sflag:$0x3], $0x80, s20, s16, $0xb8;
	[tilespmem:$0x1E800] =	vst v63  }
0x63: {  	_ =	swait.ge [sflag:s15], $0x4000  }
0x64: {  	[sflag:s15] =	ssyncset.done $0x0  }
0x65: {  	[sflag:s15] =	ssyncadd.s32 $0xFFFFC000  }
0x66: {  	_ =	swait.ge [sflag:s19], $0x4000  }
0x67: {  	[sflag:s19] =	ssyncset.done $0x0  }
0x68: {  	[sflag:s19] =	ssyncadd.s32 $0xFFFFC000  }
0x69: {  	[spmem:s3] =	stream.indirect.scatter.add.f32 [tilespmem:s17], [sflag:$0x3], $0x80, s21, s16, $0xb8;
	[tilespmem:$0x1E800] =	vst v63  }
0x6a: {  	_ =	swait.ge [sflag:s15], $0x4000  }
0x6b: {  	[sflag:s15] =	ssyncset.done $0x0  }
0x6c: {  	[sflag:s15] =	ssyncadd.s32 $0xFFFFC000  }
0x6d: {  	[tilespmem:s4], [sflag:$0x3] =	stream.linear.gather [hbm4b:s11+s4], $0x2800, $0x38;
	[tilespmem:$0x1E800] =	vst v63  }
0x6e: {  	_ =	swait.ge [sflag:s15], $0x2800  }
0x6f: {  	[sflag:s15] =	ssyncset.done $0x0  }
0x70: {  	[sflag:s15] =	ssyncadd.s32 $0xFFFFD800  }
0x71: {  	[tilespmem:s14], [sflag:$0x1] =	stream.indirect.gather [hbm4b:s2+s16], $0x80, s4, s16, $0xb8;
	[tilespmem:$0x1E800] =	vst v63  }
0x72: {  	_ = 	snop  }
0x73: {  	[tilespmem:s17], [sflag:$0x2] =	stream.indirect.gather [hbm4b:s2+s16], $0x80, s16, s16, $0xb8;
	[tilespmem:$0x1E800] =	vst v63  }
0x74: {  	_ =	swait.ge [sflag:s18], $0x4000  }
0x75: {  	[sflag:s18] =	ssyncset.done $0x0  }
0x76: {  	s23 =	simm.s32 $0x1400;
	[sflag:s18] =	ssyncadd.s32 $0xFFFFC000  }
0x77: {  	[spmem:s3] =	stream.indirect.scatter.add.f32 [tilespmem:s14], [sflag:$0x3], $0x80, s23, s16, $0xb8;
	[tilespmem:$0x1E800] =	vst v63  }
0x78: {  	_ =	swait.ge [sflag:s15], $0x4000  }
0x79: {  	[sflag:s15] =	ssyncset.done $0x0  }
0x7a: {  	s30 =	simm.s32 $0x100;
	[sflag:s15] =	ssyncadd.s32 $0xFFFFC000  }
0x7b: {  	[tilespmem:s14], [sflag:$0x1] =	stream.indirect.gather [hbm4b:s2+s16], $0x80, s30, s16, $0xb8;
	[tilespmem:$0x1E800] =	vst v63  }
0x7c: {  	_ =	swait.ge [sflag:s19], $0x4000  }
0x7d: {  	[sflag:s19] =	ssyncset.done $0x0  }
0x7e: {  	s31 =	simm.s32 $0x1480;
	[sflag:s19] =	ssyncadd.s32 $0xFFFFC000  }
0x7f: {  	[spmem:s3] =	stream.indirect.scatter.add.f32 [tilespmem:s17], [sflag:$0x3], $0x80, s31, s16, $0xb8;
	[tilespmem:$0x1E800] =	vst v63  }
0x80: {  	_ =	swait.ge [sflag:s15], $0x4000  }
0x81: {  	[sflag:s15] =	ssyncset.done $0x0  }
0x82: {  	s24 =	simm.s32 $0x180;
	s23 =	simm.s32 $0x800;
	[sflag:s15] =	ssyncadd.s32 $0xFFFFC000  }
.LBB2_6:
0x83: {  	[tilespmem:s17], [sflag:$0x2] =	stream.indirect.gather [hbm4b:s2+s16], $0x80, s24, s16, $0xb8;
	[tilespmem:$0x1E800] =	vst v63  }
0x84: {  	s24 =	smov.u32 s23  }
0x85: {  	p0 =	sne.s32 s23, $0x4C00;
	s23 =	sadd.s32 $0x400, s23;
	_ =	swait.ge [sflag:s18], $0x4000  }
0x86: {  	s24 =	sshra.s32 s24, $0x2;
	[sflag:s18] =	ssyncset.done $0x0  }
0x87: {  	s25 =	sadd.s32 $0x1300, s24;
	[sflag:s18] =	ssyncadd.s32 $0xFFFFC000  }
0x88: {  	[spmem:s3] =	stream.indirect.scatter.add.f32 [tilespmem:s14], [sflag:$0x3], $0x80, s25, s16, $0xb8;
	[tilespmem:$0x1E800] =	vst v63  }
0x89: {  	_ =	swait.ge [sflag:s15], $0x4000  }
0x8a: {  	[sflag:s15] =	ssyncset.done $0x0  }
0x8b: {  	[sflag:s15] =	ssyncadd.s32 $0xFFFFC000  }
0x8c: {  	[tilespmem:s14], [sflag:$0x1] =	stream.indirect.gather [hbm4b:s2+s16], $0x80, s24, s16, $0xb8;
	[tilespmem:$0x1E800] =	vst v63  }
0x8d: {  	_ =	swait.ge [sflag:s19], $0x4000  }
0x8e: {  	[sflag:s19] =	ssyncset.done $0x0  }
.Ltmp2:
0x8f: {  	s25 =	sadd.s32 $0x1380, s24;
	[sflag:s19] =	ssyncadd.s32 $0xFFFFC000;
	(pc) =	sbr.rel @p0 .LBB2_6-.Ltmp2, $4  }
0x90: {  	[spmem:s3] =	stream.indirect.scatter.add.f32 [tilespmem:s17], [sflag:$0x3], $0x80, s25, s16, $0xb8;
	[tilespmem:$0x1E800] =	vst v63  }
0x91: {  	_ =	swait.ge [sflag:s15], $0x4000  }
0x92: {  	[sflag:s15] =	ssyncset.done $0x0  }
0x93: {  	s24 =	sadd.s32 $0x80, s24;
	[sflag:s15] =	ssyncadd.s32 $0xFFFFC000  }
0x94: {  	[tilespmem:s17], [sflag:$0x2] =	stream.indirect.gather [hbm4b:s2+s16], $0x80, s24, s16, $0xb8;
	[tilespmem:$0x1E800] =	vst v63  }
0x95: {  	_ =	swait.ge [sflag:s18], $0x4000  }
0x96: {  	[sflag:s18] =	ssyncset.done $0x0  }
0x97: {  	[sflag:s18] =	ssyncadd.s32 $0xFFFFC000  }
0x98: {  	[spmem:s3] =	stream.indirect.scatter.add.f32 [tilespmem:s14], [sflag:$0x3], $0x80, s20, s16, $0xb8;
	[tilespmem:$0x1E800] =	vst v63  }
0x99: {  	_ =	swait.ge [sflag:s15], $0x4000  }
0x9a: {  	[sflag:s15] =	ssyncset.done $0x0  }
0x9b: {  	[sflag:s15] =	ssyncadd.s32 $0xFFFFC000  }
0x9c: {  	_ =	swait.ge [sflag:s19], $0x4000  }
0x9d: {  	[sflag:s19] =	ssyncset.done $0x0  }
0x9e: {  	[sflag:s19] =	ssyncadd.s32 $0xFFFFC000  }
0x9f: {  	[spmem:s3] =	stream.indirect.scatter.add.f32 [tilespmem:s17], [sflag:$0x3], $0x80, s21, s16, $0xb8;
	[tilespmem:$0x1E800] =	vst v63  }
0xa0: {  	_ =	swait.ge [sflag:s15], $0x4000  }
0xa1: {  	s23 =	sshll.u32 s0, $0x6;
	s22 =	sadd.s32 $0x1, s22;
	[sflag:s15] =	ssyncset.done $0x0  }
0xa2: {  	s31 =	sshrl.u32 s5, $0x3;
	p0 =	sne.s32 s22, s13;
	[sflag:s15] =	ssyncadd.s32 $0xFFFFC000  }
.Ltmp3:
0xa3: {  	s23 =	sor.u32 $0x1C03, s23;
	[bflag:$0x0] =	sbarrier.arrive $0xFFFF;
	(pc) =	sbr.rel @p0 .LBB2_1-.Ltmp3, $4  }
0xa4: {  	[hbm:s12], [sflag:s23] =	dma.local [spmem:s31], $0x2800  }
0xa5: {  	_ =	swait.ge [sflag:s15], $0x2800  }
0xa6: {  	[sflag:s15] =	ssyncset.done $0x0  }
0xa7: {  	[sflag:s15] =	ssyncadd.s32 $0xFFFFD800  }
0xa8: {  	_ =	sfence.sel $0x180000  }
0xa9: {  	[bflag:$0x0] =	sbarrier.arrive $0xFFFF  }
0xaa: {  	p0 =	sne.s32 s0, $0x0;
	_ =	strace $0x9000004A  }
0xab: {  	s0 =	sadd.s32 @!p0 $0x100000, s1;
	[bflag:$0x2] =	sbarrier.arrive $0xFFFF  }
0xac: {  	[sflag:s0] =	ssyncadd.tile.s32 @!p0 $0x1;
	_ =	shalt  }
.Lfunc_end2:
_tile_overlayer_lowered:
.L_overlay_start_2:
0xad: {  	(tag) =	ssettag $0x2  }
0xae: {  	s0 =	rddreg [dreg:$0x0];
	s2 =	stileid.u32  }
0xaf: {  	s1 =	rddreg [dreg:$0x1];
	p0 =	sne.s32 s2, $0x0  }
0xb0: {  	s3 =	rddreg [dreg:$0x2];
	[bflag:$0x3] =	sbarrier.arrive $0xFFFF;
	s2 =	simm.s32 @!p0 $0x1C03  }
0xb1: {  	[timem:s3], [sflag:s2] =	dma.local @!p0 [hbm:s0], s1  }
0xb2: {  	s0 =	simm.s32 @!p0 $0x3  }
0xb3: {  	_ =	swait.ge @!p0 [sflag:s0], s1  }
0xb4: {  	s1 =	ssub.s32 @!p0 $0x0, s1;
	[sflag:s0] =	ssyncset.done @!p0 $0x0  }
0xb5: {  	[sflag:s0] =	ssyncadd.s32 @!p0 s1  }
0xb6: {  	[bflag:$0x3] =	sbarrier.arrive $0xFFFF  }
0xb7: {  	_ =	shalt  }

// kernel: kernel.14.cloned.1.call-start
scs
__scs_entry_jumppad:
0x0: {  	(pc) =	sbr.rel $0x88, $3  }
0x1: {  	(tag) =	ssettag $0x0;
	lr =	simm.s32 $0x1  }
0x2: {  	[smem:$0x3F99] =	sst lr;
	_ =	strace $0xD0000000  }
0x3: {  	_ = 	snop  }
0x4: {  	_ = 	snop  }
0x5: {  	_ = 	snop  }
0x6: {  	_ = 	snop  }
0x7: {  	_ = 	snop  }
__scs_overlays_trampoline_lowered:
0x8: {  	[smem:$0x3FA8] =	sst s0  }
0x9: {  	[smem:$0x3FA9] =	sst s1  }
0xa: {  	[smem:$0x3FAA] =	sst s2  }
0xb: {  	[smem:$0x3FAB] =	sst s3  }
0xc: {  	[smem:$0x3FAC] =	sst s4  }
0xd: {  	[smem:$0x3FAD] =	sst s5  }
0xe: {  	[smem:$0x3FAE] =	sst s6  }
0xf: {  	[smem:$0x3FAF] =	sst s7  }
0x10: {  	[smem:$0x3FB0] =	sst s8  }
0x11: {  	[smem:$0x3FB1] =	sst s9;
	s0 =	simm.s32 @!p0 $0x0  }
0x12: {  	s1 =	sld [smem:$0x3F97];
	s0 =	simm.s32 @p0 $0x1  }
0x13: {  	[smem:$0x3FB2] =	sst s0;
	s0 =	simm.s32 @!p1 $0x0  }
0x14: {  	s2 =	sld [smem:$0x3F96];
	s0 =	simm.s32 @p1 $0x1  }
0x15: {  	[smem:$0x3FB3] =	sst s0;
	s0 =	simm.s32 @!p2 $0x0  }
0x16: {  	s3 =	sld [smem:$0x3FDB];
	s0 =	simm.s32 @p2 $0x1  }
0x17: {  	s4 =	simm.s32 $0x1BF5;
	[smem:$0x3FB5] =	sst s0  }
0x18: {  	s0 =	sld [smem:$0x3F98];
	_ =	swait.ge [sflag:s4], $0x0  }
0x19: {  	s7 =	sld [smem:$0x3F99]  }
0x1a: {  	s8 =	sadd.s32 $0xFFFFE003, lr  }
0x1b: {  	s9 =	sadd.s32 $0xFFFFFEF7, lr;
	s5 =	simm.s32 $0xFFFFFFFF;
	p2 =	slt.u32 s8, $0xFFFFF086  }
0x1c: {  	p1 =	slt.u32 s9, $0xF7A;
	s5 =	simm.s32 @!p2 $0x0  }
0x1d: {  	s5 =	simm.s32 @p1 $0x1;
	p0 =	seq.s32 s7, s2  }
0x1e: {  	s7 =	smul.u32 @!p0 $0xF7A, s2;
	p2 =	seq.s32 @!p0 s5, $0x0  }
0x1f: {  	s9 =	smul.u32 $0xF7A, s1;
	s8 =	simm.s32 @!p0 $0x1BF5;
	p2 =	por !p2, p0  }
0x20: {  	[sflag:s8] =	ssyncset.s32 @!p0 $0xFFFFF086;
	s6 =	sadd.s32 @!p0 s3, s7;
	s7 =	simm.s32 @!p0 $0x108  }
0x21: {  	s3 =	sadd.s32 s3, s9;
	s6 =	sadd.s32 @!p0 $0x88, s6;
	s7 =	simm.s32 @p2 $0x1082  }
0x22: {  	[simem:s7], [sflag:s8] =	dma.local @!p0 [hbm:s6], $0xF7A  }
0x23: {  	s9 =	sor.u32 $0xD0000000, s2;
	s6 =	simm.s32 $0x108;
	_ =	swait.ge @!p0 [sflag:s8], $0x0  }
0x24: {  	s3 =	sadd.s32 $0x88, s3;
	s6 =	simm.s32 @!p1 $0x1082;
	[sflag:s4] =	ssyncset.s32 $0xFFFFF086  }
0x25: {  	[simem:s6], [sflag:s4] =	dma.local [hbm:s3], $0xF7A  }
0x26: {  	[smem:$0x3F99] =	sst s1;
	(tag) =	ssettag s2;
	_ =	strace s9  }
0x27: {  	s1 =	sld [smem:$0x3FA9]  }
0x28: {  	s2 =	sld [smem:$0x3FAA]  }
0x29: {  	s4 =	sld [smem:$0x3FAC]  }
0x2a: {  	p0 =	seq.s32 s5, $0x0;
	s5 =	sld [smem:$0x3FAD]  }
0x2b: {  	s6 =	sld [smem:$0x3FAE]  }
0x2c: {  	s7 =	sld [smem:$0x3FAF]  }
0x2d: {  	s3 =	simm.s32 $0x108;
	s8 =	sld [smem:$0x3FB0]  }
0x2e: {  	s3 =	simm.s32 @!p0 $0x1082;
	s9 =	sld [smem:$0x3FB1]  }
0x2f: {  	lr =	sadd.s32 s0, s3;
	s0 =	sld [smem:$0x3FA8]  }
0x30: {  	s3 =	sld [smem:$0x3FAB]  }
0x31: {  	[smem:$0x3FB4] =	sst s10  }
0x32: {  	s10 =	sld [smem:$0x3FB2];
	_ =	sdelay $0x3  }
0x33: {  	p0 =	seq.s32 s10, $0x1;
	s10 =	sld [smem:$0x3FB4];
	_ =	sdelay $0x3  }
0x34: {  	[smem:$0x3FB4] =	sst s10  }
0x35: {  	s10 =	sld [smem:$0x3FB3];
	_ =	sdelay $0x3  }
0x36: {  	p1 =	seq.s32 s10, $0x1;
	s10 =	sld [smem:$0x3FB4];
	_ =	sdelay $0x3  }
0x37: {  	[smem:$0x3FB4] =	sst s10  }
0x38: {  	s10 =	sld [smem:$0x3FB5]  }
0x39: {  	_ = 	snop;
	(pc) =	sbr.ind lr, $3  }
0x3a: {  	_ = 	snop  }
0x3b: {  	_ = 	snop  }
0x3c: {  	p2 =	seq.s32 s10, $0x1;
	s10 =	sld [smem:$0x3FB4]  }
0x3d: {  	_ =	shalt  }
0x3e: {  	_ =	shalt  }
0x3f: {  	_ =	shalt  }
0x40: {  	_ =	shalt  }
0x41: {  	_ =	shalt  }
0x42: {  	_ =	shalt  }
0x43: {  	_ =	shalt  }
0x44: {  	_ =	shalt  }
0x45: {  	_ =	shalt  }
0x46: {  	_ =	shalt  }
0x47: {  	_ =	shalt  }
0x48: {  	_ =	shalt  }
0x49: {  	_ =	shalt  }
0x4a: {  	_ =	shalt  }
0x4b: {  	_ =	shalt  }
0x4c: {  	_ =	shalt  }
0x4d: {  	_ =	shalt  }
0x4e: {  	_ =	shalt  }
0x4f: {  	_ =	shalt  }
0x50: {  	_ =	shalt  }
0x51: {  	_ =	shalt  }
0x52: {  	_ =	shalt  }
0x53: {  	_ =	shalt  }
0x54: {  	_ =	shalt  }
0x55: {  	_ =	shalt  }
0x56: {  	_ =	shalt  }
0x57: {  	_ =	shalt  }
0x58: {  	_ =	shalt  }
0x59: {  	_ =	shalt  }
0x5a: {  	_ =	shalt  }
0x5b: {  	_ =	shalt  }
0x5c: {  	_ =	shalt  }
0x5d: {  	_ =	shalt  }
0x5e: {  	_ =	shalt  }
0x5f: {  	_ =	shalt  }
0x60: {  	_ =	shalt  }
0x61: {  	_ =	shalt  }
0x62: {  	_ =	shalt  }
0x63: {  	_ =	shalt  }
0x64: {  	_ =	shalt  }
0x65: {  	_ =	shalt  }
0x66: {  	_ =	shalt  }
0x67: {  	_ =	shalt  }
0x68: {  	_ =	shalt  }
0x69: {  	_ =	shalt  }
0x6a: {  	_ =	shalt  }
0x6b: {  	_ =	shalt  }
0x6c: {  	_ =	shalt  }
0x6d: {  	_ =	shalt  }
0x6e: {  	_ =	shalt  }
0x6f: {  	_ =	shalt  }
0x70: {  	_ =	shalt  }
0x71: {  	_ =	shalt  }
0x72: {  	_ =	shalt  }
0x73: {  	_ =	shalt  }
0x74: {  	_ =	shalt  }
0x75: {  	_ =	shalt  }
0x76: {  	_ =	shalt  }
0x77: {  	_ =	shalt  }
0x78: {  	_ =	shalt  }
0x79: {  	_ =	shalt  }
0x7a: {  	_ =	shalt  }
0x7b: {  	_ =	shalt  }
0x7c: {  	_ =	shalt  }
0x7d: {  	_ =	shalt  }
0x7e: {  	_ =	shalt  }
0x7f: {  	_ =	shalt  }
0x80: {  	_ =	shalt  }
0x81: {  	_ =	shalt  }
0x82: {  	_ =	shalt  }
0x83: {  	_ =	shalt  }
0x84: {  	_ =	shalt  }
0x85: {  	_ =	shalt  }
0x86: {  	_ =	shalt  }
0x87: {  	_ =	shalt  }
.Lfunc_end0:
.L_simem_size_0:
called_computation.2_lowered:
.L_overlay_start_0:
0x88: {  	s2 =	sld [smem:$0x3FD9]  }
0x89: {  	s3 =	sld [smem:$0x3FFE];
	_ =	sdelay $0x1  }
0x8a: {  	s1 =	srdreg.scid  }
0x8b: {  	s0 =	sand.u32 $0x1, s1  }
0x8c: {  	s17 =	sshll.u32 s0, $0xA;
	s2 =	sadd.s32 s3, s2  }
0x8d: {  	s2 =	sadd.s32 s2, s17  }
0x8e: {  	[smem:$0x3FC0] =	sst s2  }
0x8f: {  	_ = 	snop  }
0x90: {  	s2 =	sld [smem:$0x3FD0];
	(tm) =	ssettm $0x1  }
0x91: {  	s18 =	sld [smem:$0x3FFB];
	_ =	sdelay $0x3  }
0x92: {  	_ =	strace s18  }
0x93: {  	s3 =	sld [smem:$0x3FFC];
	_ =	sdelay $0x3  }
0x94: {  	_ =	strace s3  }
0x95: {  	s3 =	sld [smem:$0x3FFD];
	_ =	sdelay $0x3  }
0x96: {  	_ =	strace s3  }
0x97: {  	_ =	strace $0x8FFFFFFF  }
0x98: {  	s19 =	sld [smem:$0x3FDB];
	_ =	sdelay $0x1  }
0x99: {  	s4 =	simm.s32 $_scs_section_size  }
0x9a: {  	s5 =	simm.s32 $_size__tile_overlayer_lowered;
	s6 =	simm.s32 $_tile_overlayer_lowered  }
0x9b: {  	s22 =	simm.s32 $0x1BFF;
	s21 =	sshll.u32 s6, $0x1;
	s3 =	sadd.s32 s4, s19  }
0x9c: {  	s7 =	simm.s32 $0x0;
	s20 =	sshll.u32 s5, $0x1;
	s5 =	sadd.s32 s21, s3  }
0x9d: {  	[timem:s7], [sflag:s22] =	dma.local [hbm:s5], s20  }
0x9e: {  	_ =	swait.ge [sflag:s22], s20  }
0x9f: {  	s4 =	ssub.s32 $0x0, s20;
	[sflag:s22] =	ssyncset.done $0x0  }
0xa0: {  	[sflag:s22] =	ssyncadd.s32 s4;
	_ =	sdelay $0x1  }
0xa1: {  	s23 =	simm.s32 $0x1B8B  }
0xa2: {  	_ =	swait.ge [sflag:s23], $0x1  }
0xa3: {  	[sflag:s23] =	ssyncset.done $0x0  }
0xa4: {  	s25 =	simm.s32 $0x1B8E;
	s24 =	sld [smem:$0x3FFE];
	[sflag:s23] =	ssyncadd.s32 $0xFFFFFFFF  }
0xa5: {  	s26 =	simm.s32 $execute0_lowered;
	[smem:$0x3FD2] =	sst s25  }
0xa6: {  	s5 =	sshll.u32 s26, $0x1;
	_ =	strace $0x8000004C;
	[dreg:$0x1] =	wrdreg $0xFFFFFFFF  }
0xa7: {  	s28 =	simm.s32 $_size_execute0_lowered;
	s3 =	sadd.s32 s3, s5;
	[dreg:$0x0] =	wrdreg $0x0  }
0xa8: {  	s5 =	sshll.u32 s28, $0x1;
	[dreg:$0x2] =	wrdreg s3  }
0xa9: {  	[dreg:$0x3] =	wrdreg s5  }
0xaa: {  	[dreg:$0x4] =	wrdreg $0xC0  }
0xab: {  	_ =	task [dreg:s7], $0x5FFFF  }
0xac: {  	[dreg:$0x1] =	wrdreg $0xFFFFFFFF  }
0xad: {  	[dreg:$0x0] =	wrdreg $0x60  }
0xae: {  	[dreg:$0x2] =	wrdreg s2  }
0xaf: {  	[dreg:$0x3] =	wrdreg s24  }
0xb0: {  	[dreg:$0x4] =	wrdreg $0xA8000  }
0xb1: {  	[dreg:$0x5] =	wrdreg $0x9  }
0xb2: {  	_ =	task.clear_ibuf [dreg:s7], $0x6FFFF;
	_ =	strace $0x9000004C  }
0xb3: {  	s29 =	simm.s32 $0x9;
	_ =	strace $0x8000004E  }
0xb4: {  	_ =	swait.ge [sflag:s29], $0x1  }
0xb5: {  	[sflag:s29] =	ssyncadd.s32 $0xFFFFFFFF  }
0xb6: {  	_ =	strace $0x9000004E  }
0xb7: {  	_ =	sfence  }
0xb8: {  	s30 =	sld [smem:$0x0];
	_ =	sdelay $0x2  }
0xb9: {  	s31 =	sshll.u32 s1, $0xD;
	s1 =	sshrl.u32 s1, $0x2  }
0xba: {  	s3 =	sand.u32 $0x4000, s31;
	s1 =	sadd.s32 s1, s30  }
0xbb: {  	s0 =	sor.u32 s3, s0;
	s1 =	sshll.u32 s1, $0x11  }
0xbc: {  	s0 =	sor.u32 s1, s0  }
0xbd: {  	s0 =	sadd.s32 $0x8F2B, s0  }
0xbe: {  	[sflag:s0] =	ssyncadd.remote.s32 $0x1  }
0xbf: {  	_ =	sfence.sel $0xFFFF  }
0xc0: {  	[dreg:$0x0] =	wrdreg $0xFFFFFFFF;
	(pc) =	sbr.abs _section_cstart, $3  }
0xc1: {  	[dreg:$0x1] =	wrdreg $0xFFFFFFFF  }
0xc2: {  	_ =	task.clear_ibuf [dreg:s7], $0x2FFFF;
	_ =	strace $0x9FFFFFFF  }
0xc3: {  	(tm) =	ssettm $0x7FFFFFFF  }
tec
execute0_lowered:
.L_overlay_start_1:
0x0: {  	(tag) =	ssettag $0x1  }
0x1: {  	s2 =	rddreg [dreg:$0x0]  }
0x2: {  	s6 =	rddreg [dreg:$0x1]  }
0x3: {  	s0 =	srdreg.scid;
	s3 =	rddreg [dreg:$0x2]  }
0x4: {  	s4 =	simm.s32 $0x0;
	s14 =	simm.s32 $0x2800;
	s15 =	simm.s32 $0x3  }
0x5: {  	s16 =	simm.s32 $0x80;
	s17 =	simm.s32 $0x6800;
	s18 =	simm.s32 $0x1  }
0x6: {  	s19 =	simm.s32 $0x2;
	s20 =	simm.s32 $0x2700;
	s5 =	sand.u32 $0x1, s0  }
0x7: {  	s21 =	simm.s32 $0x2780;
	s0 =	stileid.u32;
	s8 =	smul.u32 $0x140000, s5  }
0x8: {  	s22 =	simm.s32 $0x0;
	s1 =	sshll.u32 s5, $0x4;
	s9 =	smul.u32 $0x14000, s0  }
0x9: {  	s10 =	smul.u32 $0x50000, s0;
	s29 =	ssub.s32 $0x2, s5;
	s1 =	sor.u32 s0, s1  }
0xa: {  	[smem:$0x7FF] =	sst s4;
	s31 =	sshrl.u32 s29, $0x1;
	s7 =	smul.u32 $0x5000, s1  }
0xb: {  	s1 =	rddreg [dreg:$0x3];
	_ =	strace $0x8000004D;
	s30 =	sshrl.u32 s10, $0x2  }
0xc: {  	s28 =	sadd.s32 s9, s8;
	s13 =	ssub.s32 s29, s31;
	s5 =	sadd.s32 s30, s3  }
0xd: {  	s13 =	smax.u32 s13, $0x1;
	s7 =	sshrl.u32 s7, $0x3;
	s8 =	sadd.s32 $0xC000, s5  }
0xe: {  	s9 =	sadd.s32 $0x10000, s5;
	s11 =	sadd.s32 s7, s6;
	s7 =	sshrl.u32 s28, $0x3  }
0xf: {  	s12 =	sadd.s32 s7, s6;
	s6 =	sadd.s32 $0x4000, s5;
	s7 =	sadd.s32 $0x8000, s5  }
0x10: {  	v0 =	vimm.f32 $0.0e+00;
	s10 =	sadd.s32 $0x2800, s11;
	s11 =	sadd.s32 $0x2D00, s11;
	s12 =	sadd.s32 $0x16800, s12  }
.LBB2_1:
0x11: {  	s23 =	simm.s32 $0x0;
	s24 =	simm.s32 $0x200  }
.LBB2_2:
0x12: {  	p0 =	sne.s32 s24, $0xFE00;
	[tilespmem:s23+$0x2870] =	vst v0  }
0x13: {  	[tilespmem:s23+$0x2800] =	vst v0  }
0x14: {  	[tilespmem:s23+$0x2810] =	vst v0  }
.Ltmp0:
0x15: {  	[tilespmem:s23+$0x2820] =	vst v0;
	(pc) =	sbr.rel @p0 .LBB2_2-.Ltmp0, $4  }
0x16: {  	[tilespmem:s23+$0x2830] =	vst v0  }
0x17: {  	[tilespmem:s23+$0x2840] =	vst v0  }
0x18: {  	[tilespmem:s23+$0x2850] =	vst v0  }
0x19: {  	[tilespmem:s23+$0x2860] =	vst v0;
	s23 =	sshra.s32 s24, $0x2;
	s24 =	sadd.s32 $0x200, s24  }
0x1a: {  	[tilespmem:s23+$0x2870] =	vst v0  }
0x1b: {  	[tilespmem:s23+$0x2800] =	vst v0  }
0x1c: {  	[tilespmem:s23+$0x2810] =	vst v0  }
0x1d: {  	[tilespmem:s23+$0x2820] =	vst v0  }
0x1e: {  	[tilespmem:s23+$0x2830] =	vst v0  }
0x1f: {  	[tilespmem:s23+$0x2840] =	vst v0  }
0x20: {  	[tilespmem:s23+$0x2850] =	vst v0  }
0x21: {  	[tilespmem:s23+$0x2860] =	vst v0  }
0x22: {  	[spmem:s5] =	stream.linear.scatter [tilespmem:s14], [sflag:$0x3], $0x4000, $0x38;
	[tilespmem:$0x1E800] =	vst v63  }
0x23: {  	_ =	swait.ge [sflag:s15], $0x4000  }
0x24: {  	[sflag:s15] =	ssyncset.done $0x0  }
0x25: {  	[sflag:s15] =	ssyncadd.s32 $0xFFFFC000  }
0x26: {  	[spmem:s6] =	stream.linear.scatter [tilespmem:s14], [sflag:$0x3], $0x4000, $0x38;
	[tilespmem:$0x1E800] =	vst v63  }
0x27: {  	_ =	swait.ge [sflag:s15], $0x4000  }
0x28: {  	[sflag:s15] =	ssyncset.done $0x0  }
0x29: {  	[sflag:s15] =	ssyncadd.s32 $0xFFFFC000  }
0x2a: {  	[spmem:s7] =	stream.linear.scatter [tilespmem:s14], [sflag:$0x3], $0x4000, $0x38;
	[tilespmem:$0x1E800] =	vst v63  }
0x2b: {  	_ =	swait.ge [sflag:s15], $0x4000  }
0x2c: {  	[sflag:s15] =	ssyncset.done $0x0  }
0x2d: {  	[sflag:s15] =	ssyncadd.s32 $0xFFFFC000  }
0x2e: {  	[spmem:s8] =	stream.linear.scatter [tilespmem:s14], [sflag:$0x3], $0x4000, $0x38;
	[tilespmem:$0x1E800] =	vst v63  }
0x2f: {  	_ =	swait.ge [sflag:s15], $0x4000  }
0x30: {  	[sflag:s15] =	ssyncset.done $0x0  }
0x31: {  	[sflag:s15] =	ssyncadd.s32 $0xFFFFC000  }
0x32: {  	[spmem:s9] =	stream.linear.scatter [tilespmem:s14], [sflag:$0x3], $0x4000, $0x38;
	[tilespmem:$0x1E800] =	vst v63  }
0x33: {  	_ =	swait.ge [sflag:s15], $0x4000  }
0x34: {  	[sflag:s15] =	ssyncset.done $0x0  }
0x35: {  	[sflag:s15] =	ssyncadd.s32 $0xFFFFC000  }
0x36: {  	[tilespmem:s4], [sflag:$0x3] =	stream.linear.gather [hbm4b:s10+s4], $0x2800, $0x38;
	[tilespmem:$0x1E800] =	vst v63  }
0x37: {  	_ =	swait.ge [sflag:s15], $0x2800  }
0x38: {  	[sflag:s15] =	ssyncset.done $0x0  }
0x39: {  	[sflag:s15] =	ssyncadd.s32 $0xFFFFD800  }
0x3a: {  	[tilespmem:s14], [sflag:$0x1] =	stream.indirect.gather [hbm4b:s2+s16], $0x80, s4, s16, $0xb8;
	[tilespmem:$0x1E800] =	vst v63  }
0x3b: {  	_ = 	snop  }
0x3c: {  	[tilespmem:s17], [sflag:$0x2] =	stream.indirect.gather [hbm4b:s2+s16], $0x80, s16, s16, $0xb8;
	[tilespmem:$0x1E800] =	vst v63  }
0x3d: {  	[bflag:$0x0] =	sbarrier.arrive $0xFFFF  }
0x3e: {  	_ =	swait.ge [sflag:s18], $0x4000  }
0x3f: {  	[sflag:s18] =	ssyncset.done $0x0  }
0x40: {  	s29 =	simm.s32 $0x1400;
	[sflag:s18] =	ssyncadd.s32 $0xFFFFC000  }
0x41: {  	[spmem:s3] =	stream.indirect.scatter.add.f32 [tilespmem:s14], [sflag:$0x3], $0x80, s29, s16, $0xb8;
	[tilespmem:$0x1E800] =	vst v63  }
0x42: {  	_ =	swait.ge [sflag:s15], $0x4000  }
0x43: {  	[sflag:s15] =	ssyncset.done $0x0  }
0x44: {  	s30 =	simm.s32 $0x100;
	[sflag:s15] =	ssyncadd.s32 $0xFFFFC000  }
0x45: {  	[tilespmem:s14], [sflag:$0x1] =	stream.indirect.gather [hbm4b:s2+s16], $0x80, s30, s16, $0xb8;
	[tilespmem:$0x1E800] =	vst v63  }
0x46: {  	_ =	swait.ge [sflag:s19], $0x4000  }
0x47: {  	[sflag:s19] =	ssyncset.done $0x0  }
0x48: {  	s31 =	simm.s32 $0x1480;
	[sflag:s19] =	ssyncadd.s32 $0xFFFFC000  }
0x49: {  	[spmem:s3] =	stream.indirect.scatter.add.f32 [tilespmem:s17], [sflag:$0x3], $0x80, s31, s16, $0xb8;
	[tilespmem:$0x1E800] =	vst v63  }
0x4a: {  	_ =	swait.ge [sflag:s15], $0x4000  }
0x4b: {  	[sflag:s15] =	ssyncset.done $0x0  }
0x4c: {  	s23 =	simm.s32 $0x800;
	s24 =	simm.s32 $0x180;
	[sflag:s15] =	ssyncadd.s32 $0xFFFFC000  }
.LBB2_4:
0x4d: {  	[tilespmem:s17], [sflag:$0x2] =	stream.indirect.gather [hbm4b:s2+s16], $0x80, s24, s16, $0xb8;
	[tilespmem:$0x1E800] =	vst v63  }
0x4e: {  	s24 =	smov.u32 s23  }
0x4f: {  	p0 =	sne.s32 s23, $0x4C00;
	s23 =	sadd.s32 $0x400, s23;
	_ =	swait.ge [sflag:s18], $0x4000  }
0x50: {  	s24 =	sshra.s32 s24, $0x2;
	[sflag:s18] =	ssyncset.done $0x0  }
0x51: {  	s25 =	sadd.s32 $0x1300, s24;
	[sflag:s18] =	ssyncadd.s32 $0xFFFFC000  }
0x52: {  	[spmem:s3] =	stream.indirect.scatter.add.f32 [tilespmem:s14], [sflag:$0x3], $0x80, s25, s16, $0xb8;
	[tilespmem:$0x1E800] =	vst v63  }
0x53: {  	_ =	swait.ge [sflag:s15], $0x4000  }
0x54: {  	[sflag:s15] =	ssyncset.done $0x0  }
0x55: {  	[sflag:s15] =	ssyncadd.s32 $0xFFFFC000  }
0x56: {  	[tilespmem:s14], [sflag:$0x1] =	stream.indirect.gather [hbm4b:s2+s16], $0x80, s24, s16, $0xb8;
	[tilespmem:$0x1E800] =	vst v63  }
0x57: {  	_ =	swait.ge [sflag:s19], $0x4000  }
0x58: {  	[sflag:s19] =	ssyncset.done $0x0  }
.Ltmp1:
0x59: {  	s25 =	sadd.s32 $0x1380, s24;
	[sflag:s19] =	ssyncadd.s32 $0xFFFFC000;
	(pc) =	sbr.rel @p0 .LBB2_4-.Ltmp1, $4  }
0x5a: {  	[spmem:s3] =	stream.indirect.scatter.add.f32 [tilespmem:s17], [sflag:$0x3], $0x80, s25, s16, $0xb8;
	[tilespmem:$0x1E800] =	vst v63  }
0x5b: {  	_ =	swait.ge [sflag:s15], $0x4000  }
0x5c: {  	[sflag:s15] =	ssyncset.done $0x0  }
0x5d: {  	s24 =	sadd.s32 $0x80, s24;
	[sflag:s15] =	ssyncadd.s32 $0xFFFFC000  }
0x5e: {  	[tilespmem:s17], [sflag:$0x2] =	stream.indirect.gather [hbm4b:s2+s16], $0x80, s24, s16, $0xb8;
	[tilespmem:$0x1E800] =	vst v63  }
0x5f: {  	_ =	swait.ge [sflag:s18], $0x4000  }
0x60: {  	[sflag:s18] =	ssyncset.done $0x0  }
0x61: {  	[sflag:s18] =	ssyncadd.s32 $0xFFFFC000  }
0x62: {  	[spmem:s3] =	stream.indirect.scatter.add.f32 [tilespmem:s14], [sflag:$0x3], $0x80, s20, s16, $0xb8;
	[tilespmem:$0x1E800] =	vst v63  }
0x63: {  	_ =	swait.ge [sflag:s15], $0x4000  }
0x64: {  	[sflag:s15] =	ssyncset.done $0x0  }
0x65: {  	[sflag:s15] =	ssyncadd.s32 $0xFFFFC000  }
0x66: {  	_ =	swait.ge [sflag:s19], $0x4000  }
0x67: {  	[sflag:s19] =	ssyncset.done $0x0  }
0x68: {  	[sflag:s19] =	ssyncadd.s32 $0xFFFFC000  }
0x69: {  	[spmem:s3] =	stream.indirect.scatter.add.f32 [tilespmem:s17], [sflag:$0x3], $0x80, s21, s16, $0xb8;
	[tilespmem:$0x1E800] =	vst v63  }
0x6a: {  	_ =	swait.ge [sflag:s15], $0x4000  }
0x6b: {  	[sflag:s15] =	ssyncset.done $0x0  }
0x6c: {  	[sflag:s15] =	ssyncadd.s32 $0xFFFFC000  }
0x6d: {  	[tilespmem:s4], [sflag:$0x3] =	stream.linear.gather [hbm4b:s11+s4], $0x2800, $0x38;
	[tilespmem:$0x1E800] =	vst v63  }
0x6e: {  	_ =	swait.ge [sflag:s15], $0x2800  }
0x6f: {  	[sflag:s15] =	ssyncset.done $0x0  }
0x70: {  	[sflag:s15] =	ssyncadd.s32 $0xFFFFD800  }
0x71: {  	[tilespmem:s14], [sflag:$0x1] =	stream.indirect.gather [hbm4b:s2+s16], $0x80, s4, s16, $0xb8;
	[tilespmem:$0x1E800] =	vst v63  }
0x72: {  	_ = 	snop  }
0x73: {  	[tilespmem:s17], [sflag:$0x2] =	stream.indirect.gather [hbm4b:s2+s16], $0x80, s16, s16, $0xb8;
	[tilespmem:$0x1E800] =	vst v63  }
0x74: {  	_ =	swait.ge [sflag:s18], $0x4000  }
0x75: {  	[sflag:s18] =	ssyncset.done $0x0  }
0x76: {  	s23 =	simm.s32 $0x1400;
	[sflag:s18] =	ssyncadd.s32 $0xFFFFC000  }
0x77: {  	[spmem:s3] =	stream.indirect.scatter.add.f32 [tilespmem:s14], [sflag:$0x3], $0x80, s23, s16, $0xb8;
	[tilespmem:$0x1E800] =	vst v63  }
0x78: {  	_ =	swait.ge [sflag:s15], $0x4000  }
0x79: {  	[sflag:s15] =	ssyncset.done $0x0  }
0x7a: {  	s30 =	simm.s32 $0x100;
	[sflag:s15] =	ssyncadd.s32 $0xFFFFC000  }
0x7b: {  	[tilespmem:s14], [sflag:$0x1] =	stream.indirect.gather [hbm4b:s2+s16], $0x80, s30, s16, $0xb8;
	[tilespmem:$0x1E800] =	vst v63  }
0x7c: {  	_ =	swait.ge [sflag:s19], $0x4000  }
0x7d: {  	[sflag:s19] =	ssyncset.done $0x0  }
0x7e: {  	s31 =	simm.s32 $0x1480;
	[sflag:s19] =	ssyncadd.s32 $0xFFFFC000  }
0x7f: {  	[spmem:s3] =	stream.indirect.scatter.add.f32 [tilespmem:s17], [sflag:$0x3], $0x80, s31, s16, $0xb8;
	[tilespmem:$0x1E800] =	vst v63  }
0x80: {  	_ =	swait.ge [sflag:s15], $0x4000  }
0x81: {  	[sflag:s15] =	ssyncset.done $0x0  }
0x82: {  	s24 =	simm.s32 $0x180;
	s23 =	simm.s32 $0x800;
	[sflag:s15] =	ssyncadd.s32 $0xFFFFC000  }
.LBB2_6:
0x83: {  	[tilespmem:s17], [sflag:$0x2] =	stream.indirect.gather [hbm4b:s2+s16], $0x80, s24, s16, $0xb8;
	[tilespmem:$0x1E800] =	vst v63  }
0x84: {  	s24 =	smov.u32 s23  }
0x85: {  	p0 =	sne.s32 s23, $0x4C00;
	s23 =	sadd.s32 $0x400, s23;
	_ =	swait.ge [sflag:s18], $0x4000  }
0x86: {  	s24 =	sshra.s32 s24, $0x2;
	[sflag:s18] =	ssyncset.done $0x0  }
0x87: {  	s25 =	sadd.s32 $0x1300, s24;
	[sflag:s18] =	ssyncadd.s32 $0xFFFFC000  }
0x88: {  	[spmem:s3] =	stream.indirect.scatter.add.f32 [tilespmem:s14], [sflag:$0x3], $0x80, s25, s16, $0xb8;
	[tilespmem:$0x1E800] =	vst v63  }
0x89: {  	_ =	swait.ge [sflag:s15], $0x4000  }
0x8a: {  	[sflag:s15] =	ssyncset.done $0x0  }
0x8b: {  	[sflag:s15] =	ssyncadd.s32 $0xFFFFC000  }
0x8c: {  	[tilespmem:s14], [sflag:$0x1] =	stream.indirect.gather [hbm4b:s2+s16], $0x80, s24, s16, $0xb8;
	[tilespmem:$0x1E800] =	vst v63  }
0x8d: {  	_ =	swait.ge [sflag:s19], $0x4000  }
0x8e: {  	[sflag:s19] =	ssyncset.done $0x0  }
.Ltmp2:
0x8f: {  	s25 =	sadd.s32 $0x1380, s24;
	[sflag:s19] =	ssyncadd.s32 $0xFFFFC000;
	(pc) =	sbr.rel @p0 .LBB2_6-.Ltmp2, $4  }
0x90: {  	[spmem:s3] =	stream.indirect.scatter.add.f32 [tilespmem:s17], [sflag:$0x3], $0x80, s25, s16, $0xb8;
	[tilespmem:$0x1E800] =	vst v63  }
0x91: {  	_ =	swait.ge [sflag:s15], $0x4000  }
0x92: {  	[sflag:s15] =	ssyncset.done $0x0  }
0x93: {  	s24 =	sadd.s32 $0x80, s24;
	[sflag:s15] =	ssyncadd.s32 $0xFFFFC000  }
0x94: {  	[tilespmem:s17], [sflag:$0x2] =	stream.indirect.gather [hbm4b:s2+s16], $0x80, s24, s16, $0xb8;
	[tilespmem:$0x1E800] =	vst v63  }
0x95: {  	_ =	swait.ge [sflag:s18], $0x4000  }
0x96: {  	[sflag:s18] =	ssyncset.done $0x0  }
0x97: {  	[sflag:s18] =	ssyncadd.s32 $0xFFFFC000  }
0x98: {  	[spmem:s3] =	stream.indirect.scatter.add.f32 [tilespmem:s14], [sflag:$0x3], $0x80, s20, s16, $0xb8;
	[tilespmem:$0x1E800] =	vst v63  }
0x99: {  	_ =	swait.ge [sflag:s15], $0x4000  }
0x9a: {  	[sflag:s15] =	ssyncset.done $0x0  }
0x9b: {  	[sflag:s15] =	ssyncadd.s32 $0xFFFFC000  }
0x9c: {  	_ =	swait.ge [sflag:s19], $0x4000  }
0x9d: {  	[sflag:s19] =	ssyncset.done $0x0  }
0x9e: {  	[sflag:s19] =	ssyncadd.s32 $0xFFFFC000  }
0x9f: {  	[spmem:s3] =	stream.indirect.scatter.add.f32 [tilespmem:s17], [sflag:$0x3], $0x80, s21, s16, $0xb8;
	[tilespmem:$0x1E800] =	vst v63  }
0xa0: {  	_ =	swait.ge [sflag:s15], $0x4000  }
0xa1: {  	s23 =	sshll.u32 s0, $0x6;
	s22 =	sadd.s32 $0x1, s22;
	[sflag:s15] =	ssyncset.done $0x0  }
0xa2: {  	s31 =	sshrl.u32 s5, $0x3;
	p0 =	sne.s32 s22, s13;
	[sflag:s15] =	ssyncadd.s32 $0xFFFFC000  }
.Ltmp3:
0xa3: {  	s23 =	sor.u32 $0x1C03, s23;
	[bflag:$0x0] =	sbarrier.arrive $0xFFFF;
	(pc) =	sbr.rel @p0 .LBB2_1-.Ltmp3, $4  }
0xa4: {  	[hbm:s12], [sflag:s23] =	dma.local [spmem:s31], $0x2800  }
0xa5: {  	_ =	swait.ge [sflag:s15], $0x2800  }
0xa6: {  	[sflag:s15] =	ssyncset.done $0x0  }
0xa7: {  	[sflag:s15] =	ssyncadd.s32 $0xFFFFD800  }
0xa8: {  	_ =	sfence.sel $0x180000  }
0xa9: {  	[bflag:$0x0] =	sbarrier.arrive $0xFFFF  }
0xaa: {  	p0 =	sne.s32 s0, $0x0;
	_ =	strace $0x9000004D  }
0xab: {  	s0 =	sadd.s32 @!p0 $0x100000, s1;
	[bflag:$0x2] =	sbarrier.arrive $0xFFFF  }
0xac: {  	[sflag:s0] =	ssyncadd.tile.s32 @!p0 $0x1;
	_ =	shalt  }
.Lfunc_end2:
_tile_overlayer_lowered:
.L_overlay_start_2:
0xad: {  	(tag) =	ssettag $0x2  }
0xae: {  	s0 =	rddreg [dreg:$0x0];
	s2 =	stileid.u32  }
0xaf: {  	s1 =	rddreg [dreg:$0x1];
	p0 =	sne.s32 s2, $0x0  }
0xb0: {  	s3 =	rddreg [dreg:$0x2];
	[bflag:$0x3] =	sbarrier.arrive $0xFFFF;
	s2 =	simm.s32 @!p0 $0x1C03  }
0xb1: {  	[timem:s3], [sflag:s2] =	dma.local @!p0 [hbm:s0], s1  }
0xb2: {  	s0 =	simm.s32 @!p0 $0x3  }
0xb3: {  	_ =	swait.ge @!p0 [sflag:s0], s1  }
0xb4: {  	s1 =	ssub.s32 @!p0 $0x0, s1;
	[sflag:s0] =	ssyncset.done @!p0 $0x0  }
0xb5: {  	[sflag:s0] =	ssyncadd.s32 @!p0 s1  }
0xb6: {  	[bflag:$0x3] =	sbarrier.arrive $0xFFFF  }
0xb7: {  	_ =	shalt  }

// kernel: kernel.8.cloned.1.call-start
scs
__scs_entry_jumppad:
0x0: {  	(pc) =	sbr.rel $0x88, $3  }
0x1: {  	(tag) =	ssettag $0x0;
	lr =	simm.s32 $0x1  }
0x2: {  	[smem:$0x3F99] =	sst lr;
	_ =	strace $0xD0000000  }
0x3: {  	_ = 	snop  }
0x4: {  	_ = 	snop  }
0x5: {  	_ = 	snop  }
0x6: {  	_ = 	snop  }
0x7: {  	_ = 	snop  }
__scs_overlays_trampoline_lowered:
0x8: {  	[smem:$0x3FA8] =	sst s0  }
0x9: {  	[smem:$0x3FA9] =	sst s1  }
0xa: {  	[smem:$0x3FAA] =	sst s2  }
0xb: {  	[smem:$0x3FAB] =	sst s3  }
0xc: {  	[smem:$0x3FAC] =	sst s4  }
0xd: {  	[smem:$0x3FAD] =	sst s5  }
0xe: {  	[smem:$0x3FAE] =	sst s6  }
0xf: {  	[smem:$0x3FAF] =	sst s7  }
0x10: {  	[smem:$0x3FB0] =	sst s8  }
0x11: {  	[smem:$0x3FB1] =	sst s9;
	s0 =	simm.s32 @!p0 $0x0  }
0x12: {  	s1 =	sld [smem:$0x3F97];
	s0 =	simm.s32 @p0 $0x1  }
0x13: {  	[smem:$0x3FB2] =	sst s0;
	s0 =	simm.s32 @!p1 $0x0  }
0x14: {  	s2 =	sld [smem:$0x3F96];
	s0 =	simm.s32 @p1 $0x1  }
0x15: {  	[smem:$0x3FB3] =	sst s0;
	s0 =	simm.s32 @!p2 $0x0  }
0x16: {  	s3 =	sld [smem:$0x3FDB];
	s0 =	simm.s32 @p2 $0x1  }
0x17: {  	s4 =	simm.s32 $0x1BF5;
	[smem:$0x3FB5] =	sst s0  }
0x18: {  	s0 =	sld [smem:$0x3F98];
	_ =	swait.ge [sflag:s4], $0x0  }
0x19: {  	s7 =	sld [smem:$0x3F99]  }
0x1a: {  	s8 =	sadd.s32 $0xFFFFE003, lr  }
0x1b: {  	s9 =	sadd.s32 $0xFFFFFEF7, lr;
	s5 =	simm.s32 $0xFFFFFFFF;
	p2 =	slt.u32 s8, $0xFFFFF086  }
0x1c: {  	p1 =	slt.u32 s9, $0xF7A;
	s5 =	simm.s32 @!p2 $0x0  }
0x1d: {  	s5 =	simm.s32 @p1 $0x1;
	p0 =	seq.s32 s7, s2  }
0x1e: {  	s7 =	smul.u32 @!p0 $0xF7A, s2;
	p2 =	seq.s32 @!p0 s5, $0x0  }
0x1f: {  	s9 =	smul.u32 $0xF7A, s1;
	s8 =	simm.s32 @!p0 $0x1BF5;
	p2 =	por !p2, p0  }
0x20: {  	[sflag:s8] =	ssyncset.s32 @!p0 $0xFFFFF086;
	s6 =	sadd.s32 @!p0 s3, s7;
	s7 =	simm.s32 @!p0 $0x108  }
0x21: {  	s3 =	sadd.s32 s3, s9;
	s6 =	sadd.s32 @!p0 $0x88, s6;
	s7 =	simm.s32 @p2 $0x1082  }
0x22: {  	[simem:s7], [sflag:s8] =	dma.local @!p0 [hbm:s6], $0xF7A  }
0x23: {  	s9 =	sor.u32 $0xD0000000, s2;
	s6 =	simm.s32 $0x108;
	_ =	swait.ge @!p0 [sflag:s8], $0x0  }
0x24: {  	s3 =	sadd.s32 $0x88, s3;
	s6 =	simm.s32 @!p1 $0x1082;
	[sflag:s4] =	ssyncset.s32 $0xFFFFF086  }
0x25: {  	[simem:s6], [sflag:s4] =	dma.local [hbm:s3], $0xF7A  }
0x26: {  	[smem:$0x3F99] =	sst s1;
	(tag) =	ssettag s2;
	_ =	strace s9  }
0x27: {  	s1 =	sld [smem:$0x3FA9]  }
0x28: {  	s2 =	sld [smem:$0x3FAA]  }
0x29: {  	s4 =	sld [smem:$0x3FAC]  }
0x2a: {  	p0 =	seq.s32 s5, $0x0;
	s5 =	sld [smem:$0x3FAD]  }
0x2b: {  	s6 =	sld [smem:$0x3FAE]  }
0x2c: {  	s7 =	sld [smem:$0x3FAF]  }
0x2d: {  	s3 =	simm.s32 $0x108;
	s8 =	sld [smem:$0x3FB0]  }
0x2e: {  	s3 =	simm.s32 @!p0 $0x1082;
	s9 =	sld [smem:$0x3FB1]  }
0x2f: {  	lr =	sadd.s32 s0, s3;
	s0 =	sld [smem:$0x3FA8]  }
0x30: {  	s3 =	sld [smem:$0x3FAB]  }
0x31: {  	[smem:$0x3FB4] =	sst s10  }
0x32: {  	s10 =	sld [smem:$0x3FB2];
	_ =	sdelay $0x3  }
0x33: {  	p0 =	seq.s32 s10, $0x1;
	s10 =	sld [smem:$0x3FB4];
	_ =	sdelay $0x3  }
0x34: {  	[smem:$0x3FB4] =	sst s10  }
0x35: {  	s10 =	sld [smem:$0x3FB3];
	_ =	sdelay $0x3  }
0x36: {  	p1 =	seq.s32 s10, $0x1;
	s10 =	sld [smem:$0x3FB4];
	_ =	sdelay $0x3  }
0x37: {  	[smem:$0x3FB4] =	sst s10  }
0x38: {  	s10 =	sld [smem:$0x3FB5]  }
0x39: {  	_ = 	snop;
	(pc) =	sbr.ind lr, $3  }
0x3a: {  	_ = 	snop  }
0x3b: {  	_ = 	snop  }
0x3c: {  	p2 =	seq.s32 s10, $0x1;
	s10 =	sld [smem:$0x3FB4]  }
0x3d: {  	_ =	shalt  }
0x3e: {  	_ =	shalt  }
0x3f: {  	_ =	shalt  }
0x40: {  	_ =	shalt  }
0x41: {  	_ =	shalt  }
0x42: {  	_ =	shalt  }
0x43: {  	_ =	shalt  }
0x44: {  	_ =	shalt  }
0x45: {  	_ =	shalt  }
0x46: {  	_ =	shalt  }
0x47: {  	_ =	shalt  }
0x48: {  	_ =	shalt  }
0x49: {  	_ =	shalt  }
0x4a: {  	_ =	shalt  }
0x4b: {  	_ =	shalt  }
0x4c: {  	_ =	shalt  }
0x4d: {  	_ =	shalt  }
0x4e: {  	_ =	shalt  }
0x4f: {  	_ =	shalt  }
0x50: {  	_ =	shalt  }
0x51: {  	_ =	shalt  }
0x52: {  	_ =	shalt  }
0x53: {  	_ =	shalt  }
0x54: {  	_ =	shalt  }
0x55: {  	_ =	shalt  }
0x56: {  	_ =	shalt  }
0x57: {  	_ =	shalt  }
0x58: {  	_ =	shalt  }
0x59: {  	_ =	shalt  }
0x5a: {  	_ =	shalt  }
0x5b: {  	_ =	shalt  }
0x5c: {  	_ =	shalt  }
0x5d: {  	_ =	shalt  }
0x5e: {  	_ =	shalt  }
0x5f: {  	_ =	shalt  }
0x60: {  	_ =	shalt  }
0x61: {  	_ =	shalt  }
0x62: {  	_ =	shalt  }
0x63: {  	_ =	shalt  }
0x64: {  	_ =	shalt  }
0x65: {  	_ =	shalt  }
0x66: {  	_ =	shalt  }
0x67: {  	_ =	shalt  }
0x68: {  	_ =	shalt  }
0x69: {  	_ =	shalt  }
0x6a: {  	_ =	shalt  }
0x6b: {  	_ =	shalt  }
0x6c: {  	_ =	shalt  }
0x6d: {  	_ =	shalt  }
0x6e: {  	_ =	shalt  }
0x6f: {  	_ =	shalt  }
0x70: {  	_ =	shalt  }
0x71: {  	_ =	shalt  }
0x72: {  	_ =	shalt  }
0x73: {  	_ =	shalt  }
0x74: {  	_ =	shalt  }
0x75: {  	_ =	shalt  }
0x76: {  	_ =	shalt  }
0x77: {  	_ =	shalt  }
0x78: {  	_ =	shalt  }
0x79: {  	_ =	shalt  }
0x7a: {  	_ =	shalt  }
0x7b: {  	_ =	shalt  }
0x7c: {  	_ =	shalt  }
0x7d: {  	_ =	shalt  }
0x7e: {  	_ =	shalt  }
0x7f: {  	_ =	shalt  }
0x80: {  	_ =	shalt  }
0x81: {  	_ =	shalt  }
0x82: {  	_ =	shalt  }
0x83: {  	_ =	shalt  }
0x84: {  	_ =	shalt  }
0x85: {  	_ =	shalt  }
0x86: {  	_ =	shalt  }
0x87: {  	_ =	shalt  }
.Lfunc_end0:
.L_simem_size_0:
called_computation_lowered:
.L_overlay_start_0:
0x88: {  	s2 =	sld [smem:$0x3FD9]  }
0x89: {  	s3 =	sld [smem:$0x3FFE];
	_ =	sdelay $0x1  }
0x8a: {  	s1 =	srdreg.scid  }
0x8b: {  	s0 =	sand.u32 $0x1, s1  }
0x8c: {  	s17 =	sshll.u32 s0, $0xA;
	s2 =	sadd.s32 s3, s2  }
0x8d: {  	s2 =	sadd.s32 s2, s17  }
0x8e: {  	[smem:$0x3FC0] =	sst s2  }
0x8f: {  	_ = 	snop  }
0x90: {  	s2 =	sld [smem:$0x3FC9]  }
0x91: {  	s18 =	sld [smem:$0x3FD0];
	(tm) =	ssettm $0x1  }
0x92: {  	s4 =	sld [smem:$0x3FFB];
	_ =	sdelay $0x3  }
0x93: {  	_ =	strace s4  }
0x94: {  	s4 =	sld [smem:$0x3FFC];
	_ =	sdelay $0x3  }
0x95: {  	_ =	strace s4  }
0x96: {  	s4 =	sld [smem:$0x3FFD];
	_ =	sdelay $0x3  }
0x97: {  	_ =	strace s4  }
0x98: {  	_ =	strace $0x8FFFFFFF  }
0x99: {  	s19 =	sld [smem:$0x3FDB];
	_ =	sdelay $0x1  }
0x9a: {  	s5 =	simm.s32 $_scs_section_size  }
0x9b: {  	s6 =	simm.s32 $_size__tile_overlayer_lowered;
	s7 =	simm.s32 $_tile_overlayer_lowered  }
0x9c: {  	s22 =	simm.s32 $0x1BFF;
	s21 =	sshll.u32 s7, $0x1;
	s4 =	sadd.s32 s5, s19  }
0x9d: {  	s8 =	simm.s32 $0x0;
	s20 =	sshll.u32 s6, $0x1;
	s6 =	sadd.s32 s21, s4  }
0x9e: {  	[timem:s8], [sflag:s22] =	dma.local [hbm:s6], s20  }
0x9f: {  	_ =	swait.ge [sflag:s22], s20  }
0xa0: {  	s5 =	ssub.s32 $0x0, s20;
	[sflag:s22] =	ssyncset.done $0x0  }
0xa1: {  	[sflag:s22] =	ssyncadd.s32 s5;
	_ =	sdelay $0x1  }
0xa2: {  	s23 =	simm.s32 $0x1B8B  }
0xa3: {  	_ =	swait.ge [sflag:s23], $0x1  }
0xa4: {  	[sflag:s23] =	ssyncset.done $0x0  }
0xa5: {  	s25 =	simm.s32 $0x1B8E;
	s24 =	sld [smem:$0x3FFE];
	[sflag:s23] =	ssyncadd.s32 $0xFFFFFFFF  }
0xa6: {  	s26 =	simm.s32 $execute0_lowered;
	[smem:$0x3FD2] =	sst s25  }
0xa7: {  	s6 =	sshll.u32 s26, $0x1;
	_ =	strace $0x80000046;
	[dreg:$0x1] =	wrdreg $0xFFFFFFFF  }
0xa8: {  	s28 =	simm.s32 $_size_execute0_lowered;
	s4 =	sadd.s32 s4, s6;
	[dreg:$0x0] =	wrdreg $0x0  }
0xa9: {  	s6 =	sshll.u32 s28, $0x1;
	[dreg:$0x2] =	wrdreg s4  }
0xaa: {  	[dreg:$0x3] =	wrdreg s6  }
0xab: {  	[dreg:$0x4] =	wrdreg $0xC0  }
0xac: {  	_ =	task [dreg:s8], $0x5FFFF  }
0xad: {  	[dreg:$0x1] =	wrdreg $0xFFFFFFFF  }
0xae: {  	[dreg:$0x0] =	wrdreg $0x60  }
0xaf: {  	[dreg:$0x2] =	wrdreg s2  }
0xb0: {  	[dreg:$0x3] =	wrdreg s24  }
0xb1: {  	[dreg:$0x4] =	wrdreg s18  }
0xb2: {  	[dreg:$0x5] =	wrdreg $0xA8000  }
0xb3: {  	[dreg:$0x6] =	wrdreg $0x1EB000  }
0xb4: {  	[dreg:$0x7] =	wrdreg $0x9  }
0xb5: {  	_ =	task.clear_ibuf [dreg:s8], $0x8FFFF;
	_ =	strace $0x90000046  }
0xb6: {  	s29 =	simm.s32 $0x9;
	_ =	strace $0x80000048  }
0xb7: {  	_ =	swait.ge [sflag:s29], $0x1  }
0xb8: {  	[sflag:s29] =	ssyncadd.s32 $0xFFFFFFFF  }
0xb9: {  	_ =	strace $0x90000048  }
0xba: {  	_ =	sfence  }
0xbb: {  	s30 =	sld [smem:$0x0];
	_ =	sdelay $0x2  }
0xbc: {  	s31 =	sshll.u32 s1, $0xD;
	s1 =	sshrl.u32 s1, $0x2  }
0xbd: {  	s3 =	sand.u32 $0x4000, s31;
	s1 =	sadd.s32 s1, s30  }
0xbe: {  	s0 =	sor.u32 s3, s0;
	s1 =	sshll.u32 s1, $0x11  }
0xbf: {  	s0 =	sor.u32 s1, s0  }
0xc0: {  	s0 =	sadd.s32 $0x8F2B, s0  }
0xc1: {  	[sflag:s0] =	ssyncadd.remote.s32 $0x1  }
0xc2: {  	_ =	sfence.sel $0xFFFF  }
0xc3: {  	[dreg:$0x0] =	wrdreg $0xFFFFFFFF;
	(pc) =	sbr.abs _section_cstart, $3  }
0xc4: {  	[dreg:$0x1] =	wrdreg $0xFFFFFFFF  }
0xc5: {  	_ =	task.clear_ibuf [dreg:s8], $0x2FFFF;
	_ =	strace $0x9FFFFFFF  }
0xc6: {  	(tm) =	ssettm $0x7FFFFFFF  }
0xc7: {  	_ =	shalt  }
tec
execute0_lowered:
.L_overlay_start_1:
0x0: {  	(tag) =	ssettag $0x1  }
0x1: {  	s1 =	rddreg [dreg:$0x0]  }
0x2: {  	s6 =	rddreg [dreg:$0x1]  }
0x3: {  	s0 =	srdreg.scid;
	s15 =	rddreg [dreg:$0x2]  }
0x4: {  	s5 =	simm.s32 $0x0;
	s18 =	simm.s32 $0x3;
	s20 =	simm.s32 $0x80  }
0x5: {  	s21 =	simm.s32 $0x6800;
	s22 =	simm.s32 $0x1;
	s2 =	sand.u32 $0x1, s0  }
0x6: {  	s23 =	simm.s32 $0x1E800;
	s0 =	stileid.u32;
	s8 =	smul.u32 $0x140000, s2  }
0x7: {  	s28 =	simm.s32 $0x20;
	s29 =	simm.s32 $0x10;
	s9 =	smul.u32 $0x14000, s0  }
0x8: {  	s30 =	simm.s32 $0x0;
	[smem:$0x7FF] =	sst s5;
	s10 =	smul.u32 $0x50000, s0  }
0x9: {  	s3 =	sshll.u32 s2, $0x4;
	s25 =	ssub.s32 $0x2, s2;
	s11 =	smul.u32 $0xA00, s0  }
0xa: {  	s17 =	smul.u32 $0x500, s0;
	s2 =	sshll.u32 s2, $0x7;
	s4 =	sor.u32 s0, s3  }
0xb: {  	s3 =	rddreg [dreg:$0x3];
	s31 =	sshrl.u32 s25, $0x1;
	s7 =	smul.u32 $0x5000, s4  }
0xc: {  	s4 =	rddreg [dreg:$0x4];
	_ =	strace $0x80000047;
	s24 =	sadd.s32 s9, s8  }
0xd: {  	s26 =	sshrl.u32 s10, $0x2;
	s16 =	ssub.s32 s25, s31;
	s11 =	sshrl.u32 s11, $0x2  }
0xe: {  	s2 =	sor.u32 s2, s17;
	s17 =	simm.s32 $0x2800;
	s25 =	simm.s32 $0x2700  }
0xf: {  	s11 =	sadd.s32 s11, s4;
	s2 =	sshrl.u32 s2, $0x3;
	s7 =	sshrl.u32 s7, $0x3  }
0x10: {  	s16 =	smax.u32 s16, $0x1;
	s13 =	sadd.s32 s7, s6;
	s7 =	sshrl.u32 s24, $0x3  }
0x11: {  	s15 =	sadd.s32 s15, s2;
	s24 =	simm.s32 $0x2;
	s14 =	sadd.s32 s7, s6  }
0x12: {  	s6 =	sadd.s32 s26, s3;
	s12 =	sadd.s32 $0x2800, s13;
	s13 =	sadd.s32 $0x2D00, s13  }
0x13: {  	s26 =	simm.s32 $0x2780;
	s7 =	sadd.s32 $0x4000, s6;
	s8 =	sadd.s32 $0x8000, s6  }
0x14: {  	v0 =	vimm.f32 $0.0e+00;
	v1 =	vimm.f32 $1.000000000e+00;
	s9 =	sadd.s32 $0xC000, s6;
	s10 =	sadd.s32 $0x10000, s6;
	s14 =	sadd.s32 $0x16800, s14  }
.LBB2_1:
0x15: {  	s31 =	simm.s32 $0x0;
	s2 =	simm.s32 $0x200  }
.LBB2_2:
0x16: {  	p0 =	sne.s32 s2, $0xFE00;
	[tilespmem:s31+$0x2870] =	vst v0  }
0x17: {  	[tilespmem:s31+$0x2800] =	vst v0  }
0x18: {  	[tilespmem:s31+$0x2810] =	vst v0  }
.Ltmp0:
0x19: {  	[tilespmem:s31+$0x2820] =	vst v0;
	(pc) =	sbr.rel @p0 .LBB2_2-.Ltmp0, $4  }
0x1a: {  	[tilespmem:s31+$0x2830] =	vst v0  }
0x1b: {  	[tilespmem:s31+$0x2840] =	vst v0  }
0x1c: {  	[tilespmem:s31+$0x2850] =	vst v0  }
0x1d: {  	[tilespmem:s31+$0x2860] =	vst v0;
	s31 =	sshra.s32 s2, $0x2;
	s2 =	sadd.s32 $0x200, s2  }
0x1e: {  	[tilespmem:s31+$0x2870] =	vst v0  }
0x1f: {  	[tilespmem:s31+$0x2800] =	vst v0  }
0x20: {  	[tilespmem:s31+$0x2810] =	vst v0  }
0x21: {  	[tilespmem:s31+$0x2820] =	vst v0  }
0x22: {  	[tilespmem:s31+$0x2830] =	vst v0  }
0x23: {  	[tilespmem:s31+$0x2840] =	vst v0  }
0x24: {  	[tilespmem:s31+$0x2850] =	vst v0  }
0x25: {  	[tilespmem:s31+$0x2860] =	vst v0  }
0x26: {  	[spmem:s6] =	stream.linear.scatter [tilespmem:s17], [sflag:$0x3], $0x4000, $0x38;
	[tilespmem:$0x1ED80] =	vst v63  }
0x27: {  	_ =	swait.ge [sflag:s18], $0x4000  }
0x28: {  	[sflag:s18] =	ssyncset.done $0x0  }
0x29: {  	[sflag:s18] =	ssyncadd.s32 $0xFFFFC000  }
0x2a: {  	[spmem:s7] =	stream.linear.scatter [tilespmem:s17], [sflag:$0x3], $0x4000, $0x38;
	[tilespmem:$0x1ED80] =	vst v63  }
0x2b: {  	_ =	swait.ge [sflag:s18], $0x4000  }
0x2c: {  	[sflag:s18] =	ssyncset.done $0x0  }
0x2d: {  	[sflag:s18] =	ssyncadd.s32 $0xFFFFC000  }
0x2e: {  	[spmem:s8] =	stream.linear.scatter [tilespmem:s17], [sflag:$0x3], $0x4000, $0x38;
	[tilespmem:$0x1ED80] =	vst v63  }
0x2f: {  	_ =	swait.ge [sflag:s18], $0x4000  }
0x30: {  	[sflag:s18] =	ssyncset.done $0x0  }
0x31: {  	[sflag:s18] =	ssyncadd.s32 $0xFFFFC000  }
0x32: {  	[spmem:s9] =	stream.linear.scatter [tilespmem:s17], [sflag:$0x3], $0x4000, $0x38;
	[tilespmem:$0x1ED80] =	vst v63  }
0x33: {  	_ =	swait.ge [sflag:s18], $0x4000  }
0x34: {  	[sflag:s18] =	ssyncset.done $0x0  }
0x35: {  	[sflag:s18] =	ssyncadd.s32 $0xFFFFC000  }
0x36: {  	[spmem:s10] =	stream.linear.scatter [tilespmem:s17], [sflag:$0x3], $0x4000, $0x38;
	[tilespmem:$0x1ED80] =	vst v63  }
0x37: {  	_ =	swait.ge [sflag:s18], $0x4000  }
0x38: {  	[sflag:s18] =	ssyncset.done $0x0  }
0x39: {  	[sflag:s18] =	ssyncadd.s32 $0xFFFFC000  }
0x3a: {  	[tilespmem:$0x1E880] =	vst v0  }
0x3b: {  	[tilespmem:$0x1E890] =	vst v0  }
0x3c: {  	[tilespmem:$0x1E8A0] =	vst v0  }
0x3d: {  	[tilespmem:$0x1E8B0] =	vst v0  }
0x3e: {  	[tilespmem:$0x1E8C0] =	vst v0  }
0x3f: {  	[tilespmem:$0x1E8D0] =	vst v0  }
0x40: {  	[tilespmem:$0x1E8E0] =	vst v0  }
0x41: {  	[tilespmem:$0x1E8F0] =	vst v0  }
0x42: {  	[tilespmem:$0x1E900] =	vst v0  }
0x43: {  	[tilespmem:$0x1E910] =	vst v0  }
0x44: {  	[tilespmem:$0x1E920] =	vst v0  }
0x45: {  	[tilespmem:$0x1E930] =	vst v0  }
0x46: {  	[tilespmem:$0x1E940] =	vst v0  }
0x47: {  	[tilespmem:$0x1E950] =	vst v0  }
0x48: {  	[tilespmem:$0x1E960] =	vst v0  }
0x49: {  	[tilespmem:$0x1E970] =	vst v0  }
0x4a: {  	[tilespmem:$0x1E980] =	vst v0  }
0x4b: {  	[tilespmem:$0x1E990] =	vst v0  }
0x4c: {  	[tilespmem:$0x1E9A0] =	vst v0  }
0x4d: {  	[tilespmem:$0x1E9B0] =	vst v0  }
0x4e: {  	[tilespmem:$0x1E9C0] =	vst v0  }
0x4f: {  	[tilespmem:$0x1E9D0] =	vst v0  }
0x50: {  	[tilespmem:$0x1E9E0] =	vst v0  }
0x51: {  	[tilespmem:$0x1E9F0] =	vst v0  }
0x52: {  	[tilespmem:$0x1EA00] =	vst v0  }
0x53: {  	[tilespmem:$0x1EA10] =	vst v0  }
0x54: {  	[tilespmem:$0x1EA20] =	vst v0  }
0x55: {  	[tilespmem:$0x1EA30] =	vst v0  }
0x56: {  	[tilespmem:$0x1EA40] =	vst v0  }
0x57: {  	[tilespmem:$0x1EA50] =	vst v0  }
0x58: {  	[tilespmem:$0x1EA60] =	vst v0  }
0x59: {  	[tilespmem:$0x1EA70] =	vst v0  }
0x5a: {  	[tilespmem:$0x1EA80] =	vst v0  }
0x5b: {  	[tilespmem:$0x1EA90] =	vst v0  }
0x5c: {  	[tilespmem:$0x1EAA0] =	vst v0  }
0x5d: {  	[tilespmem:$0x1EAB0] =	vst v0  }
0x5e: {  	[tilespmem:$0x1EAC0] =	vst v0  }
0x5f: {  	[tilespmem:$0x1EAD0] =	vst v0  }
0x60: {  	[tilespmem:$0x1EAE0] =	vst v0  }
0x61: {  	s2 =	simm.s32 $0x1E880;
	[tilespmem:$0x1EAF0] =	vst v0  }
0x62: {  	[spmem:s11] =	stream.linear.scatter [tilespmem:s2], [sflag:$0x3], $0x280, $0x38;
	[tilespmem:$0x1ED80] =	vst v63  }
0x63: {  	_ =	swait.ge [sflag:s18], $0x280  }
0x64: {  	[sflag:s18] =	ssyncset.done $0x0  }
0x65: {  	[sflag:s18] =	ssyncadd.s32 $0xFFFFFD80  }
0x66: {  	[tilespmem:$0x1E800] =	vst v1  }
0x67: {  	[tilespmem:$0x1E810] =	vst v1  }
0x68: {  	[tilespmem:$0x1E820] =	vst v1  }
0x69: {  	[tilespmem:$0x1E830] =	vst v1  }
0x6a: {  	[tilespmem:$0x1E840] =	vst v1  }
0x6b: {  	[tilespmem:$0x1E850] =	vst v1  }
0x6c: {  	[tilespmem:$0x1E860] =	vst v1  }
0x6d: {  	[tilespmem:$0x1E870] =	vst v1  }
0x6e: {  	[tilespmem:s5], [sflag:$0x3] =	stream.linear.gather [hbm4b:s12+s5], $0x2800, $0x38;
	[tilespmem:$0x1ED80] =	vst v63  }
0x6f: {  	_ =	swait.ge [sflag:s18], $0x2800  }
0x70: {  	[sflag:s18] =	ssyncset.done $0x0  }
0x71: {  	[sflag:s18] =	ssyncadd.s32 $0xFFFFD800  }
0x72: {  	[tilespmem:s17], [sflag:$0x1] =	stream.indirect.gather [hbm4b:s1+s20], $0x80, s5, s20, $0xb8;
	[tilespmem:$0x1ED80] =	vst v63  }
0x73: {  	_ = 	snop  }
0x74: {  	[tilespmem:s21], [sflag:$0x2] =	stream.indirect.gather [hbm4b:s1+s20], $0x80, s20, s20, $0xb8;
	[tilespmem:$0x1ED80] =	vst v63  }
0x75: {  	[bflag:$0x0] =	sbarrier.arrive $0xFFFF  }
0x76: {  	_ =	swait.ge [sflag:s22], $0x4000  }
0x77: {  	[sflag:s22] =	ssyncset.done $0x0  }
0x78: {  	s19 =	simm.s32 $0x1400;
	[sflag:s22] =	ssyncadd.s32 $0xFFFFC000  }
0x79: {  	[spmem:s3] =	stream.indirect.scatter.add.f32 [tilespmem:s17], [sflag:$0x3], $0x80, s19, s20, $0xb8;
	[tilespmem:$0x1ED80] =	vst v63  }
0x7a: {  	_ =	swait.ge [sflag:s18], $0x4000  }
0x7b: {  	[sflag:s18] =	ssyncset.done $0x0  }
0x7c: {  	[sflag:s18] =	ssyncadd.s32 $0xFFFFC000  }
0x7d: {  	[spmem:s4] =	stream.indirect.scatter.add.f32 [tilespmem:s23], [sflag:$0x3], $0x1, s19, s20, $0xb8;
	[tilespmem:$0x1ED80] =	vst v63  }
0x7e: {  	_ =	swait.ge [sflag:s18], $0x80  }
0x7f: {  	[sflag:s18] =	ssyncset.done $0x0  }
0x80: {  	s19 =	simm.s32 $0x100;
	[sflag:s18] =	ssyncadd.s32 $0xFFFFFF80  }
0x81: {  	[tilespmem:s17], [sflag:$0x1] =	stream.indirect.gather [hbm4b:s1+s20], $0x80, s19, s20, $0xb8;
	[tilespmem:$0x1ED80] =	vst v63  }
0x82: {  	_ =	swait.ge [sflag:s24], $0x4000  }
0x83: {  	[sflag:s24] =	ssyncset.done $0x0  }
0x84: {  	s19 =	simm.s32 $0x1480;
	[sflag:s24] =	ssyncadd.s32 $0xFFFFC000  }
0x85: {  	[spmem:s3] =	stream.indirect.scatter.add.f32 [tilespmem:s21], [sflag:$0x3], $0x80, s19, s20, $0xb8;
	[tilespmem:$0x1ED80] =	vst v63  }
0x86: {  	_ =	swait.ge [sflag:s18], $0x4000  }
0x87: {  	[sflag:s18] =	ssyncset.done $0x0  }
0x88: {  	[sflag:s18] =	ssyncadd.s32 $0xFFFFC000  }
0x89: {  	[spmem:s4] =	stream.indirect.scatter.add.f32 [tilespmem:s23], [sflag:$0x3], $0x1, s19, s20, $0xb8;
	[tilespmem:$0x1ED80] =	vst v63  }
0x8a: {  	_ =	swait.ge [sflag:s18], $0x80  }
0x8b: {  	[sflag:s18] =	ssyncset.done $0x0  }
0x8c: {  	s31 =	simm.s32 $0x800;
	s2 =	simm.s32 $0x180;
	[sflag:s18] =	ssyncadd.s32 $0xFFFFFF80  }
.LBB2_4:
0x8d: {  	[tilespmem:s21], [sflag:$0x2] =	stream.indirect.gather [hbm4b:s1+s20], $0x80, s2, s20, $0xb8;
	[tilespmem:$0x1ED80] =	vst v63  }
0x8e: {  	s2 =	smov.u32 s31  }
0x8f: {  	p0 =	sne.s32 s31, $0x4C00;
	s31 =	sadd.s32 $0x400, s31;
	_ =	swait.ge [sflag:s22], $0x4000  }
0x90: {  	s2 =	sshra.s32 s2, $0x2;
	[sflag:s22] =	ssyncset.done $0x0  }
0x91: {  	s19 =	sadd.s32 $0x1300, s2;
	[sflag:s22] =	ssyncadd.s32 $0xFFFFC000  }
0x92: {  	[spmem:s3] =	stream.indirect.scatter.add.f32 [tilespmem:s17], [sflag:$0x3], $0x80, s19, s20, $0xb8;
	[tilespmem:$0x1ED80] =	vst v63  }
0x93: {  	_ =	swait.ge [sflag:s18], $0x4000  }
0x94: {  	[sflag:s18] =	ssyncset.done $0x0  }
0x95: {  	[sflag:s18] =	ssyncadd.s32 $0xFFFFC000  }
0x96: {  	[spmem:s4] =	stream.indirect.scatter.add.f32 [tilespmem:s23], [sflag:$0x3], $0x1, s19, s20, $0xb8;
	[tilespmem:$0x1ED80] =	vst v63  }
0x97: {  	_ =	swait.ge [sflag:s18], $0x80  }
0x98: {  	[sflag:s18] =	ssyncset.done $0x0  }
0x99: {  	[sflag:s18] =	ssyncadd.s32 $0xFFFFFF80  }
0x9a: {  	[tilespmem:s17], [sflag:$0x1] =	stream.indirect.gather [hbm4b:s1+s20], $0x80, s2, s20, $0xb8;
	[tilespmem:$0x1ED80] =	vst v63  }
0x9b: {  	_ =	swait.ge [sflag:s24], $0x4000  }
0x9c: {  	[sflag:s24] =	ssyncset.done $0x0  }
0x9d: {  	s19 =	sadd.s32 $0x1380, s2;
	[sflag:s24] =	ssyncadd.s32 $0xFFFFC000  }
0x9e: {  	[spmem:s3] =	stream.indirect.scatter.add.f32 [tilespmem:s21], [sflag:$0x3], $0x80, s19, s20, $0xb8;
	[tilespmem:$0x1ED80] =	vst v63  }
0x9f: {  	_ =	swait.ge [sflag:s18], $0x4000  }
0xa0: {  	[sflag:s18] =	ssyncset.done $0x0  }
.Ltmp1:
0xa1: {  	[sflag:s18] =	ssyncadd.s32 $0xFFFFC000;
	(pc) =	sbr.rel @p0 .LBB2_4-.Ltmp1, $4  }
0xa2: {  	[spmem:s4] =	stream.indirect.scatter.add.f32 [tilespmem:s23], [sflag:$0x3], $0x1, s19, s20, $0xb8;
	[tilespmem:$0x1ED80] =	vst v63  }
0xa3: {  	_ =	swait.ge [sflag:s18], $0x80  }
0xa4: {  	[sflag:s18] =	ssyncset.done $0x0  }
0xa5: {  	s2 =	sadd.s32 $0x80, s2;
	[sflag:s18] =	ssyncadd.s32 $0xFFFFFF80  }
0xa6: {  	[tilespmem:s21], [sflag:$0x2] =	stream.indirect.gather [hbm4b:s1+s20], $0x80, s2, s20, $0xb8;
	[tilespmem:$0x1ED80] =	vst v63  }
0xa7: {  	_ =	swait.ge [sflag:s22], $0x4000  }
0xa8: {  	[sflag:s22] =	ssyncset.done $0x0  }
0xa9: {  	[sflag:s22] =	ssyncadd.s32 $0xFFFFC000  }
0xaa: {  	[spmem:s3] =	stream.indirect.scatter.add.f32 [tilespmem:s17], [sflag:$0x3], $0x80, s25, s20, $0xb8;
	[tilespmem:$0x1ED80] =	vst v63  }
0xab: {  	_ =	swait.ge [sflag:s18], $0x4000  }
0xac: {  	[sflag:s18] =	ssyncset.done $0x0  }
0xad: {  	[sflag:s18] =	ssyncadd.s32 $0xFFFFC000  }
0xae: {  	[spmem:s4] =	stream.indirect.scatter.add.f32 [tilespmem:s23], [sflag:$0x3], $0x1, s25, s20, $0xb8;
	[tilespmem:$0x1ED80] =	vst v63  }
0xaf: {  	_ =	swait.ge [sflag:s18], $0x80  }
0xb0: {  	[sflag:s18] =	ssyncset.done $0x0  }
0xb1: {  	[sflag:s18] =	ssyncadd.s32 $0xFFFFFF80  }
0xb2: {  	_ =	swait.ge [sflag:s24], $0x4000  }
0xb3: {  	[sflag:s24] =	ssyncset.done $0x0  }
0xb4: {  	[sflag:s24] =	ssyncadd.s32 $0xFFFFC000  }
0xb5: {  	[spmem:s3] =	stream.indirect.scatter.add.f32 [tilespmem:s21], [sflag:$0x3], $0x80, s26, s20, $0xb8;
	[tilespmem:$0x1ED80] =	vst v63  }
0xb6: {  	_ =	swait.ge [sflag:s18], $0x4000  }
0xb7: {  	[sflag:s18] =	ssyncset.done $0x0  }
0xb8: {  	[sflag:s18] =	ssyncadd.s32 $0xFFFFC000  }
0xb9: {  	[spmem:s4] =	stream.indirect.scatter.add.f32 [tilespmem:s23], [sflag:$0x3], $0x1, s26, s20, $0xb8;
	[tilespmem:$0x1ED80] =	vst v63  }
0xba: {  	_ =	swait.ge [sflag:s18], $0x80  }
0xbb: {  	[sflag:s18] =	ssyncset.done $0x0  }
0xbc: {  	[sflag:s18] =	ssyncadd.s32 $0xFFFFFF80  }
0xbd: {  	[tilespmem:s5], [sflag:$0x3] =	stream.linear.gather [hbm4b:s13+s5], $0x2800, $0x38;
	[tilespmem:$0x1ED80] =	vst v63  }
0xbe: {  	_ =	swait.ge [sflag:s18], $0x2800  }
0xbf: {  	[sflag:s18] =	ssyncset.done $0x0  }
0xc0: {  	[sflag:s18] =	ssyncadd.s32 $0xFFFFD800  }
0xc1: {  	[tilespmem:s17], [sflag:$0x1] =	stream.indirect.gather [hbm4b:s1+s20], $0x80, s5, s20, $0xb8;
	[tilespmem:$0x1ED80] =	vst v63  }
0xc2: {  	_ = 	snop  }
0xc3: {  	[tilespmem:s21], [sflag:$0x2] =	stream.indirect.gather [hbm4b:s1+s20], $0x80, s20, s20, $0xb8;
	[tilespmem:$0x1ED80] =	vst v63  }
0xc4: {  	_ =	swait.ge [sflag:s22], $0x4000  }
0xc5: {  	[sflag:s22] =	ssyncset.done $0x0  }
0xc6: {  	s19 =	simm.s32 $0x1400;
	[sflag:s22] =	ssyncadd.s32 $0xFFFFC000  }
0xc7: {  	[spmem:s3] =	stream.indirect.scatter.add.f32 [tilespmem:s17], [sflag:$0x3], $0x80, s19, s20, $0xb8;
	[tilespmem:$0x1ED80] =	vst v63  }
0xc8: {  	_ =	swait.ge [sflag:s18], $0x4000  }
0xc9: {  	[sflag:s18] =	ssyncset.done $0x0  }
0xca: {  	[sflag:s18] =	ssyncadd.s32 $0xFFFFC000  }
0xcb: {  	[spmem:s4] =	stream.indirect.scatter.add.f32 [tilespmem:s23], [sflag:$0x3], $0x1, s19, s20, $0xb8;
	[tilespmem:$0x1ED80] =	vst v63  }
0xcc: {  	_ =	swait.ge [sflag:s18], $0x80  }
0xcd: {  	[sflag:s18] =	ssyncset.done $0x0  }
0xce: {  	s19 =	simm.s32 $0x100;
	[sflag:s18] =	ssyncadd.s32 $0xFFFFFF80  }
0xcf: {  	[tilespmem:s17], [sflag:$0x1] =	stream.indirect.gather [hbm4b:s1+s20], $0x80, s19, s20, $0xb8;
	[tilespmem:$0x1ED80] =	vst v63  }
0xd0: {  	_ =	swait.ge [sflag:s24], $0x4000  }
0xd1: {  	[sflag:s24] =	ssyncset.done $0x0  }
0xd2: {  	s19 =	simm.s32 $0x1480;
	[sflag:s24] =	ssyncadd.s32 $0xFFFFC000  }
0xd3: {  	[spmem:s3] =	stream.indirect.scatter.add.f32 [tilespmem:s21], [sflag:$0x3], $0x80, s19, s20, $0xb8;
	[tilespmem:$0x1ED80] =	vst v63  }
0xd4: {  	_ =	swait.ge [sflag:s18], $0x4000  }
0xd5: {  	[sflag:s18] =	ssyncset.done $0x0  }
0xd6: {  	[sflag:s18] =	ssyncadd.s32 $0xFFFFC000  }
0xd7: {  	[spmem:s4] =	stream.indirect.scatter.add.f32 [tilespmem:s23], [sflag:$0x3], $0x1, s19, s20, $0xb8;
	[tilespmem:$0x1ED80] =	vst v63  }
0xd8: {  	_ =	swait.ge [sflag:s18], $0x80  }
0xd9: {  	[sflag:s18] =	ssyncset.done $0x0  }
0xda: {  	s31 =	simm.s32 $0x800;
	s2 =	simm.s32 $0x180;
	[sflag:s18] =	ssyncadd.s32 $0xFFFFFF80  }
.LBB2_6:
0xdb: {  	[tilespmem:s21], [sflag:$0x2] =	stream.indirect.gather [hbm4b:s1+s20], $0x80, s2, s20, $0xb8;
	[tilespmem:$0x1ED80] =	vst v63  }
0xdc: {  	s2 =	smov.u32 s31  }
0xdd: {  	p0 =	sne.s32 s31, $0x4C00;
	s31 =	sadd.s32 $0x400, s31;
	_ =	swait.ge [sflag:s22], $0x4000  }
0xde: {  	s2 =	sshra.s32 s2, $0x2;
	[sflag:s22] =	ssyncset.done $0x0  }
0xdf: {  	s19 =	sadd.s32 $0x1300, s2;
	[sflag:s22] =	ssyncadd.s32 $0xFFFFC000  }
0xe0: {  	[spmem:s3] =	stream.indirect.scatter.add.f32 [tilespmem:s17], [sflag:$0x3], $0x80, s19, s20, $0xb8;
	[tilespmem:$0x1ED80] =	vst v63  }
0xe1: {  	_ =	swait.ge [sflag:s18], $0x4000  }
0xe2: {  	[sflag:s18] =	ssyncset.done $0x0  }
0xe3: {  	[sflag:s18] =	ssyncadd.s32 $0xFFFFC000  }
0xe4: {  	[spmem:s4] =	stream.indirect.scatter.add.f32 [tilespmem:s23], [sflag:$0x3], $0x1, s19, s20, $0xb8;
	[tilespmem:$0x1ED80] =	vst v63  }
0xe5: {  	_ =	swait.ge [sflag:s18], $0x80  }
0xe6: {  	[sflag:s18] =	ssyncset.done $0x0  }
0xe7: {  	[sflag:s18] =	ssyncadd.s32 $0xFFFFFF80  }
0xe8: {  	[tilespmem:s17], [sflag:$0x1] =	stream.indirect.gather [hbm4b:s1+s20], $0x80, s2, s20, $0xb8;
	[tilespmem:$0x1ED80] =	vst v63  }
0xe9: {  	_ =	swait.ge [sflag:s24], $0x4000  }
0xea: {  	[sflag:s24] =	ssyncset.done $0x0  }
0xeb: {  	s19 =	sadd.s32 $0x1380, s2;
	[sflag:s24] =	ssyncadd.s32 $0xFFFFC000  }
0xec: {  	[spmem:s3] =	stream.indirect.scatter.add.f32 [tilespmem:s21], [sflag:$0x3], $0x80, s19, s20, $0xb8;
	[tilespmem:$0x1ED80] =	vst v63  }
0xed: {  	_ =	swait.ge [sflag:s18], $0x4000  }
0xee: {  	[sflag:s18] =	ssyncset.done $0x0  }
.Ltmp2:
0xef: {  	[sflag:s18] =	ssyncadd.s32 $0xFFFFC000;
	(pc) =	sbr.rel @p0 .LBB2_6-.Ltmp2, $4  }
0xf0: {  	[spmem:s4] =	stream.indirect.scatter.add.f32 [tilespmem:s23], [sflag:$0x3], $0x1, s19, s20, $0xb8;
	[tilespmem:$0x1ED80] =	vst v63  }
0xf1: {  	_ =	swait.ge [sflag:s18], $0x80  }
0xf2: {  	[sflag:s18] =	ssyncset.done $0x0  }
0xf3: {  	s2 =	sadd.s32 $0x80, s2;
	[sflag:s18] =	ssyncadd.s32 $0xFFFFFF80  }
0xf4: {  	[tilespmem:s21], [sflag:$0x2] =	stream.indirect.gather [hbm4b:s1+s20], $0x80, s2, s20, $0xb8;
	[tilespmem:$0x1ED80] =	vst v63  }
0xf5: {  	_ =	swait.ge [sflag:s22], $0x4000  }
0xf6: {  	[sflag:s22] =	ssyncset.done $0x0  }
0xf7: {  	[sflag:s22] =	ssyncadd.s32 $0xFFFFC000  }
0xf8: {  	[spmem:s3] =	stream.indirect.scatter.add.f32 [tilespmem:s17], [sflag:$0x3], $0x80, s25, s20, $0xb8;
	[tilespmem:$0x1ED80] =	vst v63  }
0xf9: {  	_ =	swait.ge [sflag:s18], $0x4000  }
0xfa: {  	[sflag:s18] =	ssyncset.done $0x0  }
0xfb: {  	[sflag:s18] =	ssyncadd.s32 $0xFFFFC000  }
0xfc: {  	[spmem:s4] =	stream.indirect.scatter.add.f32 [tilespmem:s23], [sflag:$0x3], $0x1, s25, s20, $0xb8;
	[tilespmem:$0x1ED80] =	vst v63  }
0xfd: {  	_ =	swait.ge [sflag:s18], $0x80  }
0xfe: {  	[sflag:s18] =	ssyncset.done $0x0  }
0xff: {  	[sflag:s18] =	ssyncadd.s32 $0xFFFFFF80  }
0x100: {  	_ =	swait.ge [sflag:s24], $0x4000  }
0x101: {  	[sflag:s24] =	ssyncset.done $0x0  }
0x102: {  	[sflag:s24] =	ssyncadd.s32 $0xFFFFC000  }
0x103: {  	[spmem:s3] =	stream.indirect.scatter.add.f32 [tilespmem:s21], [sflag:$0x3], $0x80, s26, s20, $0xb8;
	[tilespmem:$0x1ED80] =	vst v63  }
0x104: {  	_ =	swait.ge [sflag:s18], $0x4000  }
0x105: {  	[sflag:s18] =	ssyncset.done $0x0  }
0x106: {  	[sflag:s18] =	ssyncadd.s32 $0xFFFFC000  }
0x107: {  	[spmem:s4] =	stream.indirect.scatter.add.f32 [tilespmem:s23], [sflag:$0x3], $0x1, s26, s20, $0xb8;
	[tilespmem:$0x1ED80] =	vst v63  }
0x108: {  	_ =	swait.ge [sflag:s18], $0x80  }
0x109: {  	[sflag:s18] =	ssyncset.done $0x0  }
0x10a: {  	s19 =	sshll.u32 s0, $0x6;
	[sflag:s18] =	ssyncadd.s32 $0xFFFFFF80  }
0x10b: {  	s2 =	sor.u32 $0x1C03, s19;
	s19 =	sshrl.u32 s6, $0x3;
	[bflag:$0x0] =	sbarrier.arrive $0xFFFF  }
0x10c: {  	[hbm:s14], [sflag:s2] =	dma.local [spmem:s19], $0x2800  }
0x10d: {  	s30 =	sadd.s32 $0x1, s30;
	_ =	swait.ge [sflag:s18], $0x2800  }
0x10e: {  	p0 =	sne.s32 s30, s16;
	[sflag:s18] =	ssyncset.done $0x0  }
.Ltmp3:
0x10f: {  	s31 =	sshrl.u32 s11, $0x3;
	[sflag:s18] =	ssyncadd.s32 $0xFFFFD800;
	(pc) =	sbr.rel @p0 .LBB2_1-.Ltmp3, $4  }
0x110: {  	[hbm:s15@s28], [sflag:s2] =	dma.strided [spmem:s31@s29], $0x50, s22, $0x10   }
0x111: {  	_ =	swait.ge [sflag:s18], $0x50  }
0x112: {  	[sflag:s18] =	ssyncset.done $0x0  }
0x113: {  	[sflag:s18] =	ssyncadd.s32 $0xFFFFFFB0  }
0x114: {  	_ =	sfence.sel $0x180000  }
0x115: {  	[bflag:$0x0] =	sbarrier.arrive $0xFFFF  }
0x116: {  	_ =	strace $0x90000047  }
0x117: {  	[bflag:$0x2] =	sbarrier.arrive $0xFFFF  }
0x118: {  	p0 =	sne.s32 s0, $0x0;
	s0 =	rddreg [dreg:$0x5]  }
0x119: {  	s0 =	sadd.s32 @!p0 $0x100000, s0  }
0x11a: {  	[sflag:s0] =	ssyncadd.tile.s32 @!p0 $0x1;
	_ =	shalt  }
.Lfunc_end2:
_tile_overlayer_lowered:
.L_overlay_start_2:
0x11b: {  	(tag) =	ssettag $0x2  }
0x11c: {  	s0 =	rddreg [dreg:$0x0];
	s2 =	stileid.u32  }
0x11d: {  	s1 =	rddreg [dreg:$0x1];
	p0 =	sne.s32 s2, $0x0  }
0x11e: {  	s3 =	rddreg [dreg:$0x2];
	[bflag:$0x3] =	sbarrier.arrive $0xFFFF;
	s2 =	simm.s32 @!p0 $0x1C03  }
0x11f: {  	[timem:s3], [sflag:s2] =	dma.local @!p0 [hbm:s0], s1  }
0x120: {  	s0 =	simm.s32 @!p0 $0x3  }
0x121: {  	_ =	swait.ge @!p0 [sflag:s0], s1  }
0x122: {  	s1 =	ssub.s32 @!p0 $0x0, s1;
	[sflag:s0] =	ssyncset.done @!p0 $0x0  }
0x123: {  	[sflag:s0] =	ssyncadd.s32 @!p0 s1  }
0x124: {  	[bflag:$0x3] =	sbarrier.arrive $0xFFFF  }
0x125: {  	_ =	shalt  }

</sc_bundles>
